<compile_context>
chip_gen: v7x
topology: tpu7x:2x2x1
jax: 0.10.2.dev20260603
libtpu: 0.0.44.dev20260713+nightly
codegen_flags: <defaults>
</compile_context>

<pallas_src>
import functools

import jax
import jax.numpy as jnp
from jax import lax
from jax.experimental import pallas as pl
from jax.experimental.pallas import tpu as pltpu
from jax.experimental.pallas import tpu_sc as plsc

HEADS = 6


def _a1_body(x_ref, w_ref, o_ref):
    o_ref[...] = jax.lax.dot_general(
        w_ref[...].astype(jnp.bfloat16), x_ref[...].astype(jnp.bfloat16),
        (((1,), (0,)), ((), ())),
        preferred_element_type=jnp.float32).astype(jnp.bfloat16)


def _dwconv_flat(x, wdw, w_img):
    x = x.astype(jnp.bfloat16).astype(jnp.float32)
    c, hw = x.shape
    col = jax.lax.broadcasted_iota(jnp.int32, (1, hw), 1) % w_img
    mask_l = (col != 0).astype(x.dtype)
    mask_r = (col != (w_img - 1)).astype(x.dtype)
    zero_cache = {}

    def shifted(s):
        if s == 0:
            return x
        if s > 0:
            if s not in zero_cache:
                zero_cache[s] = jnp.zeros((c, s), x.dtype)
            return jnp.concatenate([x[:, s:], zero_cache[s]], axis=1)
        if -s not in zero_cache:
            zero_cache[-s] = jnp.zeros((c, -s), x.dtype)
        return jnp.concatenate([zero_cache[-s], x[:, :s]], axis=1)

    out = None
    for di in (-1, 0, 1):
        for dj in (-1, 0, 1):
            t = wdw[:, (di + 1) * 3 + (dj + 1)][:, None] * shifted(di * w_img + dj)
            if dj == 1:
                t = t * mask_r
            elif dj == -1:
                t = t * mask_l
            out = t if out is None else out + t
    return out


def _dw_tile(w_img, halo, cur_ref, prev_ref, nxt_ref, wdw_ref):
    tt = pl.program_id(2)
    ntt = pl.num_programs(2)
    nt = cur_ref.shape[1]
    mp = jnp.where(tt > 0, 1.0, 0.0).astype(jnp.float32)
    mn = jnp.where(tt < ntt - 1, 1.0, 0.0).astype(jnp.float32)
    x_ext = jnp.concatenate(
        [prev_ref[...].astype(jnp.float32) * mp,
         cur_ref[...].astype(jnp.float32),
         nxt_ref[...].astype(jnp.float32) * mn], axis=1)
    dw = _dwconv_flat(x_ext, wdw_ref[...], w_img)
    return dw[:, halo:halo + nt]


def _a2a_body(w_img, halo, qk_ref, prev_ref, nxt_ref, wdw_ref,
              dw_ref, ssq_ref):
    qk = _dw_tile(w_img, halo, qk_ref, prev_ref, nxt_ref, wdw_ref)
    cc = qk.shape[0] // 2
    q = qk[:cc]
    k = qk[cc:]
    dw_ref[...] = qk
    s = jnp.concatenate(
        [jnp.sum(q * q, axis=1)[None, :], jnp.sum(k * k, axis=1)[None, :]],
        axis=0)
    tt = pl.program_id(2)

    @pl.when(tt == 0)
    def _():
        ssq_ref[...] = s

    @pl.when(tt > 0)
    def _():
        ssq_ref[...] += s


def _a2bv_body(w_img, halo, qk_ref, rn_ref, v_ref, prev_ref, nxt_ref,
               wdw_ref, gram_ref, o_ref):
    o_ref[...] = _dw_tile(w_img, halo, v_ref, prev_ref, nxt_ref,
                          wdw_ref).astype(jnp.bfloat16)
    cc = qk_ref.shape[0] // 2
    qn = (qk_ref[:cc] * rn_ref[0]).astype(jnp.bfloat16)
    kn = (qk_ref[cc:] * rn_ref[1]).astype(jnp.bfloat16)
    g = jax.lax.dot_general(
        qn, kn, (((1,), (1,)), ((), ())), preferred_element_type=jnp.float32)
    tt = pl.program_id(2)

    @pl.when(tt == 0)
    def _():
        gram_ref[...] = g

    @pl.when(tt > 0)
    def _():
        gram_ref[...] += g


def _xl_reduce(v, op):
    for sh in (8, 4, 2, 1):
        idx = lax.iota(jnp.int32, 16) ^ sh
        v = op(v, v.at[idx].get(mode="promise_in_bounds"))
    return v


def _make_spa_sc(bh, n, klist):
    nv = n // 16
    mesh = plsc.VectorSubcoreMesh(core_axis_name="c", subcore_axis_name="s")

    @functools.partial(
        pl.kernel, mesh=mesh,
        out_type=jax.ShapeDtypeStruct((bh, n), jnp.float32),
        scratch_types=[
            pltpu.VMEM((n,), jnp.float32),
            pltpu.VMEM((n,), jnp.int32),
            pltpu.VMEM((n,), jnp.float32),
            pltpu.VMEM((64,), jnp.float32),
        ],
    )
    def spa_sc(attn_hbm, skey_hbm, coef_hbm, out_hbm,
               attn_v, skey_v, out_v, coef_v):
        i32 = jnp.int32
        wid = lax.axis_index("s") * 2 + lax.axis_index("c")

        @pl.when(wid < bh)
        def _():
            pltpu.sync_copy(attn_hbm.at[wid], attn_v)
            pltpu.sync_copy(skey_hbm.at[wid], skey_v)
            pltpu.sync_copy(coef_hbm, coef_v)
            coefs = [coef_v[pl.ds(ki * 16, 16)] for ki in range(4)]

            def pass1(i, mv):
                return jnp.maximum(mv, attn_v[pl.ds(i * 16, 16)])

            mv = lax.fori_loop(0, nv, pass1,
                               jnp.full((16,), -3.4e38, jnp.float32))
            m_s = _xl_reduce(mv, jnp.maximum)

            ths = []
            for kk in klist:
                def bit_step(bi, t_u, kk=kk):
                    b = 31 - bi
                    t_try = t_u | (i32(1) << b)
                    t_cmp = t_try ^ i32(-0x80000000)

                    def count(i, cnt):
                        sv = skey_v[pl.ds(i * 16, 16)]
                        return cnt + jnp.where(sv >= t_cmp, 1, 0)

                    cnt = _xl_reduce(
                        lax.fori_loop(0, nv, count, jnp.zeros((16,), i32)),
                        jnp.add)
                    return jnp.where(cnt >= kk, t_try, t_u)

                t_u = lax.fori_loop(0, 32, bit_step, jnp.zeros((16,), i32))
                ths.append(t_u ^ i32(-0x80000000))

            def pass2(i, acc):
                a = attn_v[pl.ds(i * 16, 16)]
                sv = skey_v[pl.ds(i * 16, 16)]
                e = jnp.exp(a - m_s)
                out = []
                for ki in range(4):
                    z, zeq, cg, ce = acc[ki]
                    gt = sv > ths[ki]
                    eq = sv == ths[ki]
                    out.append((z + jnp.where(gt, e, 0.0),
                                zeq + jnp.where(eq, e, 0.0),
                                cg + jnp.where(gt, 1, 0),
                                ce + jnp.where(eq, 1, 0)))
                return tuple(out)

            zero = (jnp.zeros((16,), jnp.float32),
                    jnp.zeros((16,), jnp.float32),
                    jnp.zeros((16,), i32), jnp.zeros((16,), i32))
            acc = lax.fori_loop(0, nv, pass2, (zero, zero, zero, zero))

            wks = []
            for ki, kk in enumerate(klist):
                z, zeq, cg, ce = acc[ki]
                z_tot = _xl_reduce(z, jnp.add)
                zeq_tot = _xl_reduce(zeq, jnp.add)
                cgf = _xl_reduce(cg, jnp.add).astype(jnp.float32)
                cef = _xl_reduce(ce, jnp.add).astype(jnp.float32)
                e_th = zeq_tot / cef
                zz = z_tot + (kk - cgf) * e_th
                wks.append((coefs[ki] / zz,
                            coefs[ki] * (kk - cgf) / (cef * zz)))

            def pass3(i, carry):
                a = attn_v[pl.ds(i * 16, 16)]
                sv = skey_v[pl.ds(i * 16, 16)]
                e = jnp.exp(a - m_s)
                coeff = jnp.zeros((16,), jnp.float32)
                for ki in range(4):
                    coeff = coeff + jnp.where(sv > ths[ki], wks[ki][0], 0.0)
                    coeff = coeff + jnp.where(sv == ths[ki], wks[ki][1], 0.0)
                out_v[pl.ds(i * 16, 16)] = e * coeff
                return carry

            lax.fori_loop(0, nv, pass3, 0)
            pltpu.sync_copy(out_v, out_hbm.at[wid])

    return spa_sc


def _c_body(heads, gram_like_spa_ref, wpo_ref, v_ref, o_ref):
    spa = gram_like_spa_ref[...]
    cc = spa.shape[1]
    wpo = wpo_ref[...]
    cols = []
    for h in range(heads):
        cols.append(jax.lax.dot_general(
            wpo[:, h * cc:(h + 1) * cc].astype(jnp.bfloat16),
            spa[h].astype(jnp.bfloat16), (((1,), (0,)), ((), ())),
            preferred_element_type=jnp.float32))
    mmat = jnp.concatenate(cols, axis=1)
    o_ref[...] = jax.lax.dot_general(
        mmat.astype(jnp.bfloat16), v_ref[...],
        (((1,), (0,)), ((), ())),
        preferred_element_type=jnp.float32)


def _pick_tiles(hw):
    for nt in (14, 8, 7, 4, 2):
        if hw % nt == 0:
            return nt
    return 1


def _plan_dw_tiles(hw, w_img):
    halo = w_img
    while halo % 128 != 0 or halo <= w_img:
        halo += w_img
    best = None
    for ntile in range(1, 64):
        if hw % ntile:
            continue
        nt = hw // ntile
        if nt % halo:
            continue
        if nt * 64 * 4 <= 4 * 1024 * 1024 or best is None:
            best = (ntile, nt, halo)
            if nt * 64 * 4 <= 4 * 1024 * 1024:
                return best
    return best


def kernel(x_in, W_qkv, W_dw, W_po, temperature, attn1, attn2, attn3, attn4):
    b, dim, h_img, w_img = x_in.shape
    heads = HEADS
    cc = dim // heads
    hw = h_img * w_img
    f32 = jnp.float32

    base = jnp.arange(cc)
    perm = []
    for h in range(heads):
        perm.append(h * cc + base)
        perm.append(dim + h * cc + base)
    for h in range(heads):
        perm.append(2 * dim + h * cc + base)
    perm = jnp.concatenate(perm)

    w1 = W_qkv[:, :, 0, 0][perm]
    wdw = W_dw[:, 0].reshape(3 * dim, 9)[perm]
    wpo = W_po[:, :, 0, 0]

    x = x_in.reshape(b, dim, hw)
    ntile = _pick_tiles(hw)
    nt = hw // ntile

    qkv_pre = pl.pallas_call(
        _a1_body,
        grid=(b, ntile),
        in_specs=[
            pl.BlockSpec((None, dim, nt), lambda bb, tt: (bb, 0, tt)),
            pl.BlockSpec((3 * dim, dim), lambda bb, tt: (0, 0)),
        ],
        out_specs=pl.BlockSpec((None, 3 * dim, nt), lambda bb, tt: (bb, 0, tt)),
        out_shape=jax.ShapeDtypeStruct((b, 3 * dim, hw), jnp.bfloat16),
    )(x, w1)

    ntile2, nt2, halo = _plan_dw_tiles(hw, w_img)
    rr = nt2 // halo
    nhalo = hw // halo

    def _prev_idx(bb, hh, tt):
        return (bb, hh, jnp.maximum(tt * rr - 1, 0))

    def _nxt_idx(bb, hh, tt):
        return (bb, hh, jnp.minimum((tt + 1) * rr, nhalo - 1))

    qkdw, ssq = pl.pallas_call(
        functools.partial(_a2a_body, w_img, halo),
        grid=(b, heads, ntile2),
        in_specs=[
            pl.BlockSpec((None, 2 * cc, nt2), lambda bb, hh, tt: (bb, hh, tt)),
            pl.BlockSpec((None, 2 * cc, halo), _prev_idx),
            pl.BlockSpec((None, 2 * cc, halo), _nxt_idx),
            pl.BlockSpec((2 * cc, 9), lambda bb, hh, tt: (hh, 0)),
        ],
        out_specs=[
            pl.BlockSpec((None, 2 * cc, nt2), lambda bb, hh, tt: (bb, hh, tt)),
            pl.BlockSpec((None, 2, cc),
                         lambda bb, hh, tt: (bb * heads + hh, 0, 0)),
        ],
        out_shape=[
            jax.ShapeDtypeStruct((b, 2 * cc * heads, hw), f32),
            jax.ShapeDtypeStruct((b * heads, 2, cc), f32),
        ],
    )(qkv_pre, qkv_pre, qkv_pre, wdw)

    rnorm = (1.0 / jnp.maximum(jnp.sqrt(ssq), 1e-12))[..., None]

    def _prev_idx_v(bb, hh, tt):
        return (bb, 2 * heads + hh, jnp.maximum(tt * rr - 1, 0))

    def _nxt_idx_v(bb, hh, tt):
        return (bb, 2 * heads + hh, jnp.minimum((tt + 1) * rr, nhalo - 1))

    gram, v = pl.pallas_call(
        functools.partial(_a2bv_body, w_img, halo),
        grid=(b, heads, ntile2),
        in_specs=[
            pl.BlockSpec((None, 2 * cc, nt2), lambda bb, hh, tt: (bb, hh, tt)),
            pl.BlockSpec((None, 2, cc, 1),
                         lambda bb, hh, tt: (bb * heads + hh, 0, 0, 0)),
            pl.BlockSpec((None, cc, nt2),
                         lambda bb, hh, tt: (bb, 2 * heads + hh, tt)),
            pl.BlockSpec((None, cc, halo), _prev_idx_v),
            pl.BlockSpec((None, cc, halo), _nxt_idx_v),
            pl.BlockSpec((cc, 9), lambda bb, hh, tt: (2 * heads + hh, 0)),
        ],
        out_specs=[
            pl.BlockSpec((None, cc, cc),
                         lambda bb, hh, tt: (bb * heads + hh, 0, 0)),
            pl.BlockSpec((None, None, cc, nt2),
                         lambda bb, hh, tt: (bb, hh, 0, tt)),
        ],
        out_shape=[
            jax.ShapeDtypeStruct((b * heads, cc, cc), f32),
            jax.ShapeDtypeStruct((b, heads, cc, hw), jnp.bfloat16),
        ],
    )(qkdw, rnorm, qkv_pre, qkv_pre, qkv_pre, wdw)

    temp_b = jnp.broadcast_to(temperature[None, :, :, :],
                              (b, heads, 1, 1)).reshape(b * heads, 1, 1)
    coef = jnp.concatenate([attn1, attn2, attn3, attn4])
    attn_rows = (gram * temp_b).reshape(b * heads, cc * cc)
    klist = (cc * cc * 1 // 2, cc * cc * 2 // 3, cc * cc * 3 // 4,
             cc * cc * 4 // 5)
    coef_bc = jnp.broadcast_to(coef[:, None], (4, 16)).reshape(64)
    bits = jax.lax.bitcast_convert_type(attn_rows, jnp.int32)
    skey_rows = jnp.where(bits < 0, bits ^ jnp.int32(0x7FFFFFFF), bits)
    spa = _make_spa_sc(b * heads, cc * cc, klist)(
        attn_rows, skey_rows, coef_bc)

    v2 = v.reshape(b, dim, hw)
    spa_b = spa.reshape(b, heads, cc, cc)
    out = pl.pallas_call(
        functools.partial(_c_body, heads),
        grid=(b, ntile),
        in_specs=[
            pl.BlockSpec((None, heads, cc, cc), lambda bb, tt: (bb, 0, 0, 0)),
            pl.BlockSpec((dim, dim), lambda bb, tt: (0, 0)),
            pl.BlockSpec((None, dim, nt), lambda bb, tt: (bb, 0, tt)),
        ],
        out_specs=pl.BlockSpec((None, dim, nt), lambda bb, tt: (bb, 0, tt)),
        out_shape=jax.ShapeDtypeStruct((b, dim, hw), f32),
    )(spa_b, wpo, v2)

    return out.reshape(b, dim, h_img, w_img)

# --- scband reference (transcript-rebuilt; emitter-appended) ---
"""Pipeline reference for scband-ss-sa-14096082665922 (READ-ONLY COPY).

The authoritative reference and input builder live on the scoring server;
editing this copy changes nothing except your own understanding.
"""

import jax, jax.numpy as jnp
import numpy as np

B, DIM, HEADS, H, W = 2, 192, 6, 224, 224


def _conv(x, w, pad, groups):
    return jax.lax.conv_general_dilated(
        x, w, window_strides=(1, 1), padding=((pad, pad), (pad, pad)),
        feature_group_count=groups,
        dimension_numbers=('NCHW', 'OIHW', 'NCHW'))


def setup_inputs(seed: int = 0) -> dict:
    key = jax.random.key(seed)
    ks = jax.random.split(key, 4)
    x_in = jax.random.normal(ks[0], (B, DIM, H, W), dtype=jnp.float32)
    W_qkv = jax.random.normal(ks[1], (DIM * 3, DIM, 1, 1), dtype=jnp.float32) * float(1.0 / np.sqrt(DIM))
    W_dw = jax.random.normal(ks[2], (DIM * 3, 1, 3, 3), dtype=jnp.float32) * (1.0 / 3.0)
    W_po = jax.random.normal(ks[3], (DIM, DIM, 1, 1), dtype=jnp.float32) * float(1.0 / np.sqrt(DIM))
    temperature = jnp.ones((HEADS, 1, 1), dtype=jnp.float32)
    attn1 = jnp.array([0.2], dtype=jnp.float32)
    attn2 = jnp.array([0.2], dtype=jnp.float32)
    attn3 = jnp.array([0.2], dtype=jnp.float32)
    attn4 = jnp.array([0.2], dtype=jnp.float32)
    return {"x_in": x_in, "W_qkv": W_qkv, "W_dw": W_dw, "W_po": W_po,
            "temperature": temperature, "attn1": attn1, "attn2": attn2,
            "attn3": attn3, "attn4": attn4}


def reference(x_in, W_qkv, W_dw, W_po, temperature, attn1, attn2, attn3, attn4):
    b, c, h, w = x_in.shape
    qkv = _conv(x_in, W_qkv, 0, 1)
    qkv = _conv(qkv, W_dw, 1, c * 3)
    q, k, v = jnp.split(qkv, 3, axis=1)

    def resh(t):
        return t.reshape(b, HEADS, c // HEADS, h * w)

    q = resh(q)
    k = resh(k)
    v = resh(v)

    def l2norm(t):
        n = jnp.sqrt(jnp.sum(t * t, axis=-1, keepdims=True))
        return t / jnp.maximum(n, 1e-12)

    q = l2norm(q)
    k = l2norm(k)
    C = q.shape[2]
    attn = jnp.einsum('bhcn,bhdn->bhcd', q, k) * temperature
    flat = attn.reshape(b, HEADS, C * C)
    bi = jnp.arange(b)[:, None, None]
    hi = jnp.arange(HEADS)[None, :, None]

    def spar(kk):
        tv, ti = jax.lax.top_k(flat, kk)
        s = jnp.full_like(flat, -jnp.inf).at[bi, hi, ti].set(tv)
        return jax.nn.softmax(s, axis=-1).reshape(b, HEADS, C, C)

    s1 = spar(C * C * 1 // 2)
    s2 = spar(C * C * 2 // 3)
    s3 = spar(C * C * 3 // 4)
    s4 = spar(C * C * 4 // 5)
    spa = s1 * attn1 + s2 * attn2 + s3 * attn3 + s4 * attn4
    out = jnp.einsum('bhcd,bhdn->bhcn', spa, v)
    out = out.reshape(b, c, h, w)
    out = _conv(out, W_po, 0, 1)
    return out

if __name__ == "__main__":
    import jax
    _d = setup_inputs()
    print(jax.jit(kernel)(*tuple(_d.values())))

</pallas_src>

<mosaic_0001>
#map = affine_map<(d0, d1) -> (0, 0)>
#map1 = affine_map<(d0, d1) -> (0)>
module attributes {stable_mosaic.version = 14 : i64} {
  func.func @spa_sc(%arg0: i32, %arg1: i32, %arg2: memref<12x1024xf32, #tpu.memory_space<hbm>>, %arg3: memref<12x1024xi32, #tpu.memory_space<hbm>>, %arg4: memref<64xf32, #tpu.memory_space<hbm>>, %arg5: memref<12x1024xf32, #tpu.memory_space<hbm>>, %arg6: memref<1024xf32, #tpu.memory_space<vmem>>, %arg7: memref<1024xi32, #tpu.memory_space<vmem>>, %arg8: memref<1024xf32, #tpu.memory_space<vmem>>, %arg9: memref<64xf32, #tpu.memory_space<vmem>>) attributes {dimension_semantics = [#tpu.dimension_semantics<core_parallel>, #tpu.dimension_semantics<subcore_parallel>], iteration_bounds = array<i64: 2, 16>, scalar_prefetch = 0 : i64, scratch_operands = 4 : i64, tpu.core_type = #tpu.core_type<sc_vector_subcore>, window_params = [{transform_indices = #map}, {transform_indices = #map}, {transform_indices = #map1}, {transform_indices = #map}]} {
    %mul3A = arith.constant 2 : i32
    %mul3A_0 = arith.muli %arg1, %mul3A : i32
    %add3A = arith.addi %mul3A_0, %arg0 : i32
    %lt3A = arith.constant 12 : i32
    %lt3A_1 = arith.cmpi slt, %add3A, %lt3A : i32
    %convert_element_type3A = arith.extui %lt3A_1 : i1 to i32
    %cond3A = arith.constant 0 : i32
    %cond3A_2 = arith.cmpi ne, %convert_element_type3A, %cond3A : i32
    scf.if %cond3A_2 {
      "tpu.region"() ({
        %run_scoped3A = tpu.sem_alloc : memref<!tpu.dma_semaphore, #tpu.memory_space<semaphore_mem>>
        %dma_start3A = arith.constant 0 : i32
        %dma_start3A_1157 = tpu.memref_slice %arg2[%add3A, %dma_start3A] : memref<12x1024xf32, #tpu.memory_space<hbm>> -> memref<1x1024xf32, #tpu.memory_space<hbm>>
        %dma_start3A_1158 = tpu.memref_squeeze %dma_start3A_1157 : memref<1x1024xf32, #tpu.memory_space<hbm>> -> memref<1024xf32, #tpu.memory_space<hbm>>
        %dma_start3A_1159 = arith.constant 0 : i32
        %dma_start3A_1160 = tpu.memref_slice %arg2[%add3A, %dma_start3A_1159] : memref<12x1024xf32, #tpu.memory_space<hbm>> -> memref<1x1024xf32, #tpu.memory_space<hbm>>
        %dma_start3A_1161 = tpu.memref_squeeze %dma_start3A_1160 : memref<1x1024xf32, #tpu.memory_space<hbm>> -> memref<1024xf32, #tpu.memory_space<hbm>>
        tpu.enqueue_dma source(%dma_start3A_1161 : memref<1024xf32, #tpu.memory_space<hbm>>) target(%arg6 : memref<1024xf32, #tpu.memory_space<vmem>>) target_semaphore(%run_scoped3A : memref<!tpu.dma_semaphore, #tpu.memory_space<semaphore_mem>>)
        %dma_wait3A = arith.constant 0 : i32
        %dma_wait3A_1162 = tpu.memref_slice %arg2[%add3A, %dma_wait3A] : memref<12x1024xf32, #tpu.memory_space<hbm>> -> memref<1x1024xf32, #tpu.memory_space<hbm>>
        %dma_wait3A_1163 = tpu.memref_squeeze %dma_wait3A_1162 : memref<1x1024xf32, #tpu.memory_space<hbm>> -> memref<1024xf32, #tpu.memory_space<hbm>>
        %dma_wait3A_1164 = arith.constant 0 : i32
        %dma_wait3A_1165 = tpu.memref_slice %arg2[%add3A, %dma_wait3A_1164] : memref<12x1024xf32, #tpu.memory_space<hbm>> -> memref<1x1024xf32, #tpu.memory_space<hbm>>
        %dma_wait3A_1166 = tpu.memref_squeeze %dma_wait3A_1165 : memref<1x1024xf32, #tpu.memory_space<hbm>> -> memref<1024xf32, #tpu.memory_space<hbm>>
        tpu.wait_dma2 semaphore(%run_scoped3A : memref<!tpu.dma_semaphore, #tpu.memory_space<semaphore_mem>>) src(%dma_wait3A_1166 : memref<1024xf32, #tpu.memory_space<hbm>>) dst(%arg6 : memref<1024xf32, #tpu.memory_space<vmem>>)
        tpu.yield
      }) : () -> ()
      "tpu.region"() ({
        %run_scoped3A = tpu.sem_alloc : memref<!tpu.dma_semaphore, #tpu.memory_space<semaphore_mem>>
        %dma_start3A = arith.constant 0 : i32
        %dma_start3A_1157 = tpu.memref_slice %arg3[%add3A, %dma_start3A] : memref<12x1024xi32, #tpu.memory_space<hbm>> -> memref<1x1024xi32, #tpu.memory_space<hbm>>
        %dma_start3A_1158 = tpu.memref_squeeze %dma_start3A_1157 : memref<1x1024xi32, #tpu.memory_space<hbm>> -> memref<1024xi32, #tpu.memory_space<hbm>>
        %dma_start3A_1159 = arith.constant 0 : i32
        %dma_start3A_1160 = tpu.memref_slice %arg3[%add3A, %dma_start3A_1159] : memref<12x1024xi32, #tpu.memory_space<hbm>> -> memref<1x1024xi32, #tpu.memory_space<hbm>>
        %dma_start3A_1161 = tpu.memref_squeeze %dma_start3A_1160 : memref<1x1024xi32, #tpu.memory_space<hbm>> -> memref<1024xi32, #tpu.memory_space<hbm>>
        tpu.enqueue_dma source(%dma_start3A_1161 : memref<1024xi32, #tpu.memory_space<hbm>>) target(%arg7 : memref<1024xi32, #tpu.memory_space<vmem>>) target_semaphore(%run_scoped3A : memref<!tpu.dma_semaphore, #tpu.memory_space<semaphore_mem>>)
        %dma_wait3A = arith.constant 0 : i32
        %dma_wait3A_1162 = tpu.memref_slice %arg3[%add3A, %dma_wait3A] : memref<12x1024xi32, #tpu.memory_space<hbm>> -> memref<1x1024xi32, #tpu.memory_space<hbm>>
        %dma_wait3A_1163 = tpu.memref_squeeze %dma_wait3A_1162 : memref<1x1024xi32, #tpu.memory_space<hbm>> -> memref<1024xi32, #tpu.memory_space<hbm>>
        %dma_wait3A_1164 = arith.constant 0 : i32
        %dma_wait3A_1165 = tpu.memref_slice %arg3[%add3A, %dma_wait3A_1164] : memref<12x1024xi32, #tpu.memory_space<hbm>> -> memref<1x1024xi32, #tpu.memory_space<hbm>>
        %dma_wait3A_1166 = tpu.memref_squeeze %dma_wait3A_1165 : memref<1x1024xi32, #tpu.memory_space<hbm>> -> memref<1024xi32, #tpu.memory_space<hbm>>
        tpu.wait_dma2 semaphore(%run_scoped3A : memref<!tpu.dma_semaphore, #tpu.memory_space<semaphore_mem>>) src(%dma_wait3A_1166 : memref<1024xi32, #tpu.memory_space<hbm>>) dst(%arg7 : memref<1024xi32, #tpu.memory_space<vmem>>)
        tpu.yield
      }) : () -> ()
      "tpu.region"() ({
        %run_scoped3A = tpu.sem_alloc : memref<!tpu.dma_semaphore, #tpu.memory_space<semaphore_mem>>
        tpu.enqueue_dma source(%arg4 : memref<64xf32, #tpu.memory_space<hbm>>) target(%arg9 : memref<64xf32, #tpu.memory_space<vmem>>) target_semaphore(%run_scoped3A : memref<!tpu.dma_semaphore, #tpu.memory_space<semaphore_mem>>)
        tpu.wait_dma2 semaphore(%run_scoped3A : memref<!tpu.dma_semaphore, #tpu.memory_space<semaphore_mem>>) src(%arg4 : memref<64xf32, #tpu.memory_space<hbm>>) dst(%arg9 : memref<64xf32, #tpu.memory_space<vmem>>)
        tpu.yield
      }) : () -> ()
      %get3A = arith.constant 0 : index
      %get3A_3 = tpu.vector_load %arg9[%get3A] {strides = array<i32>} : memref<64xf32, #tpu.memory_space<vmem>>, vector<16xf32>,
      %get3A_4 = vector.shape_cast %get3A_3 : vector<16xf32> to vector<16xf32>
      %get3A_5 = arith.constant 16 : index
      %get3A_6 = tpu.vector_load %arg9[%get3A_5] {strides = array<i32>} : memref<64xf32, #tpu.memory_space<vmem>>, vector<16xf32>,
      %get3A_7 = vector.shape_cast %get3A_6 : vector<16xf32> to vector<16xf32>
      %get3A_8 = arith.constant 32 : index
      %get3A_9 = tpu.vector_load %arg9[%get3A_8] {strides = array<i32>} : memref<64xf32, #tpu.memory_space<vmem>>, vector<16xf32>,
      %get3A_10 = vector.shape_cast %get3A_9 : vector<16xf32> to vector<16xf32>
      %get3A_11 = arith.constant 48 : index
      %get3A_12 = tpu.vector_load %arg9[%get3A_11] {strides = array<i32>} : memref<64xf32, #tpu.memory_space<vmem>>, vector<16xf32>,
      %get3A_13 = vector.shape_cast %get3A_12 : vector<16xf32> to vector<16xf32>
      %broadcast_in_dim3A = arith.constant -3.400000e+38 : f32
      %broadcast_in_dim3A_14 = vector.broadcast %broadcast_in_dim3A : f32 to vector<16xf32>
      %scan3A = arith.constant 0 : i32
      %scan3A_15 = arith.constant 64 : i32
      %scan3A_16 = arith.addi %scan3A, %scan3A_15 : i32
      %scan3A_17 = arith.constant 1 : i32
      %scan3A_18 = scf.for %scan3A_1157 = %scan3A to %scan3A_16 step %scan3A_17 iter_args(%scan3A_1158 = %broadcast_in_dim3A_14) -> (vector<16xf32>)  : i32 {
        %mul3A_1159 = arith.constant 16 : i32
        %mul3A_1160 = arith.muli %scan3A_1157, %mul3A_1159 : i32
        %get3A_1161 = arith.index_cast %mul3A_1160 : i32 to index
        %get3A_1162 = tpu.vector_load %arg6[%get3A_1161] {strides = array<i32>} : memref<1024xf32, #tpu.memory_space<vmem>>, vector<16xf32>,
        %get3A_1163 = vector.shape_cast %get3A_1162 : vector<16xf32> to vector<16xf32>
        %max3A_1164 = arith.maximumf %scan3A_1158, %get3A_1163 : vector<16xf32>
        scf.yield %max3A_1164 : vector<16xf32>
      }
      %scan3A_19 = arith.constant 64 : i32
      %iota3A = tpu.iota {dimensions = array<i32: 0>} : vector<16xi32>
      %xor3A = arith.constant 8 : i32
      %xor3A_20 = vector.broadcast %xor3A : i32 to vector<16xi32>
      %xor3A_21 = arith.xori %iota3A, %xor3A_20 : vector<16xi32>
      %lt3A_22 = arith.constant 0 : i32
      %lt3A_23 = vector.broadcast %lt3A_22 : i32 to vector<16xi32>
      %lt3A_24 = arith.cmpi slt, %xor3A_21, %lt3A_23 : vector<16xi32>
      %add3A_25 = arith.constant 16 : i32
      %add3A_26 = vector.broadcast %add3A_25 : i32 to vector<16xi32>
      %add3A_27 = arith.addi %xor3A_21, %add3A_26 : vector<16xi32>
      %select_n3A = arith.select %lt3A_24, %add3A_27, %xor3A_21 : vector<16xi1>, vector<16xi32>
      %broadcast_in_dim3A_28 = vector.shape_cast %select_n3A : vector<16xi32> to vector<16x1xi32>
      %gather3A = vector.shape_cast %broadcast_in_dim3A_28 : vector<16x1xi32> to vector<16xi32>
      %gather3A_29 = tpu.dynamic_gather %scan3A_18[%gather3A] in [0] : vector<16xf32>, vector<16xi32> -> vector<16xf32>
      %max3A = arith.maximumf %scan3A_18, %gather3A_29 : vector<16xf32>
      %iota3A_30 = tpu.iota {dimensions = array<i32: 0>} : vector<16xi32>
      %xor3A_31 = arith.constant 4 : i32
      %xor3A_32 = vector.broadcast %xor3A_31 : i32 to vector<16xi32>
      %xor3A_33 = arith.xori %iota3A_30, %xor3A_32 : vector<16xi32>
      %lt3A_34 = arith.constant 0 : i32
      %lt3A_35 = vector.broadcast %lt3A_34 : i32 to vector<16xi32>
      %lt3A_36 = arith.cmpi slt, %xor3A_33, %lt3A_35 : vector<16xi32>
      %add3A_37 = arith.constant 16 : i32
      %add3A_38 = vector.broadcast %add3A_37 : i32 to vector<16xi32>
      %add3A_39 = arith.addi %xor3A_33, %add3A_38 : vector<16xi32>
      %select_n3A_40 = arith.select %lt3A_36, %add3A_39, %xor3A_33 : vector<16xi1>, vector<16xi32>
      %broadcast_in_dim3A_41 = vector.shape_cast %select_n3A_40 : vector<16xi32> to vector<16x1xi32>
      %gather3A_42 = vector.shape_cast %broadcast_in_dim3A_41 : vector<16x1xi32> to vector<16xi32>
      %gather3A_43 = tpu.dynamic_gather %max3A[%gather3A_42] in [0] : vector<16xf32>, vector<16xi32> -> vector<16xf32>
      %max3A_44 = arith.maximumf %max3A, %gather3A_43 : vector<16xf32>
      %iota3A_45 = tpu.iota {dimensions = array<i32: 0>} : vector<16xi32>
      %xor3A_46 = arith.constant 2 : i32
      %xor3A_47 = vector.broadcast %xor3A_46 : i32 to vector<16xi32>
      %xor3A_48 = arith.xori %iota3A_45, %xor3A_47 : vector<16xi32>
      %lt3A_49 = arith.constant 0 : i32
      %lt3A_50 = vector.broadcast %lt3A_49 : i32 to vector<16xi32>
      %lt3A_51 = arith.cmpi slt, %xor3A_48, %lt3A_50 : vector<16xi32>
      %add3A_52 = arith.constant 16 : i32
      %add3A_53 = vector.broadcast %add3A_52 : i32 to vector<16xi32>
      %add3A_54 = arith.addi %xor3A_48, %add3A_53 : vector<16xi32>
      %select_n3A_55 = arith.select %lt3A_51, %add3A_54, %xor3A_48 : vector<16xi1>, vector<16xi32>
      %broadcast_in_dim3A_56 = vector.shape_cast %select_n3A_55 : vector<16xi32> to vector<16x1xi32>
      %gather3A_57 = vector.shape_cast %broadcast_in_dim3A_56 : vector<16x1xi32> to vector<16xi32>
      %gather3A_58 = tpu.dynamic_gather %max3A_44[%gather3A_57] in [0] : vector<16xf32>, vector<16xi32> -> vector<16xf32>
      %max3A_59 = arith.maximumf %max3A_44, %gather3A_58 : vector<16xf32>
      %iota3A_60 = tpu.iota {dimensions = array<i32: 0>} : vector<16xi32>
      %xor3A_61 = arith.constant 1 : i32
      %xor3A_62 = vector.broadcast %xor3A_61 : i32 to vector<16xi32>
      %xor3A_63 = arith.xori %iota3A_60, %xor3A_62 : vector<16xi32>
      %lt3A_64 = arith.constant 0 : i32
      %lt3A_65 = vector.broadcast %lt3A_64 : i32 to vector<16xi32>
      %lt3A_66 = arith.cmpi slt, %xor3A_63, %lt3A_65 : vector<16xi32>
      %add3A_67 = arith.constant 16 : i32
      %add3A_68 = vector.broadcast %add3A_67 : i32 to vector<16xi32>
      %add3A_69 = arith.addi %xor3A_63, %add3A_68 : vector<16xi32>
      %select_n3A_70 = arith.select %lt3A_66, %add3A_69, %xor3A_63 : vector<16xi1>, vector<16xi32>
      %broadcast_in_dim3A_71 = vector.shape_cast %select_n3A_70 : vector<16xi32> to vector<16x1xi32>
      %gather3A_72 = vector.shape_cast %broadcast_in_dim3A_71 : vector<16x1xi32> to vector<16xi32>
      %gather3A_73 = tpu.dynamic_gather %max3A_59[%gather3A_72] in [0] : vector<16xf32>, vector<16xi32> -> vector<16xf32>
      %max3A_74 = arith.maximumf %max3A_59, %gather3A_73 : vector<16xf32>
      %broadcast_in_dim3A_75 = arith.constant 0 : i32
      %broadcast_in_dim3A_76 = vector.broadcast %broadcast_in_dim3A_75 : i32 to vector<16xi32>
      %scan3A_77 = arith.constant 0 : i32
      %scan3A_78 = arith.constant 32 : i32
      %scan3A_79 = arith.addi %scan3A_77, %scan3A_78 : i32
      %scan3A_80 = arith.constant 1 : i32
      %scan3A_81 = scf.for %scan3A_1157 = %scan3A_77 to %scan3A_79 step %scan3A_80 iter_args(%scan3A_1158 = %broadcast_in_dim3A_76) -> (vector<16xi32>)  : i32 {
        %sub3A_1159 = arith.constant 31 : i32
        %sub3A_1160 = arith.subi %sub3A_1159, %scan3A_1157 : i32
        %shift_left3A = arith.constant 1 : i32
        %shift_left3A_1161 = arith.shli %shift_left3A, %sub3A_1160 : i32
        %or3A = vector.broadcast %shift_left3A_1161 : i32 to vector<16xi32>
        %or3A_1162 = arith.ori %scan3A_1158, %or3A : vector<16xi32>
        %xor3A_1163 = arith.constant -2147483648 : i32
        %xor3A_1164 = vector.broadcast %xor3A_1163 : i32 to vector<16xi32>
        %xor3A_1165 = arith.xori %or3A_1162, %xor3A_1164 : vector<16xi32>
        %broadcast_in_dim3A_1166 = arith.constant 0 : i32
        %broadcast_in_dim3A_1167 = vector.broadcast %broadcast_in_dim3A_1166 : i32 to vector<16xi32>
        %scan3A_1168 = arith.constant 0 : i32
        %scan3A_1169 = arith.constant 64 : i32
        %scan3A_1170 = arith.addi %scan3A_1168, %scan3A_1169 : i32
        %scan3A_1171 = arith.constant 1 : i32
        %scan3A_1172 = scf.for %scan3A_1237 = %scan3A_1168 to %scan3A_1170 step %scan3A_1171 iter_args(%scan3A_1238 = %broadcast_in_dim3A_1167) -> (vector<16xi32>)  : i32 {
          %mul3A_1239 = arith.constant 16 : i32
          %mul3A_1240 = arith.muli %scan3A_1237, %mul3A_1239 : i32
          %get3A_1241 = arith.index_cast %mul3A_1240 : i32 to index
          %get3A_1242 = tpu.vector_load %arg7[%get3A_1241] {strides = array<i32>} : memref<1024xi32, #tpu.memory_space<vmem>>, vector<16xi32>,
          %get3A_1243 = vector.shape_cast %get3A_1242 : vector<16xi32> to vector<16xi32>
          %ge3A_1244 = arith.cmpi sge, %get3A_1243, %xor3A_1165 : vector<16xi32>
          %jit3A = arith.constant 1 : i32
          %jit3A_1245 = arith.constant 0 : i32
          %broadcast_in_dim3A_1246 = vector.broadcast %jit3A : i32 to vector<16xi32>
          %broadcast_in_dim3A_1247 = vector.broadcast %jit3A_1245 : i32 to vector<16xi32>
          %select_n3A_1248 = arith.select %ge3A_1244, %broadcast_in_dim3A_1246, %broadcast_in_dim3A_1247 : vector<16xi1>, vector<16xi32>
          %add3A_1249 = arith.addi %scan3A_1238, %select_n3A_1248 : vector<16xi32>
          scf.yield %add3A_1249 : vector<16xi32>
        }
        %scan3A_1173 = arith.constant 64 : i32
        %iota3A_1174 = tpu.iota {dimensions = array<i32: 0>} : vector<16xi32>
        %xor3A_1175 = arith.constant 8 : i32
        %xor3A_1176 = vector.broadcast %xor3A_1175 : i32 to vector<16xi32>
        %xor3A_1177 = arith.xori %iota3A_1174, %xor3A_1176 : vector<16xi32>
        %lt3A_1178 = arith.constant 0 : i32
        %lt3A_1179 = vector.broadcast %lt3A_1178 : i32 to vector<16xi32>
        %lt3A_1180 = arith.cmpi slt, %xor3A_1177, %lt3A_1179 : vector<16xi32>
        %add3A_1181 = arith.constant 16 : i32
        %add3A_1182 = vector.broadcast %add3A_1181 : i32 to vector<16xi32>
        %add3A_1183 = arith.addi %xor3A_1177, %add3A_1182 : vector<16xi32>
        %select_n3A_1184 = arith.select %lt3A_1180, %add3A_1183, %xor3A_1177 : vector<16xi1>, vector<16xi32>
        %broadcast_in_dim3A_1185 = vector.shape_cast %select_n3A_1184 : vector<16xi32> to vector<16x1xi32>
        %gather3A_1186 = vector.shape_cast %broadcast_in_dim3A_1185 : vector<16x1xi32> to vector<16xi32>
        %gather3A_1187 = tpu.dynamic_gather %scan3A_1172[%gather3A_1186] in [0] : vector<16xi32>, vector<16xi32> -> vector<16xi32>
        %add3A_1188 = arith.addi %scan3A_1172, %gather3A_1187 : vector<16xi32>
        %iota3A_1189 = tpu.iota {dimensions = array<i32: 0>} : vector<16xi32>
        %xor3A_1190 = arith.constant 4 : i32
        %xor3A_1191 = vector.broadcast %xor3A_1190 : i32 to vector<16xi32>
        %xor3A_1192 = arith.xori %iota3A_1189, %xor3A_1191 : vector<16xi32>
        %lt3A_1193 = arith.constant 0 : i32
        %lt3A_1194 = vector.broadcast %lt3A_1193 : i32 to vector<16xi32>
        %lt3A_1195 = arith.cmpi slt, %xor3A_1192, %lt3A_1194 : vector<16xi32>
        %add3A_1196 = arith.constant 16 : i32
        %add3A_1197 = vector.broadcast %add3A_1196 : i32 to vector<16xi32>
        %add3A_1198 = arith.addi %xor3A_1192, %add3A_1197 : vector<16xi32>
        %select_n3A_1199 = arith.select %lt3A_1195, %add3A_1198, %xor3A_1192 : vector<16xi1>, vector<16xi32>
        %broadcast_in_dim3A_1200 = vector.shape_cast %select_n3A_1199 : vector<16xi32> to vector<16x1xi32>
        %gather3A_1201 = vector.shape_cast %broadcast_in_dim3A_1200 : vector<16x1xi32> to vector<16xi32>
        %gather3A_1202 = tpu.dynamic_gather %add3A_1188[%gather3A_1201] in [0] : vector<16xi32>, vector<16xi32> -> vector<16xi32>
        %add3A_1203 = arith.addi %add3A_1188, %gather3A_1202 : vector<16xi32>
        %iota3A_1204 = tpu.iota {dimensions = array<i32: 0>} : vector<16xi32>
        %xor3A_1205 = arith.constant 2 : i32
        %xor3A_1206 = vector.broadcast %xor3A_1205 : i32 to vector<16xi32>
        %xor3A_1207 = arith.xori %iota3A_1204, %xor3A_1206 : vector<16xi32>
        %lt3A_1208 = arith.constant 0 : i32
        %lt3A_1209 = vector.broadcast %lt3A_1208 : i32 to vector<16xi32>
        %lt3A_1210 = arith.cmpi slt, %xor3A_1207, %lt3A_1209 : vector<16xi32>
        %add3A_1211 = arith.constant 16 : i32
        %add3A_1212 = vector.broadcast %add3A_1211 : i32 to vector<16xi32>
        %add3A_1213 = arith.addi %xor3A_1207, %add3A_1212 : vector<16xi32>
        %select_n3A_1214 = arith.select %lt3A_1210, %add3A_1213, %xor3A_1207 : vector<16xi1>, vector<16xi32>
        %broadcast_in_dim3A_1215 = vector.shape_cast %select_n3A_1214 : vector<16xi32> to vector<16x1xi32>
        %gather3A_1216 = vector.shape_cast %broadcast_in_dim3A_1215 : vector<16x1xi32> to vector<16xi32>
        %gather3A_1217 = tpu.dynamic_gather %add3A_1203[%gather3A_1216] in [0] : vector<16xi32>, vector<16xi32> -> vector<16xi32>
        %add3A_1218 = arith.addi %add3A_1203, %gather3A_1217 : vector<16xi32>
        %iota3A_1219 = tpu.iota {dimensions = array<i32: 0>} : vector<16xi32>
        %xor3A_1220 = arith.constant 1 : i32
        %xor3A_1221 = vector.broadcast %xor3A_1220 : i32 to vector<16xi32>
        %xor3A_1222 = arith.xori %iota3A_1219, %xor3A_1221 : vector<16xi32>
        %lt3A_1223 = arith.constant 0 : i32
        %lt3A_1224 = vector.broadcast %lt3A_1223 : i32 to vector<16xi32>
        %lt3A_1225 = arith.cmpi slt, %xor3A_1222, %lt3A_1224 : vector<16xi32>
        %add3A_1226 = arith.constant 16 : i32
        %add3A_1227 = vector.broadcast %add3A_1226 : i32 to vector<16xi32>
        %add3A_1228 = arith.addi %xor3A_1222, %add3A_1227 : vector<16xi32>
        %select_n3A_1229 = arith.select %lt3A_1225, %add3A_1228, %xor3A_1222 : vector<16xi1>, vector<16xi32>
        %broadcast_in_dim3A_1230 = vector.shape_cast %select_n3A_1229 : vector<16xi32> to vector<16x1xi32>
        %gather3A_1231 = vector.shape_cast %broadcast_in_dim3A_1230 : vector<16x1xi32> to vector<16xi32>
        %gather3A_1232 = tpu.dynamic_gather %add3A_1218[%gather3A_1231] in [0] : vector<16xi32>, vector<16xi32> -> vector<16xi32>
        %add3A_1233 = arith.addi %add3A_1218, %gather3A_1232 : vector<16xi32>
        %ge3A = arith.constant 512 : i32
        %ge3A_1234 = vector.broadcast %ge3A : i32 to vector<16xi32>
        %ge3A_1235 = arith.cmpi sge, %add3A_1233, %ge3A_1234 : vector<16xi32>
        %select_n3A_1236 = arith.select %ge3A_1235, %or3A_1162, %scan3A_1158 : vector<16xi1>, vector<16xi32>
        scf.yield %select_n3A_1236 : vector<16xi32>
      }
      %scan3A_82 = arith.constant 32 : i32
      %xor3A_83 = arith.constant -2147483648 : i32
      %xor3A_84 = vector.broadcast %xor3A_83 : i32 to vector<16xi32>
      %xor3A_85 = arith.xori %scan3A_81, %xor3A_84 : vector<16xi32>
      %broadcast_in_dim3A_86 = arith.constant 0 : i32
      %broadcast_in_dim3A_87 = vector.broadcast %broadcast_in_dim3A_86 : i32 to vector<16xi32>
      %scan3A_88 = arith.constant 0 : i32
      %scan3A_89 = arith.constant 32 : i32
      %scan3A_90 = arith.addi %scan3A_88, %scan3A_89 : i32
      %scan3A_91 = arith.constant 1 : i32
      %scan3A_92 = scf.for %scan3A_1157 = %scan3A_88 to %scan3A_90 step %scan3A_91 iter_args(%scan3A_1158 = %broadcast_in_dim3A_87) -> (vector<16xi32>)  : i32 {
        %sub3A_1159 = arith.constant 31 : i32
        %sub3A_1160 = arith.subi %sub3A_1159, %scan3A_1157 : i32
        %shift_left3A = arith.constant 1 : i32
        %shift_left3A_1161 = arith.shli %shift_left3A, %sub3A_1160 : i32
        %or3A = vector.broadcast %shift_left3A_1161 : i32 to vector<16xi32>
        %or3A_1162 = arith.ori %scan3A_1158, %or3A : vector<16xi32>
        %xor3A_1163 = arith.constant -2147483648 : i32
        %xor3A_1164 = vector.broadcast %xor3A_1163 : i32 to vector<16xi32>
        %xor3A_1165 = arith.xori %or3A_1162, %xor3A_1164 : vector<16xi32>
        %broadcast_in_dim3A_1166 = arith.constant 0 : i32
        %broadcast_in_dim3A_1167 = vector.broadcast %broadcast_in_dim3A_1166 : i32 to vector<16xi32>
        %scan3A_1168 = arith.constant 0 : i32
        %scan3A_1169 = arith.constant 64 : i32
        %scan3A_1170 = arith.addi %scan3A_1168, %scan3A_1169 : i32
        %scan3A_1171 = arith.constant 1 : i32
        %scan3A_1172 = scf.for %scan3A_1237 = %scan3A_1168 to %scan3A_1170 step %scan3A_1171 iter_args(%scan3A_1238 = %broadcast_in_dim3A_1167) -> (vector<16xi32>)  : i32 {
          %mul3A_1239 = arith.constant 16 : i32
          %mul3A_1240 = arith.muli %scan3A_1237, %mul3A_1239 : i32
          %get3A_1241 = arith.index_cast %mul3A_1240 : i32 to index
          %get3A_1242 = tpu.vector_load %arg7[%get3A_1241] {strides = array<i32>} : memref<1024xi32, #tpu.memory_space<vmem>>, vector<16xi32>,
          %get3A_1243 = vector.shape_cast %get3A_1242 : vector<16xi32> to vector<16xi32>
          %ge3A_1244 = arith.cmpi sge, %get3A_1243, %xor3A_1165 : vector<16xi32>
          %jit3A = arith.constant 1 : i32
          %jit3A_1245 = arith.constant 0 : i32
          %broadcast_in_dim3A_1246 = vector.broadcast %jit3A : i32 to vector<16xi32>
          %broadcast_in_dim3A_1247 = vector.broadcast %jit3A_1245 : i32 to vector<16xi32>
          %select_n3A_1248 = arith.select %ge3A_1244, %broadcast_in_dim3A_1246, %broadcast_in_dim3A_1247 : vector<16xi1>, vector<16xi32>
          %add3A_1249 = arith.addi %scan3A_1238, %select_n3A_1248 : vector<16xi32>
          scf.yield %add3A_1249 : vector<16xi32>
        }
        %scan3A_1173 = arith.constant 64 : i32
        %iota3A_1174 = tpu.iota {dimensions = array<i32: 0>} : vector<16xi32>
        %xor3A_1175 = arith.constant 8 : i32
        %xor3A_1176 = vector.broadcast %xor3A_1175 : i32 to vector<16xi32>
        %xor3A_1177 = arith.xori %iota3A_1174, %xor3A_1176 : vector<16xi32>
        %lt3A_1178 = arith.constant 0 : i32
        %lt3A_1179 = vector.broadcast %lt3A_1178 : i32 to vector<16xi32>
        %lt3A_1180 = arith.cmpi slt, %xor3A_1177, %lt3A_1179 : vector<16xi32>
        %add3A_1181 = arith.constant 16 : i32
        %add3A_1182 = vector.broadcast %add3A_1181 : i32 to vector<16xi32>
        %add3A_1183 = arith.addi %xor3A_1177, %add3A_1182 : vector<16xi32>
        %select_n3A_1184 = arith.select %lt3A_1180, %add3A_1183, %xor3A_1177 : vector<16xi1>, vector<16xi32>
        %broadcast_in_dim3A_1185 = vector.shape_cast %select_n3A_1184 : vector<16xi32> to vector<16x1xi32>
        %gather3A_1186 = vector.shape_cast %broadcast_in_dim3A_1185 : vector<16x1xi32> to vector<16xi32>
        %gather3A_1187 = tpu.dynamic_gather %scan3A_1172[%gather3A_1186] in [0] : vector<16xi32>, vector<16xi32> -> vector<16xi32>
        %add3A_1188 = arith.addi %scan3A_1172, %gather3A_1187 : vector<16xi32>
        %iota3A_1189 = tpu.iota {dimensions = array<i32: 0>} : vector<16xi32>
        %xor3A_1190 = arith.constant 4 : i32
        %xor3A_1191 = vector.broadcast %xor3A_1190 : i32 to vector<16xi32>
        %xor3A_1192 = arith.xori %iota3A_1189, %xor3A_1191 : vector<16xi32>
        %lt3A_1193 = arith.constant 0 : i32
        %lt3A_1194 = vector.broadcast %lt3A_1193 : i32 to vector<16xi32>
        %lt3A_1195 = arith.cmpi slt, %xor3A_1192, %lt3A_1194 : vector<16xi32>
        %add3A_1196 = arith.constant 16 : i32
        %add3A_1197 = vector.broadcast %add3A_1196 : i32 to vector<16xi32>
        %add3A_1198 = arith.addi %xor3A_1192, %add3A_1197 : vector<16xi32>
        %select_n3A_1199 = arith.select %lt3A_1195, %add3A_1198, %xor3A_1192 : vector<16xi1>, vector<16xi32>
        %broadcast_in_dim3A_1200 = vector.shape_cast %select_n3A_1199 : vector<16xi32> to vector<16x1xi32>
        %gather3A_1201 = vector.shape_cast %broadcast_in_dim3A_1200 : vector<16x1xi32> to vector<16xi32>
        %gather3A_1202 = tpu.dynamic_gather %add3A_1188[%gather3A_1201] in [0] : vector<16xi32>, vector<16xi32> -> vector<16xi32>
        %add3A_1203 = arith.addi %add3A_1188, %gather3A_1202 : vector<16xi32>
        %iota3A_1204 = tpu.iota {dimensions = array<i32: 0>} : vector<16xi32>
        %xor3A_1205 = arith.constant 2 : i32
        %xor3A_1206 = vector.broadcast %xor3A_1205 : i32 to vector<16xi32>
        %xor3A_1207 = arith.xori %iota3A_1204, %xor3A_1206 : vector<16xi32>
        %lt3A_1208 = arith.constant 0 : i32
        %lt3A_1209 = vector.broadcast %lt3A_1208 : i32 to vector<16xi32>
        %lt3A_1210 = arith.cmpi slt, %xor3A_1207, %lt3A_1209 : vector<16xi32>
        %add3A_1211 = arith.constant 16 : i32
        %add3A_1212 = vector.broadcast %add3A_1211 : i32 to vector<16xi32>
        %add3A_1213 = arith.addi %xor3A_1207, %add3A_1212 : vector<16xi32>
        %select_n3A_1214 = arith.select %lt3A_1210, %add3A_1213, %xor3A_1207 : vector<16xi1>, vector<16xi32>
        %broadcast_in_dim3A_1215 = vector.shape_cast %select_n3A_1214 : vector<16xi32> to vector<16x1xi32>
        %gather3A_1216 = vector.shape_cast %broadcast_in_dim3A_1215 : vector<16x1xi32> to vector<16xi32>
        %gather3A_1217 = tpu.dynamic_gather %add3A_1203[%gather3A_1216] in [0] : vector<16xi32>, vector<16xi32> -> vector<16xi32>
        %add3A_1218 = arith.addi %add3A_1203, %gather3A_1217 : vector<16xi32>
        %iota3A_1219 = tpu.iota {dimensions = array<i32: 0>} : vector<16xi32>
        %xor3A_1220 = arith.constant 1 : i32
        %xor3A_1221 = vector.broadcast %xor3A_1220 : i32 to vector<16xi32>
        %xor3A_1222 = arith.xori %iota3A_1219, %xor3A_1221 : vector<16xi32>
        %lt3A_1223 = arith.constant 0 : i32
        %lt3A_1224 = vector.broadcast %lt3A_1223 : i32 to vector<16xi32>
        %lt3A_1225 = arith.cmpi slt, %xor3A_1222, %lt3A_1224 : vector<16xi32>
        %add3A_1226 = arith.constant 16 : i32
        %add3A_1227 = vector.broadcast %add3A_1226 : i32 to vector<16xi32>
        %add3A_1228 = arith.addi %xor3A_1222, %add3A_1227 : vector<16xi32>
        %select_n3A_1229 = arith.select %lt3A_1225, %add3A_1228, %xor3A_1222 : vector<16xi1>, vector<16xi32>
        %broadcast_in_dim3A_1230 = vector.shape_cast %select_n3A_1229 : vector<16xi32> to vector<16x1xi32>
        %gather3A_1231 = vector.shape_cast %broadcast_in_dim3A_1230 : vector<16x1xi32> to vector<16xi32>
        %gather3A_1232 = tpu.dynamic_gather %add3A_1218[%gather3A_1231] in [0] : vector<16xi32>, vector<16xi32> -> vector<16xi32>
        %add3A_1233 = arith.addi %add3A_1218, %gather3A_1232 : vector<16xi32>
        %ge3A = arith.constant 682 : i32
        %ge3A_1234 = vector.broadcast %ge3A : i32 to vector<16xi32>
        %ge3A_1235 = arith.cmpi sge, %add3A_1233, %ge3A_1234 : vector<16xi32>
        %select_n3A_1236 = arith.select %ge3A_1235, %or3A_1162, %scan3A_1158 : vector<16xi1>, vector<16xi32>
        scf.yield %select_n3A_1236 : vector<16xi32>
      }
      %scan3A_93 = arith.constant 32 : i32
      %xor3A_94 = arith.constant -2147483648 : i32
      %xor3A_95 = vector.broadcast %xor3A_94 : i32 to vector<16xi32>
      %xor3A_96 = arith.xori %scan3A_92, %xor3A_95 : vector<16xi32>
      %broadcast_in_dim3A_97 = arith.constant 0 : i32
      %broadcast_in_dim3A_98 = vector.broadcast %broadcast_in_dim3A_97 : i32 to vector<16xi32>
      %scan3A_99 = arith.constant 0 : i32
      %scan3A_100 = arith.constant 32 : i32
      %scan3A_101 = arith.addi %scan3A_99, %scan3A_100 : i32
      %scan3A_102 = arith.constant 1 : i32
      %scan3A_103 = scf.for %scan3A_1157 = %scan3A_99 to %scan3A_101 step %scan3A_102 iter_args(%scan3A_1158 = %broadcast_in_dim3A_98) -> (vector<16xi32>)  : i32 {
        %sub3A_1159 = arith.constant 31 : i32
        %sub3A_1160 = arith.subi %sub3A_1159, %scan3A_1157 : i32
        %shift_left3A = arith.constant 1 : i32
        %shift_left3A_1161 = arith.shli %shift_left3A, %sub3A_1160 : i32
        %or3A = vector.broadcast %shift_left3A_1161 : i32 to vector<16xi32>
        %or3A_1162 = arith.ori %scan3A_1158, %or3A : vector<16xi32>
        %xor3A_1163 = arith.constant -2147483648 : i32
        %xor3A_1164 = vector.broadcast %xor3A_1163 : i32 to vector<16xi32>
        %xor3A_1165 = arith.xori %or3A_1162, %xor3A_1164 : vector<16xi32>
        %broadcast_in_dim3A_1166 = arith.constant 0 : i32
        %broadcast_in_dim3A_1167 = vector.broadcast %broadcast_in_dim3A_1166 : i32 to vector<16xi32>
        %scan3A_1168 = arith.constant 0 : i32
        %scan3A_1169 = arith.constant 64 : i32
        %scan3A_1170 = arith.addi %scan3A_1168, %scan3A_1169 : i32
        %scan3A_1171 = arith.constant 1 : i32
        %scan3A_1172 = scf.for %scan3A_1237 = %scan3A_1168 to %scan3A_1170 step %scan3A_1171 iter_args(%scan3A_1238 = %broadcast_in_dim3A_1167) -> (vector<16xi32>)  : i32 {
          %mul3A_1239 = arith.constant 16 : i32
          %mul3A_1240 = arith.muli %scan3A_1237, %mul3A_1239 : i32
          %get3A_1241 = arith.index_cast %mul3A_1240 : i32 to index
          %get3A_1242 = tpu.vector_load %arg7[%get3A_1241] {strides = array<i32>} : memref<1024xi32, #tpu.memory_space<vmem>>, vector<16xi32>,
          %get3A_1243 = vector.shape_cast %get3A_1242 : vector<16xi32> to vector<16xi32>
          %ge3A_1244 = arith.cmpi sge, %get3A_1243, %xor3A_1165 : vector<16xi32>
          %jit3A = arith.constant 1 : i32
          %jit3A_1245 = arith.constant 0 : i32
          %broadcast_in_dim3A_1246 = vector.broadcast %jit3A : i32 to vector<16xi32>
          %broadcast_in_dim3A_1247 = vector.broadcast %jit3A_1245 : i32 to vector<16xi32>
          %select_n3A_1248 = arith.select %ge3A_1244, %broadcast_in_dim3A_1246, %broadcast_in_dim3A_1247 : vector<16xi1>, vector<16xi32>
          %add3A_1249 = arith.addi %scan3A_1238, %select_n3A_1248 : vector<16xi32>
          scf.yield %add3A_1249 : vector<16xi32>
        }
        %scan3A_1173 = arith.constant 64 : i32
        %iota3A_1174 = tpu.iota {dimensions = array<i32: 0>} : vector<16xi32>
        %xor3A_1175 = arith.constant 8 : i32
        %xor3A_1176 = vector.broadcast %xor3A_1175 : i32 to vector<16xi32>
        %xor3A_1177 = arith.xori %iota3A_1174, %xor3A_1176 : vector<16xi32>
        %lt3A_1178 = arith.constant 0 : i32
        %lt3A_1179 = vector.broadcast %lt3A_1178 : i32 to vector<16xi32>
        %lt3A_1180 = arith.cmpi slt, %xor3A_1177, %lt3A_1179 : vector<16xi32>
        %add3A_1181 = arith.constant 16 : i32
        %add3A_1182 = vector.broadcast %add3A_1181 : i32 to vector<16xi32>
        %add3A_1183 = arith.addi %xor3A_1177, %add3A_1182 : vector<16xi32>
        %select_n3A_1184 = arith.select %lt3A_1180, %add3A_1183, %xor3A_1177 : vector<16xi1>, vector<16xi32>
        %broadcast_in_dim3A_1185 = vector.shape_cast %select_n3A_1184 : vector<16xi32> to vector<16x1xi32>
        %gather3A_1186 = vector.shape_cast %broadcast_in_dim3A_1185 : vector<16x1xi32> to vector<16xi32>
        %gather3A_1187 = tpu.dynamic_gather %scan3A_1172[%gather3A_1186] in [0] : vector<16xi32>, vector<16xi32> -> vector<16xi32>
        %add3A_1188 = arith.addi %scan3A_1172, %gather3A_1187 : vector<16xi32>
        %iota3A_1189 = tpu.iota {dimensions = array<i32: 0>} : vector<16xi32>
        %xor3A_1190 = arith.constant 4 : i32
        %xor3A_1191 = vector.broadcast %xor3A_1190 : i32 to vector<16xi32>
        %xor3A_1192 = arith.xori %iota3A_1189, %xor3A_1191 : vector<16xi32>
        %lt3A_1193 = arith.constant 0 : i32
        %lt3A_1194 = vector.broadcast %lt3A_1193 : i32 to vector<16xi32>
        %lt3A_1195 = arith.cmpi slt, %xor3A_1192, %lt3A_1194 : vector<16xi32>
        %add3A_1196 = arith.constant 16 : i32
        %add3A_1197 = vector.broadcast %add3A_1196 : i32 to vector<16xi32>
        %add3A_1198 = arith.addi %xor3A_1192, %add3A_1197 : vector<16xi32>
        %select_n3A_1199 = arith.select %lt3A_1195, %add3A_1198, %xor3A_1192 : vector<16xi1>, vector<16xi32>
        %broadcast_in_dim3A_1200 = vector.shape_cast %select_n3A_1199 : vector<16xi32> to vector<16x1xi32>
        %gather3A_1201 = vector.shape_cast %broadcast_in_dim3A_1200 : vector<16x1xi32> to vector<16xi32>
        %gather3A_1202 = tpu.dynamic_gather %add3A_1188[%gather3A_1201] in [0] : vector<16xi32>, vector<16xi32> -> vector<16xi32>
        %add3A_1203 = arith.addi %add3A_1188, %gather3A_1202 : vector<16xi32>
        %iota3A_1204 = tpu.iota {dimensions = array<i32: 0>} : vector<16xi32>
        %xor3A_1205 = arith.constant 2 : i32
        %xor3A_1206 = vector.broadcast %xor3A_1205 : i32 to vector<16xi32>
        %xor3A_1207 = arith.xori %iota3A_1204, %xor3A_1206 : vector<16xi32>
        %lt3A_1208 = arith.constant 0 : i32
        %lt3A_1209 = vector.broadcast %lt3A_1208 : i32 to vector<16xi32>
        %lt3A_1210 = arith.cmpi slt, %xor3A_1207, %lt3A_1209 : vector<16xi32>
        %add3A_1211 = arith.constant 16 : i32
        %add3A_1212 = vector.broadcast %add3A_1211 : i32 to vector<16xi32>
        %add3A_1213 = arith.addi %xor3A_1207, %add3A_1212 : vector<16xi32>
        %select_n3A_1214 = arith.select %lt3A_1210, %add3A_1213, %xor3A_1207 : vector<16xi1>, vector<16xi32>
        %broadcast_in_dim3A_1215 = vector.shape_cast %select_n3A_1214 : vector<16xi32> to vector<16x1xi32>
        %gather3A_1216 = vector.shape_cast %broadcast_in_dim3A_1215 : vector<16x1xi32> to vector<16xi32>
        %gather3A_1217 = tpu.dynamic_gather %add3A_1203[%gather3A_1216] in [0] : vector<16xi32>, vector<16xi32> -> vector<16xi32>
        %add3A_1218 = arith.addi %add3A_1203, %gather3A_1217 : vector<16xi32>
        %iota3A_1219 = tpu.iota {dimensions = array<i32: 0>} : vector<16xi32>
        %xor3A_1220 = arith.constant 1 : i32
        %xor3A_1221 = vector.broadcast %xor3A_1220 : i32 to vector<16xi32>
        %xor3A_1222 = arith.xori %iota3A_1219, %xor3A_1221 : vector<16xi32>
        %lt3A_1223 = arith.constant 0 : i32
        %lt3A_1224 = vector.broadcast %lt3A_1223 : i32 to vector<16xi32>
        %lt3A_1225 = arith.cmpi slt, %xor3A_1222, %lt3A_1224 : vector<16xi32>
        %add3A_1226 = arith.constant 16 : i32
        %add3A_1227 = vector.broadcast %add3A_1226 : i32 to vector<16xi32>
        %add3A_1228 = arith.addi %xor3A_1222, %add3A_1227 : vector<16xi32>
        %select_n3A_1229 = arith.select %lt3A_1225, %add3A_1228, %xor3A_1222 : vector<16xi1>, vector<16xi32>
        %broadcast_in_dim3A_1230 = vector.shape_cast %select_n3A_1229 : vector<16xi32> to vector<16x1xi32>
        %gather3A_1231 = vector.shape_cast %broadcast_in_dim3A_1230 : vector<16x1xi32> to vector<16xi32>
        %gather3A_1232 = tpu.dynamic_gather %add3A_1218[%gather3A_1231] in [0] : vector<16xi32>, vector<16xi32> -> vector<16xi32>
        %add3A_1233 = arith.addi %add3A_1218, %gather3A_1232 : vector<16xi32>
        %ge3A = arith.constant 768 : i32
        %ge3A_1234 = vector.broadcast %ge3A : i32 to vector<16xi32>
        %ge3A_1235 = arith.cmpi sge, %add3A_1233, %ge3A_1234 : vector<16xi32>
        %select_n3A_1236 = arith.select %ge3A_1235, %or3A_1162, %scan3A_1158 : vector<16xi1>, vector<16xi32>
        scf.yield %select_n3A_1236 : vector<16xi32>
      }
      %scan3A_104 = arith.constant 32 : i32
      %xor3A_105 = arith.constant -2147483648 : i32
      %xor3A_106 = vector.broadcast %xor3A_105 : i32 to vector<16xi32>
      %xor3A_107 = arith.xori %scan3A_103, %xor3A_106 : vector<16xi32>
      %broadcast_in_dim3A_108 = arith.constant 0 : i32
      %broadcast_in_dim3A_109 = vector.broadcast %broadcast_in_dim3A_108 : i32 to vector<16xi32>
      %scan3A_110 = arith.constant 0 : i32
      %scan3A_111 = arith.constant 32 : i32
      %scan3A_112 = arith.addi %scan3A_110, %scan3A_111 : i32
      %scan3A_113 = arith.constant 1 : i32
      %scan3A_114 = scf.for %scan3A_1157 = %scan3A_110 to %scan3A_112 step %scan3A_113 iter_args(%scan3A_1158 = %broadcast_in_dim3A_109) -> (vector<16xi32>)  : i32 {
        %sub3A_1159 = arith.constant 31 : i32
        %sub3A_1160 = arith.subi %sub3A_1159, %scan3A_1157 : i32
        %shift_left3A = arith.constant 1 : i32
        %shift_left3A_1161 = arith.shli %shift_left3A, %sub3A_1160 : i32
        %or3A = vector.broadcast %shift_left3A_1161 : i32 to vector<16xi32>
        %or3A_1162 = arith.ori %scan3A_1158, %or3A : vector<16xi32>
        %xor3A_1163 = arith.constant -2147483648 : i32
        %xor3A_1164 = vector.broadcast %xor3A_1163 : i32 to vector<16xi32>
        %xor3A_1165 = arith.xori %or3A_1162, %xor3A_1164 : vector<16xi32>
        %broadcast_in_dim3A_1166 = arith.constant 0 : i32
        %broadcast_in_dim3A_1167 = vector.broadcast %broadcast_in_dim3A_1166 : i32 to vector<16xi32>
        %scan3A_1168 = arith.constant 0 : i32
        %scan3A_1169 = arith.constant 64 : i32
        %scan3A_1170 = arith.addi %scan3A_1168, %scan3A_1169 : i32
        %scan3A_1171 = arith.constant 1 : i32
        %scan3A_1172 = scf.for %scan3A_1237 = %scan3A_1168 to %scan3A_1170 step %scan3A_1171 iter_args(%scan3A_1238 = %broadcast_in_dim3A_1167) -> (vector<16xi32>)  : i32 {
          %mul3A_1239 = arith.constant 16 : i32
          %mul3A_1240 = arith.muli %scan3A_1237, %mul3A_1239 : i32
          %get3A_1241 = arith.index_cast %mul3A_1240 : i32 to index
          %get3A_1242 = tpu.vector_load %arg7[%get3A_1241] {strides = array<i32>} : memref<1024xi32, #tpu.memory_space<vmem>>, vector<16xi32>,
          %get3A_1243 = vector.shape_cast %get3A_1242 : vector<16xi32> to vector<16xi32>
          %ge3A_1244 = arith.cmpi sge, %get3A_1243, %xor3A_1165 : vector<16xi32>
          %jit3A = arith.constant 1 : i32
          %jit3A_1245 = arith.constant 0 : i32
          %broadcast_in_dim3A_1246 = vector.broadcast %jit3A : i32 to vector<16xi32>
          %broadcast_in_dim3A_1247 = vector.broadcast %jit3A_1245 : i32 to vector<16xi32>
          %select_n3A_1248 = arith.select %ge3A_1244, %broadcast_in_dim3A_1246, %broadcast_in_dim3A_1247 : vector<16xi1>, vector<16xi32>
          %add3A_1249 = arith.addi %scan3A_1238, %select_n3A_1248 : vector<16xi32>
          scf.yield %add3A_1249 : vector<16xi32>
        }
        %scan3A_1173 = arith.constant 64 : i32
        %iota3A_1174 = tpu.iota {dimensions = array<i32: 0>} : vector<16xi32>
        %xor3A_1175 = arith.constant 8 : i32
        %xor3A_1176 = vector.broadcast %xor3A_1175 : i32 to vector<16xi32>
        %xor3A_1177 = arith.xori %iota3A_1174, %xor3A_1176 : vector<16xi32>
        %lt3A_1178 = arith.constant 0 : i32
        %lt3A_1179 = vector.broadcast %lt3A_1178 : i32 to vector<16xi32>
        %lt3A_1180 = arith.cmpi slt, %xor3A_1177, %lt3A_1179 : vector<16xi32>
        %add3A_1181 = arith.constant 16 : i32
        %add3A_1182 = vector.broadcast %add3A_1181 : i32 to vector<16xi32>
        %add3A_1183 = arith.addi %xor3A_1177, %add3A_1182 : vector<16xi32>
        %select_n3A_1184 = arith.select %lt3A_1180, %add3A_1183, %xor3A_1177 : vector<16xi1>, vector<16xi32>
        %broadcast_in_dim3A_1185 = vector.shape_cast %select_n3A_1184 : vector<16xi32> to vector<16x1xi32>
        %gather3A_1186 = vector.shape_cast %broadcast_in_dim3A_1185 : vector<16x1xi32> to vector<16xi32>
        %gather3A_1187 = tpu.dynamic_gather %scan3A_1172[%gather3A_1186] in [0] : vector<16xi32>, vector<16xi32> -> vector<16xi32>
        %add3A_1188 = arith.addi %scan3A_1172, %gather3A_1187 : vector<16xi32>
        %iota3A_1189 = tpu.iota {dimensions = array<i32: 0>} : vector<16xi32>
        %xor3A_1190 = arith.constant 4 : i32
        %xor3A_1191 = vector.broadcast %xor3A_1190 : i32 to vector<16xi32>
        %xor3A_1192 = arith.xori %iota3A_1189, %xor3A_1191 : vector<16xi32>
        %lt3A_1193 = arith.constant 0 : i32
        %lt3A_1194 = vector.broadcast %lt3A_1193 : i32 to vector<16xi32>
        %lt3A_1195 = arith.cmpi slt, %xor3A_1192, %lt3A_1194 : vector<16xi32>
        %add3A_1196 = arith.constant 16 : i32
        %add3A_1197 = vector.broadcast %add3A_1196 : i32 to vector<16xi32>
        %add3A_1198 = arith.addi %xor3A_1192, %add3A_1197 : vector<16xi32>
        %select_n3A_1199 = arith.select %lt3A_1195, %add3A_1198, %xor3A_1192 : vector<16xi1>, vector<16xi32>
        %broadcast_in_dim3A_1200 = vector.shape_cast %select_n3A_1199 : vector<16xi32> to vector<16x1xi32>
        %gather3A_1201 = vector.shape_cast %broadcast_in_dim3A_1200 : vector<16x1xi32> to vector<16xi32>
        %gather3A_1202 = tpu.dynamic_gather %add3A_1188[%gather3A_1201] in [0] : vector<16xi32>, vector<16xi32> -> vector<16xi32>
        %add3A_1203 = arith.addi %add3A_1188, %gather3A_1202 : vector<16xi32>
        %iota3A_1204 = tpu.iota {dimensions = array<i32: 0>} : vector<16xi32>
        %xor3A_1205 = arith.constant 2 : i32
        %xor3A_1206 = vector.broadcast %xor3A_1205 : i32 to vector<16xi32>
        %xor3A_1207 = arith.xori %iota3A_1204, %xor3A_1206 : vector<16xi32>
        %lt3A_1208 = arith.constant 0 : i32
        %lt3A_1209 = vector.broadcast %lt3A_1208 : i32 to vector<16xi32>
        %lt3A_1210 = arith.cmpi slt, %xor3A_1207, %lt3A_1209 : vector<16xi32>
        %add3A_1211 = arith.constant 16 : i32
        %add3A_1212 = vector.broadcast %add3A_1211 : i32 to vector<16xi32>
        %add3A_1213 = arith.addi %xor3A_1207, %add3A_1212 : vector<16xi32>
        %select_n3A_1214 = arith.select %lt3A_1210, %add3A_1213, %xor3A_1207 : vector<16xi1>, vector<16xi32>
        %broadcast_in_dim3A_1215 = vector.shape_cast %select_n3A_1214 : vector<16xi32> to vector<16x1xi32>
        %gather3A_1216 = vector.shape_cast %broadcast_in_dim3A_1215 : vector<16x1xi32> to vector<16xi32>
        %gather3A_1217 = tpu.dynamic_gather %add3A_1203[%gather3A_1216] in [0] : vector<16xi32>, vector<16xi32> -> vector<16xi32>
        %add3A_1218 = arith.addi %add3A_1203, %gather3A_1217 : vector<16xi32>
        %iota3A_1219 = tpu.iota {dimensions = array<i32: 0>} : vector<16xi32>
        %xor3A_1220 = arith.constant 1 : i32
        %xor3A_1221 = vector.broadcast %xor3A_1220 : i32 to vector<16xi32>
        %xor3A_1222 = arith.xori %iota3A_1219, %xor3A_1221 : vector<16xi32>
        %lt3A_1223 = arith.constant 0 : i32
        %lt3A_1224 = vector.broadcast %lt3A_1223 : i32 to vector<16xi32>
        %lt3A_1225 = arith.cmpi slt, %xor3A_1222, %lt3A_1224 : vector<16xi32>
        %add3A_1226 = arith.constant 16 : i32
        %add3A_1227 = vector.broadcast %add3A_1226 : i32 to vector<16xi32>
        %add3A_1228 = arith.addi %xor3A_1222, %add3A_1227 : vector<16xi32>
        %select_n3A_1229 = arith.select %lt3A_1225, %add3A_1228, %xor3A_1222 : vector<16xi1>, vector<16xi32>
        %broadcast_in_dim3A_1230 = vector.shape_cast %select_n3A_1229 : vector<16xi32> to vector<16x1xi32>
        %gather3A_1231 = vector.shape_cast %broadcast_in_dim3A_1230 : vector<16x1xi32> to vector<16xi32>
        %gather3A_1232 = tpu.dynamic_gather %add3A_1218[%gather3A_1231] in [0] : vector<16xi32>, vector<16xi32> -> vector<16xi32>
        %add3A_1233 = arith.addi %add3A_1218, %gather3A_1232 : vector<16xi32>
        %ge3A = arith.constant 819 : i32
        %ge3A_1234 = vector.broadcast %ge3A : i32 to vector<16xi32>
        %ge3A_1235 = arith.cmpi sge, %add3A_1233, %ge3A_1234 : vector<16xi32>
        %select_n3A_1236 = arith.select %ge3A_1235, %or3A_1162, %scan3A_1158 : vector<16xi1>, vector<16xi32>
        scf.yield %select_n3A_1236 : vector<16xi32>
      }
      %scan3A_115 = arith.constant 32 : i32
      %xor3A_116 = arith.constant -2147483648 : i32
      %xor3A_117 = vector.broadcast %xor3A_116 : i32 to vector<16xi32>
      %xor3A_118 = arith.xori %scan3A_114, %xor3A_117 : vector<16xi32>
      %broadcast_in_dim3A_119 = arith.constant 0.000000e+00 : f32
      %broadcast_in_dim3A_120 = vector.broadcast %broadcast_in_dim3A_119 : f32 to vector<16xf32>
      %broadcast_in_dim3A_121 = arith.constant 0.000000e+00 : f32
      %broadcast_in_dim3A_122 = vector.broadcast %broadcast_in_dim3A_121 : f32 to vector<16xf32>
      %broadcast_in_dim3A_123 = arith.constant 0 : i32
      %broadcast_in_dim3A_124 = vector.broadcast %broadcast_in_dim3A_123 : i32 to vector<16xi32>
      %broadcast_in_dim3A_125 = arith.constant 0 : i32
      %broadcast_in_dim3A_126 = vector.broadcast %broadcast_in_dim3A_125 : i32 to vector<16xi32>
      %scan3A_127 = arith.constant 0 : i32
      %scan3A_128 = arith.constant 64 : i32
      %scan3A_129 = arith.addi %scan3A_127, %scan3A_128 : i32
      %scan3A_130 = arith.constant 1 : i32
      %scan3A_131:16 = scf.for %scan3A_1157 = %scan3A_127 to %scan3A_129 step %scan3A_130 iter_args(%scan3A_1158 = %broadcast_in_dim3A_120, %scan3A_1159 = %broadcast_in_dim3A_122, %scan3A_1160 = %broadcast_in_dim3A_124, %scan3A_1161 = %broadcast_in_dim3A_126, %scan3A_1162 = %broadcast_in_dim3A_120, %scan3A_1163 = %broadcast_in_dim3A_122, %scan3A_1164 = %broadcast_in_dim3A_124, %scan3A_1165 = %broadcast_in_dim3A_126, %scan3A_1166 = %broadcast_in_dim3A_120, %scan3A_1167 = %broadcast_in_dim3A_122, %scan3A_1168 = %broadcast_in_dim3A_124, %scan3A_1169 = %broadcast_in_dim3A_126, %scan3A_1170 = %broadcast_in_dim3A_120, %scan3A_1171 = %broadcast_in_dim3A_122, %scan3A_1172 = %broadcast_in_dim3A_124, %scan3A_1173 = %broadcast_in_dim3A_126) -> (vector<16xf32>, vector<16xf32>, vector<16xi32>, vector<16xi32>, vector<16xf32>, vector<16xf32>, vector<16xi32>, vector<16xi32>, vector<16xf32>, vector<16xf32>, vector<16xi32>, vector<16xi32>, vector<16xf32>, vector<16xf32>, vector<16xi32>, vector<16xi32>)  : i32 {
        %mul3A_1174 = arith.constant 16 : i32
        %mul3A_1175 = arith.muli %scan3A_1157, %mul3A_1174 : i32
        %get3A_1176 = arith.index_cast %mul3A_1175 : i32 to index
        %get3A_1177 = tpu.vector_load %arg6[%get3A_1176] {strides = array<i32>} : memref<1024xf32, #tpu.memory_space<vmem>>, vector<16xf32>,
        %get3A_1178 = vector.shape_cast %get3A_1177 : vector<16xf32> to vector<16xf32>
        %mul3A_1179 = arith.constant 16 : i32
        %mul3A_1180 = arith.muli %scan3A_1157, %mul3A_1179 : i32
        %get3A_1181 = arith.index_cast %mul3A_1180 : i32 to index
        %get3A_1182 = tpu.vector_load %arg7[%get3A_1181] {strides = array<i32>} : memref<1024xi32, #tpu.memory_space<vmem>>, vector<16xi32>,
        %get3A_1183 = vector.shape_cast %get3A_1182 : vector<16xi32> to vector<16xi32>
        %sub3A_1184 = arith.subf %get3A_1178, %max3A_74 : vector<16xf32>
        %exp3A = math.exp %sub3A_1184 : vector<16xf32>
        %gt3A = arith.cmpi sgt, %get3A_1183, %xor3A_85 : vector<16xi32>
        %eq3A = arith.cmpi eq, %get3A_1183, %xor3A_85 : vector<16xi32>
        %jit3A = arith.constant 0.000000e+00 : f32
        %broadcast_in_dim3A_1185 = vector.broadcast %jit3A : f32 to vector<16xf32>
        %select_n3A_1186 = arith.select %gt3A, %exp3A, %broadcast_in_dim3A_1185 : vector<16xi1>, vector<16xf32>
        %add3A_1187 = arith.addf %scan3A_1158, %select_n3A_1186 : vector<16xf32>
        %jit3A_1188 = arith.constant 0.000000e+00 : f32
        %broadcast_in_dim3A_1189 = vector.broadcast %jit3A_1188 : f32 to vector<16xf32>
        %select_n3A_1190 = arith.select %eq3A, %exp3A, %broadcast_in_dim3A_1189 : vector<16xi1>, vector<16xf32>
        %add3A_1191 = arith.addf %scan3A_1159, %select_n3A_1190 : vector<16xf32>
        %jit3A_1192 = arith.constant 1 : i32
        %jit3A_1193 = arith.constant 0 : i32
        %broadcast_in_dim3A_1194 = vector.broadcast %jit3A_1192 : i32 to vector<16xi32>
        %broadcast_in_dim3A_1195 = vector.broadcast %jit3A_1193 : i32 to vector<16xi32>
        %select_n3A_1196 = arith.select %gt3A, %broadcast_in_dim3A_1194, %broadcast_in_dim3A_1195 : vector<16xi1>, vector<16xi32>
        %add3A_1197 = arith.addi %scan3A_1160, %select_n3A_1196 : vector<16xi32>
        %jit3A_1198 = arith.constant 1 : i32
        %jit3A_1199 = arith.constant 0 : i32
        %broadcast_in_dim3A_1200 = vector.broadcast %jit3A_1198 : i32 to vector<16xi32>
        %broadcast_in_dim3A_1201 = vector.broadcast %jit3A_1199 : i32 to vector<16xi32>
        %select_n3A_1202 = arith.select %eq3A, %broadcast_in_dim3A_1200, %broadcast_in_dim3A_1201 : vector<16xi1>, vector<16xi32>
        %add3A_1203 = arith.addi %scan3A_1161, %select_n3A_1202 : vector<16xi32>
        %gt3A_1204 = arith.cmpi sgt, %get3A_1183, %xor3A_96 : vector<16xi32>
        %eq3A_1205 = arith.cmpi eq, %get3A_1183, %xor3A_96 : vector<16xi32>
        %jit3A_1206 = arith.constant 0.000000e+00 : f32
        %broadcast_in_dim3A_1207 = vector.broadcast %jit3A_1206 : f32 to vector<16xf32>
        %select_n3A_1208 = arith.select %gt3A_1204, %exp3A, %broadcast_in_dim3A_1207 : vector<16xi1>, vector<16xf32>
        %add3A_1209 = arith.addf %scan3A_1162, %select_n3A_1208 : vector<16xf32>
        %jit3A_1210 = arith.constant 0.000000e+00 : f32
        %broadcast_in_dim3A_1211 = vector.broadcast %jit3A_1210 : f32 to vector<16xf32>
        %select_n3A_1212 = arith.select %eq3A_1205, %exp3A, %broadcast_in_dim3A_1211 : vector<16xi1>, vector<16xf32>
        %add3A_1213 = arith.addf %scan3A_1163, %select_n3A_1212 : vector<16xf32>
        %jit3A_1214 = arith.constant 1 : i32
        %jit3A_1215 = arith.constant 0 : i32
        %broadcast_in_dim3A_1216 = vector.broadcast %jit3A_1214 : i32 to vector<16xi32>
        %broadcast_in_dim3A_1217 = vector.broadcast %jit3A_1215 : i32 to vector<16xi32>
        %select_n3A_1218 = arith.select %gt3A_1204, %broadcast_in_dim3A_1216, %broadcast_in_dim3A_1217 : vector<16xi1>, vector<16xi32>
        %add3A_1219 = arith.addi %scan3A_1164, %select_n3A_1218 : vector<16xi32>
        %jit3A_1220 = arith.constant 1 : i32
        %jit3A_1221 = arith.constant 0 : i32
        %broadcast_in_dim3A_1222 = vector.broadcast %jit3A_1220 : i32 to vector<16xi32>
        %broadcast_in_dim3A_1223 = vector.broadcast %jit3A_1221 : i32 to vector<16xi32>
        %select_n3A_1224 = arith.select %eq3A_1205, %broadcast_in_dim3A_1222, %broadcast_in_dim3A_1223 : vector<16xi1>, vector<16xi32>
        %add3A_1225 = arith.addi %scan3A_1165, %select_n3A_1224 : vector<16xi32>
        %gt3A_1226 = arith.cmpi sgt, %get3A_1183, %xor3A_107 : vector<16xi32>
        %eq3A_1227 = arith.cmpi eq, %get3A_1183, %xor3A_107 : vector<16xi32>
        %jit3A_1228 = arith.constant 0.000000e+00 : f32
        %broadcast_in_dim3A_1229 = vector.broadcast %jit3A_1228 : f32 to vector<16xf32>
        %select_n3A_1230 = arith.select %gt3A_1226, %exp3A, %broadcast_in_dim3A_1229 : vector<16xi1>, vector<16xf32>
        %add3A_1231 = arith.addf %scan3A_1166, %select_n3A_1230 : vector<16xf32>
        %jit3A_1232 = arith.constant 0.000000e+00 : f32
        %broadcast_in_dim3A_1233 = vector.broadcast %jit3A_1232 : f32 to vector<16xf32>
        %select_n3A_1234 = arith.select %eq3A_1227, %exp3A, %broadcast_in_dim3A_1233 : vector<16xi1>, vector<16xf32>
        %add3A_1235 = arith.addf %scan3A_1167, %select_n3A_1234 : vector<16xf32>
        %jit3A_1236 = arith.constant 1 : i32
        %jit3A_1237 = arith.constant 0 : i32
        %broadcast_in_dim3A_1238 = vector.broadcast %jit3A_1236 : i32 to vector<16xi32>
        %broadcast_in_dim3A_1239 = vector.broadcast %jit3A_1237 : i32 to vector<16xi32>
        %select_n3A_1240 = arith.select %gt3A_1226, %broadcast_in_dim3A_1238, %broadcast_in_dim3A_1239 : vector<16xi1>, vector<16xi32>
        %add3A_1241 = arith.addi %scan3A_1168, %select_n3A_1240 : vector<16xi32>
        %jit3A_1242 = arith.constant 1 : i32
        %jit3A_1243 = arith.constant 0 : i32
        %broadcast_in_dim3A_1244 = vector.broadcast %jit3A_1242 : i32 to vector<16xi32>
        %broadcast_in_dim3A_1245 = vector.broadcast %jit3A_1243 : i32 to vector<16xi32>
        %select_n3A_1246 = arith.select %eq3A_1227, %broadcast_in_dim3A_1244, %broadcast_in_dim3A_1245 : vector<16xi1>, vector<16xi32>
        %add3A_1247 = arith.addi %scan3A_1169, %select_n3A_1246 : vector<16xi32>
        %gt3A_1248 = arith.cmpi sgt, %get3A_1183, %xor3A_118 : vector<16xi32>
        %eq3A_1249 = arith.cmpi eq, %get3A_1183, %xor3A_118 : vector<16xi32>
        %jit3A_1250 = arith.constant 0.000000e+00 : f32
        %broadcast_in_dim3A_1251 = vector.broadcast %jit3A_1250 : f32 to vector<16xf32>
        %select_n3A_1252 = arith.select %gt3A_1248, %exp3A, %broadcast_in_dim3A_1251 : vector<16xi1>, vector<16xf32>
        %add3A_1253 = arith.addf %scan3A_1170, %select_n3A_1252 : vector<16xf32>
        %jit3A_1254 = arith.constant 0.000000e+00 : f32
        %broadcast_in_dim3A_1255 = vector.broadcast %jit3A_1254 : f32 to vector<16xf32>
        %select_n3A_1256 = arith.select %eq3A_1249, %exp3A, %broadcast_in_dim3A_1255 : vector<16xi1>, vector<16xf32>
        %add3A_1257 = arith.addf %scan3A_1171, %select_n3A_1256 : vector<16xf32>
        %jit3A_1258 = arith.constant 1 : i32
        %jit3A_1259 = arith.constant 0 : i32
        %broadcast_in_dim3A_1260 = vector.broadcast %jit3A_1258 : i32 to vector<16xi32>
        %broadcast_in_dim3A_1261 = vector.broadcast %jit3A_1259 : i32 to vector<16xi32>
        %select_n3A_1262 = arith.select %gt3A_1248, %broadcast_in_dim3A_1260, %broadcast_in_dim3A_1261 : vector<16xi1>, vector<16xi32>
        %add3A_1263 = arith.addi %scan3A_1172, %select_n3A_1262 : vector<16xi32>
        %jit3A_1264 = arith.constant 1 : i32
        %jit3A_1265 = arith.constant 0 : i32
        %broadcast_in_dim3A_1266 = vector.broadcast %jit3A_1264 : i32 to vector<16xi32>
        %broadcast_in_dim3A_1267 = vector.broadcast %jit3A_1265 : i32 to vector<16xi32>
        %select_n3A_1268 = arith.select %eq3A_1249, %broadcast_in_dim3A_1266, %broadcast_in_dim3A_1267 : vector<16xi1>, vector<16xi32>
        %add3A_1269 = arith.addi %scan3A_1173, %select_n3A_1268 : vector<16xi32>
        scf.yield %add3A_1187, %add3A_1191, %add3A_1197, %add3A_1203, %add3A_1209, %add3A_1213, %add3A_1219, %add3A_1225, %add3A_1231, %add3A_1235, %add3A_1241, %add3A_1247, %add3A_1253, %add3A_1257, %add3A_1263, %add3A_1269 : vector<16xf32>, vector<16xf32>, vector<16xi32>, vector<16xi32>, vector<16xf32>, vector<16xf32>, vector<16xi32>, vector<16xi32>, vector<16xf32>, vector<16xf32>, vector<16xi32>, vector<16xi32>, vector<16xf32>, vector<16xf32>, vector<16xi32>, vector<16xi32>
      }
      %scan3A_132 = arith.constant 64 : i32
      %iota3A_133 = tpu.iota {dimensions = array<i32: 0>} : vector<16xi32>
      %xor3A_134 = arith.constant 8 : i32
      %xor3A_135 = vector.broadcast %xor3A_134 : i32 to vector<16xi32>
      %xor3A_136 = arith.xori %iota3A_133, %xor3A_135 : vector<16xi32>
      %lt3A_137 = arith.constant 0 : i32
      %lt3A_138 = vector.broadcast %lt3A_137 : i32 to vector<16xi32>
      %lt3A_139 = arith.cmpi slt, %xor3A_136, %lt3A_138 : vector<16xi32>
      %add3A_140 = arith.constant 16 : i32
      %add3A_141 = vector.broadcast %add3A_140 : i32 to vector<16xi32>
      %add3A_142 = arith.addi %xor3A_136, %add3A_141 : vector<16xi32>
      %select_n3A_143 = arith.select %lt3A_139, %add3A_142, %xor3A_136 : vector<16xi1>, vector<16xi32>
      %broadcast_in_dim3A_144 = vector.shape_cast %select_n3A_143 : vector<16xi32> to vector<16x1xi32>
      %gather3A_145 = vector.shape_cast %broadcast_in_dim3A_144 : vector<16x1xi32> to vector<16xi32>
      %gather3A_146 = tpu.dynamic_gather %scan3A_131#0[%gather3A_145] in [0] : vector<16xf32>, vector<16xi32> -> vector<16xf32>
      %add3A_147 = arith.addf %scan3A_131#0, %gather3A_146 : vector<16xf32>
      %iota3A_148 = tpu.iota {dimensions = array<i32: 0>} : vector<16xi32>
      %xor3A_149 = arith.constant 4 : i32
      %xor3A_150 = vector.broadcast %xor3A_149 : i32 to vector<16xi32>
      %xor3A_151 = arith.xori %iota3A_148, %xor3A_150 : vector<16xi32>
      %lt3A_152 = arith.constant 0 : i32
      %lt3A_153 = vector.broadcast %lt3A_152 : i32 to vector<16xi32>
      %lt3A_154 = arith.cmpi slt, %xor3A_151, %lt3A_153 : vector<16xi32>
      %add3A_155 = arith.constant 16 : i32
      %add3A_156 = vector.broadcast %add3A_155 : i32 to vector<16xi32>
      %add3A_157 = arith.addi %xor3A_151, %add3A_156 : vector<16xi32>
      %select_n3A_158 = arith.select %lt3A_154, %add3A_157, %xor3A_151 : vector<16xi1>, vector<16xi32>
      %broadcast_in_dim3A_159 = vector.shape_cast %select_n3A_158 : vector<16xi32> to vector<16x1xi32>
      %gather3A_160 = vector.shape_cast %broadcast_in_dim3A_159 : vector<16x1xi32> to vector<16xi32>
      %gather3A_161 = tpu.dynamic_gather %add3A_147[%gather3A_160] in [0] : vector<16xf32>, vector<16xi32> -> vector<16xf32>
      %add3A_162 = arith.addf %add3A_147, %gather3A_161 : vector<16xf32>
      %iota3A_163 = tpu.iota {dimensions = array<i32: 0>} : vector<16xi32>
      %xor3A_164 = arith.constant 2 : i32
      %xor3A_165 = vector.broadcast %xor3A_164 : i32 to vector<16xi32>
      %xor3A_166 = arith.xori %iota3A_163, %xor3A_165 : vector<16xi32>
      %lt3A_167 = arith.constant 0 : i32
      %lt3A_168 = vector.broadcast %lt3A_167 : i32 to vector<16xi32>
      %lt3A_169 = arith.cmpi slt, %xor3A_166, %lt3A_168 : vector<16xi32>
      %add3A_170 = arith.constant 16 : i32
      %add3A_171 = vector.broadcast %add3A_170 : i32 to vector<16xi32>
      %add3A_172 = arith.addi %xor3A_166, %add3A_171 : vector<16xi32>
      %select_n3A_173 = arith.select %lt3A_169, %add3A_172, %xor3A_166 : vector<16xi1>, vector<16xi32>
      %broadcast_in_dim3A_174 = vector.shape_cast %select_n3A_173 : vector<16xi32> to vector<16x1xi32>
      %gather3A_175 = vector.shape_cast %broadcast_in_dim3A_174 : vector<16x1xi32> to vector<16xi32>
      %gather3A_176 = tpu.dynamic_gather %add3A_162[%gather3A_175] in [0] : vector<16xf32>, vector<16xi32> -> vector<16xf32>
      %add3A_177 = arith.addf %add3A_162, %gather3A_176 : vector<16xf32>
      %iota3A_178 = tpu.iota {dimensions = array<i32: 0>} : vector<16xi32>
      %xor3A_179 = arith.constant 1 : i32
      %xor3A_180 = vector.broadcast %xor3A_179 : i32 to vector<16xi32>
      %xor3A_181 = arith.xori %iota3A_178, %xor3A_180 : vector<16xi32>
      %lt3A_182 = arith.constant 0 : i32
      %lt3A_183 = vector.broadcast %lt3A_182 : i32 to vector<16xi32>
      %lt3A_184 = arith.cmpi slt, %xor3A_181, %lt3A_183 : vector<16xi32>
      %add3A_185 = arith.constant 16 : i32
      %add3A_186 = vector.broadcast %add3A_185 : i32 to vector<16xi32>
      %add3A_187 = arith.addi %xor3A_181, %add3A_186 : vector<16xi32>
      %select_n3A_188 = arith.select %lt3A_184, %add3A_187, %xor3A_181 : vector<16xi1>, vector<16xi32>
      %broadcast_in_dim3A_189 = vector.shape_cast %select_n3A_188 : vector<16xi32> to vector<16x1xi32>
      %gather3A_190 = vector.shape_cast %broadcast_in_dim3A_189 : vector<16x1xi32> to vector<16xi32>
      %gather3A_191 = tpu.dynamic_gather %add3A_177[%gather3A_190] in [0] : vector<16xf32>, vector<16xi32> -> vector<16xf32>
      %add3A_192 = arith.addf %add3A_177, %gather3A_191 : vector<16xf32>
      %iota3A_193 = tpu.iota {dimensions = array<i32: 0>} : vector<16xi32>
      %xor3A_194 = arith.constant 8 : i32
      %xor3A_195 = vector.broadcast %xor3A_194 : i32 to vector<16xi32>
      %xor3A_196 = arith.xori %iota3A_193, %xor3A_195 : vector<16xi32>
      %lt3A_197 = arith.constant 0 : i32
      %lt3A_198 = vector.broadcast %lt3A_197 : i32 to vector<16xi32>
      %lt3A_199 = arith.cmpi slt, %xor3A_196, %lt3A_198 : vector<16xi32>
      %add3A_200 = arith.constant 16 : i32
      %add3A_201 = vector.broadcast %add3A_200 : i32 to vector<16xi32>
      %add3A_202 = arith.addi %xor3A_196, %add3A_201 : vector<16xi32>
      %select_n3A_203 = arith.select %lt3A_199, %add3A_202, %xor3A_196 : vector<16xi1>, vector<16xi32>
      %broadcast_in_dim3A_204 = vector.shape_cast %select_n3A_203 : vector<16xi32> to vector<16x1xi32>
      %gather3A_205 = vector.shape_cast %broadcast_in_dim3A_204 : vector<16x1xi32> to vector<16xi32>
      %gather3A_206 = tpu.dynamic_gather %scan3A_131#1[%gather3A_205] in [0] : vector<16xf32>, vector<16xi32> -> vector<16xf32>
      %add3A_207 = arith.addf %scan3A_131#1, %gather3A_206 : vector<16xf32>
      %iota3A_208 = tpu.iota {dimensions = array<i32: 0>} : vector<16xi32>
      %xor3A_209 = arith.constant 4 : i32
      %xor3A_210 = vector.broadcast %xor3A_209 : i32 to vector<16xi32>
      %xor3A_211 = arith.xori %iota3A_208, %xor3A_210 : vector<16xi32>
      %lt3A_212 = arith.constant 0 : i32
      %lt3A_213 = vector.broadcast %lt3A_212 : i32 to vector<16xi32>
      %lt3A_214 = arith.cmpi slt, %xor3A_211, %lt3A_213 : vector<16xi32>
      %add3A_215 = arith.constant 16 : i32
      %add3A_216 = vector.broadcast %add3A_215 : i32 to vector<16xi32>
      %add3A_217 = arith.addi %xor3A_211, %add3A_216 : vector<16xi32>
      %select_n3A_218 = arith.select %lt3A_214, %add3A_217, %xor3A_211 : vector<16xi1>, vector<16xi32>
      %broadcast_in_dim3A_219 = vector.shape_cast %select_n3A_218 : vector<16xi32> to vector<16x1xi32>
      %gather3A_220 = vector.shape_cast %broadcast_in_dim3A_219 : vector<16x1xi32> to vector<16xi32>
      %gather3A_221 = tpu.dynamic_gather %add3A_207[%gather3A_220] in [0] : vector<16xf32>, vector<16xi32> -> vector<16xf32>
      %add3A_222 = arith.addf %add3A_207, %gather3A_221 : vector<16xf32>
      %iota3A_223 = tpu.iota {dimensions = array<i32: 0>} : vector<16xi32>
      %xor3A_224 = arith.constant 2 : i32
      %xor3A_225 = vector.broadcast %xor3A_224 : i32 to vector<16xi32>
      %xor3A_226 = arith.xori %iota3A_223, %xor3A_225 : vector<16xi32>
      %lt3A_227 = arith.constant 0 : i32
      %lt3A_228 = vector.broadcast %lt3A_227 : i32 to vector<16xi32>
      %lt3A_229 = arith.cmpi slt, %xor3A_226, %lt3A_228 : vector<16xi32>
      %add3A_230 = arith.constant 16 : i32
      %add3A_231 = vector.broadcast %add3A_230 : i32 to vector<16xi32>
      %add3A_232 = arith.addi %xor3A_226, %add3A_231 : vector<16xi32>
      %select_n3A_233 = arith.select %lt3A_229, %add3A_232, %xor3A_226 : vector<16xi1>, vector<16xi32>
      %broadcast_in_dim3A_234 = vector.shape_cast %select_n3A_233 : vector<16xi32> to vector<16x1xi32>
      %gather3A_235 = vector.shape_cast %broadcast_in_dim3A_234 : vector<16x1xi32> to vector<16xi32>
      %gather3A_236 = tpu.dynamic_gather %add3A_222[%gather3A_235] in [0] : vector<16xf32>, vector<16xi32> -> vector<16xf32>
      %add3A_237 = arith.addf %add3A_222, %gather3A_236 : vector<16xf32>
      %iota3A_238 = tpu.iota {dimensions = array<i32: 0>} : vector<16xi32>
      %xor3A_239 = arith.constant 1 : i32
      %xor3A_240 = vector.broadcast %xor3A_239 : i32 to vector<16xi32>
      %xor3A_241 = arith.xori %iota3A_238, %xor3A_240 : vector<16xi32>
      %lt3A_242 = arith.constant 0 : i32
      %lt3A_243 = vector.broadcast %lt3A_242 : i32 to vector<16xi32>
      %lt3A_244 = arith.cmpi slt, %xor3A_241, %lt3A_243 : vector<16xi32>
      %add3A_245 = arith.constant 16 : i32
      %add3A_246 = vector.broadcast %add3A_245 : i32 to vector<16xi32>
      %add3A_247 = arith.addi %xor3A_241, %add3A_246 : vector<16xi32>
      %select_n3A_248 = arith.select %lt3A_244, %add3A_247, %xor3A_241 : vector<16xi1>, vector<16xi32>
      %broadcast_in_dim3A_249 = vector.shape_cast %select_n3A_248 : vector<16xi32> to vector<16x1xi32>
      %gather3A_250 = vector.shape_cast %broadcast_in_dim3A_249 : vector<16x1xi32> to vector<16xi32>
      %gather3A_251 = tpu.dynamic_gather %add3A_237[%gather3A_250] in [0] : vector<16xf32>, vector<16xi32> -> vector<16xf32>
      %add3A_252 = arith.addf %add3A_237, %gather3A_251 : vector<16xf32>
      %iota3A_253 = tpu.iota {dimensions = array<i32: 0>} : vector<16xi32>
      %xor3A_254 = arith.constant 8 : i32
      %xor3A_255 = vector.broadcast %xor3A_254 : i32 to vector<16xi32>
      %xor3A_256 = arith.xori %iota3A_253, %xor3A_255 : vector<16xi32>
      %lt3A_257 = arith.constant 0 : i32
      %lt3A_258 = vector.broadcast %lt3A_257 : i32 to vector<16xi32>
      %lt3A_259 = arith.cmpi slt, %xor3A_256, %lt3A_258 : vector<16xi32>
      %add3A_260 = arith.constant 16 : i32
      %add3A_261 = vector.broadcast %add3A_260 : i32 to vector<16xi32>
      %add3A_262 = arith.addi %xor3A_256, %add3A_261 : vector<16xi32>
      %select_n3A_263 = arith.select %lt3A_259, %add3A_262, %xor3A_256 : vector<16xi1>, vector<16xi32>
      %broadcast_in_dim3A_264 = vector.shape_cast %select_n3A_263 : vector<16xi32> to vector<16x1xi32>
      %gather3A_265 = vector.shape_cast %broadcast_in_dim3A_264 : vector<16x1xi32> to vector<16xi32>
      %gather3A_266 = tpu.dynamic_gather %scan3A_131#2[%gather3A_265] in [0] : vector<16xi32>, vector<16xi32> -> vector<16xi32>
      %add3A_267 = arith.addi %scan3A_131#2, %gather3A_266 : vector<16xi32>
      %iota3A_268 = tpu.iota {dimensions = array<i32: 0>} : vector<16xi32>
      %xor3A_269 = arith.constant 4 : i32
      %xor3A_270 = vector.broadcast %xor3A_269 : i32 to vector<16xi32>
      %xor3A_271 = arith.xori %iota3A_268, %xor3A_270 : vector<16xi32>
      %lt3A_272 = arith.constant 0 : i32
      %lt3A_273 = vector.broadcast %lt3A_272 : i32 to vector<16xi32>
      %lt3A_274 = arith.cmpi slt, %xor3A_271, %lt3A_273 : vector<16xi32>
      %add3A_275 = arith.constant 16 : i32
      %add3A_276 = vector.broadcast %add3A_275 : i32 to vector<16xi32>
      %add3A_277 = arith.addi %xor3A_271, %add3A_276 : vector<16xi32>
      %select_n3A_278 = arith.select %lt3A_274, %add3A_277, %xor3A_271 : vector<16xi1>, vector<16xi32>
      %broadcast_in_dim3A_279 = vector.shape_cast %select_n3A_278 : vector<16xi32> to vector<16x1xi32>
      %gather3A_280 = vector.shape_cast %broadcast_in_dim3A_279 : vector<16x1xi32> to vector<16xi32>
      %gather3A_281 = tpu.dynamic_gather %add3A_267[%gather3A_280] in [0] : vector<16xi32>, vector<16xi32> -> vector<16xi32>
      %add3A_282 = arith.addi %add3A_267, %gather3A_281 : vector<16xi32>
      %iota3A_283 = tpu.iota {dimensions = array<i32: 0>} : vector<16xi32>
      %xor3A_284 = arith.constant 2 : i32
      %xor3A_285 = vector.broadcast %xor3A_284 : i32 to vector<16xi32>
      %xor3A_286 = arith.xori %iota3A_283, %xor3A_285 : vector<16xi32>
      %lt3A_287 = arith.constant 0 : i32
      %lt3A_288 = vector.broadcast %lt3A_287 : i32 to vector<16xi32>
      %lt3A_289 = arith.cmpi slt, %xor3A_286, %lt3A_288 : vector<16xi32>
      %add3A_290 = arith.constant 16 : i32
      %add3A_291 = vector.broadcast %add3A_290 : i32 to vector<16xi32>
      %add3A_292 = arith.addi %xor3A_286, %add3A_291 : vector<16xi32>
      %select_n3A_293 = arith.select %lt3A_289, %add3A_292, %xor3A_286 : vector<16xi1>, vector<16xi32>
      %broadcast_in_dim3A_294 = vector.shape_cast %select_n3A_293 : vector<16xi32> to vector<16x1xi32>
      %gather3A_295 = vector.shape_cast %broadcast_in_dim3A_294 : vector<16x1xi32> to vector<16xi32>
      %gather3A_296 = tpu.dynamic_gather %add3A_282[%gather3A_295] in [0] : vector<16xi32>, vector<16xi32> -> vector<16xi32>
      %add3A_297 = arith.addi %add3A_282, %gather3A_296 : vector<16xi32>
      %iota3A_298 = tpu.iota {dimensions = array<i32: 0>} : vector<16xi32>
      %xor3A_299 = arith.constant 1 : i32
      %xor3A_300 = vector.broadcast %xor3A_299 : i32 to vector<16xi32>
      %xor3A_301 = arith.xori %iota3A_298, %xor3A_300 : vector<16xi32>
      %lt3A_302 = arith.constant 0 : i32
      %lt3A_303 = vector.broadcast %lt3A_302 : i32 to vector<16xi32>
      %lt3A_304 = arith.cmpi slt, %xor3A_301, %lt3A_303 : vector<16xi32>
      %add3A_305 = arith.constant 16 : i32
      %add3A_306 = vector.broadcast %add3A_305 : i32 to vector<16xi32>
      %add3A_307 = arith.addi %xor3A_301, %add3A_306 : vector<16xi32>
      %select_n3A_308 = arith.select %lt3A_304, %add3A_307, %xor3A_301 : vector<16xi1>, vector<16xi32>
      %broadcast_in_dim3A_309 = vector.shape_cast %select_n3A_308 : vector<16xi32> to vector<16x1xi32>
      %gather3A_310 = vector.shape_cast %broadcast_in_dim3A_309 : vector<16x1xi32> to vector<16xi32>
      %gather3A_311 = tpu.dynamic_gather %add3A_297[%gather3A_310] in [0] : vector<16xi32>, vector<16xi32> -> vector<16xi32>
      %add3A_312 = arith.addi %add3A_297, %gather3A_311 : vector<16xi32>
      %convert_element_type3A_313 = arith.sitofp %add3A_312 : vector<16xi32> to vector<16xf32>
      %iota3A_314 = tpu.iota {dimensions = array<i32: 0>} : vector<16xi32>
      %xor3A_315 = arith.constant 8 : i32
      %xor3A_316 = vector.broadcast %xor3A_315 : i32 to vector<16xi32>
      %xor3A_317 = arith.xori %iota3A_314, %xor3A_316 : vector<16xi32>
      %lt3A_318 = arith.constant 0 : i32
      %lt3A_319 = vector.broadcast %lt3A_318 : i32 to vector<16xi32>
      %lt3A_320 = arith.cmpi slt, %xor3A_317, %lt3A_319 : vector<16xi32>
      %add3A_321 = arith.constant 16 : i32
      %add3A_322 = vector.broadcast %add3A_321 : i32 to vector<16xi32>
      %add3A_323 = arith.addi %xor3A_317, %add3A_322 : vector<16xi32>
      %select_n3A_324 = arith.select %lt3A_320, %add3A_323, %xor3A_317 : vector<16xi1>, vector<16xi32>
      %broadcast_in_dim3A_325 = vector.shape_cast %select_n3A_324 : vector<16xi32> to vector<16x1xi32>
      %gather3A_326 = vector.shape_cast %broadcast_in_dim3A_325 : vector<16x1xi32> to vector<16xi32>
      %gather3A_327 = tpu.dynamic_gather %scan3A_131#3[%gather3A_326] in [0] : vector<16xi32>, vector<16xi32> -> vector<16xi32>
      %add3A_328 = arith.addi %scan3A_131#3, %gather3A_327 : vector<16xi32>
      %iota3A_329 = tpu.iota {dimensions = array<i32: 0>} : vector<16xi32>
      %xor3A_330 = arith.constant 4 : i32
      %xor3A_331 = vector.broadcast %xor3A_330 : i32 to vector<16xi32>
      %xor3A_332 = arith.xori %iota3A_329, %xor3A_331 : vector<16xi32>
      %lt3A_333 = arith.constant 0 : i32
      %lt3A_334 = vector.broadcast %lt3A_333 : i32 to vector<16xi32>
      %lt3A_335 = arith.cmpi slt, %xor3A_332, %lt3A_334 : vector<16xi32>
      %add3A_336 = arith.constant 16 : i32
      %add3A_337 = vector.broadcast %add3A_336 : i32 to vector<16xi32>
      %add3A_338 = arith.addi %xor3A_332, %add3A_337 : vector<16xi32>
      %select_n3A_339 = arith.select %lt3A_335, %add3A_338, %xor3A_332 : vector<16xi1>, vector<16xi32>
      %broadcast_in_dim3A_340 = vector.shape_cast %select_n3A_339 : vector<16xi32> to vector<16x1xi32>
      %gather3A_341 = vector.shape_cast %broadcast_in_dim3A_340 : vector<16x1xi32> to vector<16xi32>
      %gather3A_342 = tpu.dynamic_gather %add3A_328[%gather3A_341] in [0] : vector<16xi32>, vector<16xi32> -> vector<16xi32>
      %add3A_343 = arith.addi %add3A_328, %gather3A_342 : vector<16xi32>
      %iota3A_344 = tpu.iota {dimensions = array<i32: 0>} : vector<16xi32>
      %xor3A_345 = arith.constant 2 : i32
      %xor3A_346 = vector.broadcast %xor3A_345 : i32 to vector<16xi32>
      %xor3A_347 = arith.xori %iota3A_344, %xor3A_346 : vector<16xi32>
      %lt3A_348 = arith.constant 0 : i32
      %lt3A_349 = vector.broadcast %lt3A_348 : i32 to vector<16xi32>
      %lt3A_350 = arith.cmpi slt, %xor3A_347, %lt3A_349 : vector<16xi32>
      %add3A_351 = arith.constant 16 : i32
      %add3A_352 = vector.broadcast %add3A_351 : i32 to vector<16xi32>
      %add3A_353 = arith.addi %xor3A_347, %add3A_352 : vector<16xi32>
      %select_n3A_354 = arith.select %lt3A_350, %add3A_353, %xor3A_347 : vector<16xi1>, vector<16xi32>
      %broadcast_in_dim3A_355 = vector.shape_cast %select_n3A_354 : vector<16xi32> to vector<16x1xi32>
      %gather3A_356 = vector.shape_cast %broadcast_in_dim3A_355 : vector<16x1xi32> to vector<16xi32>
      %gather3A_357 = tpu.dynamic_gather %add3A_343[%gather3A_356] in [0] : vector<16xi32>, vector<16xi32> -> vector<16xi32>
      %add3A_358 = arith.addi %add3A_343, %gather3A_357 : vector<16xi32>
      %iota3A_359 = tpu.iota {dimensions = array<i32: 0>} : vector<16xi32>
      %xor3A_360 = arith.constant 1 : i32
      %xor3A_361 = vector.broadcast %xor3A_360 : i32 to vector<16xi32>
      %xor3A_362 = arith.xori %iota3A_359, %xor3A_361 : vector<16xi32>
      %lt3A_363 = arith.constant 0 : i32
      %lt3A_364 = vector.broadcast %lt3A_363 : i32 to vector<16xi32>
      %lt3A_365 = arith.cmpi slt, %xor3A_362, %lt3A_364 : vector<16xi32>
      %add3A_366 = arith.constant 16 : i32
      %add3A_367 = vector.broadcast %add3A_366 : i32 to vector<16xi32>
      %add3A_368 = arith.addi %xor3A_362, %add3A_367 : vector<16xi32>
      %select_n3A_369 = arith.select %lt3A_365, %add3A_368, %xor3A_362 : vector<16xi1>, vector<16xi32>
      %broadcast_in_dim3A_370 = vector.shape_cast %select_n3A_369 : vector<16xi32> to vector<16x1xi32>
      %gather3A_371 = vector.shape_cast %broadcast_in_dim3A_370 : vector<16x1xi32> to vector<16xi32>
      %gather3A_372 = tpu.dynamic_gather %add3A_358[%gather3A_371] in [0] : vector<16xi32>, vector<16xi32> -> vector<16xi32>
      %add3A_373 = arith.addi %add3A_358, %gather3A_372 : vector<16xi32>
      %convert_element_type3A_374 = arith.sitofp %add3A_373 : vector<16xi32> to vector<16xf32>
      %div3A = arith.divf %add3A_252, %convert_element_type3A_374 : vector<16xf32>
      %sub3A = arith.constant 5.120000e+02 : f32
      %sub3A_375 = vector.broadcast %sub3A : f32 to vector<16xf32>
      %sub3A_376 = arith.subf %sub3A_375, %convert_element_type3A_313 : vector<16xf32>
      %mul3A_377 = arith.mulf %sub3A_376, %div3A : vector<16xf32>
      %add3A_378 = arith.addf %add3A_192, %mul3A_377 : vector<16xf32>
      %div3A_379 = arith.divf %get3A_4, %add3A_378 : vector<16xf32>
      %sub3A_380 = arith.constant 5.120000e+02 : f32
      %sub3A_381 = vector.broadcast %sub3A_380 : f32 to vector<16xf32>
      %sub3A_382 = arith.subf %sub3A_381, %convert_element_type3A_313 : vector<16xf32>
      %mul3A_383 = arith.mulf %get3A_4, %sub3A_382 : vector<16xf32>
      %mul3A_384 = arith.mulf %convert_element_type3A_374, %add3A_378 : vector<16xf32>
      %div3A_385 = arith.divf %mul3A_383, %mul3A_384 : vector<16xf32>
      %iota3A_386 = tpu.iota {dimensions = array<i32: 0>} : vector<16xi32>
      %xor3A_387 = arith.constant 8 : i32
      %xor3A_388 = vector.broadcast %xor3A_387 : i32 to vector<16xi32>
      %xor3A_389 = arith.xori %iota3A_386, %xor3A_388 : vector<16xi32>
      %lt3A_390 = arith.constant 0 : i32
      %lt3A_391 = vector.broadcast %lt3A_390 : i32 to vector<16xi32>
      %lt3A_392 = arith.cmpi slt, %xor3A_389, %lt3A_391 : vector<16xi32>
      %add3A_393 = arith.constant 16 : i32
      %add3A_394 = vector.broadcast %add3A_393 : i32 to vector<16xi32>
      %add3A_395 = arith.addi %xor3A_389, %add3A_394 : vector<16xi32>
      %select_n3A_396 = arith.select %lt3A_392, %add3A_395, %xor3A_389 : vector<16xi1>, vector<16xi32>
      %broadcast_in_dim3A_397 = vector.shape_cast %select_n3A_396 : vector<16xi32> to vector<16x1xi32>
      %gather3A_398 = vector.shape_cast %broadcast_in_dim3A_397 : vector<16x1xi32> to vector<16xi32>
      %gather3A_399 = tpu.dynamic_gather %scan3A_131#4[%gather3A_398] in [0] : vector<16xf32>, vector<16xi32> -> vector<16xf32>
      %add3A_400 = arith.addf %scan3A_131#4, %gather3A_399 : vector<16xf32>
      %iota3A_401 = tpu.iota {dimensions = array<i32: 0>} : vector<16xi32>
      %xor3A_402 = arith.constant 4 : i32
      %xor3A_403 = vector.broadcast %xor3A_402 : i32 to vector<16xi32>
      %xor3A_404 = arith.xori %iota3A_401, %xor3A_403 : vector<16xi32>
      %lt3A_405 = arith.constant 0 : i32
      %lt3A_406 = vector.broadcast %lt3A_405 : i32 to vector<16xi32>
      %lt3A_407 = arith.cmpi slt, %xor3A_404, %lt3A_406 : vector<16xi32>
      %add3A_408 = arith.constant 16 : i32
      %add3A_409 = vector.broadcast %add3A_408 : i32 to vector<16xi32>
      %add3A_410 = arith.addi %xor3A_404, %add3A_409 : vector<16xi32>
      %select_n3A_411 = arith.select %lt3A_407, %add3A_410, %xor3A_404 : vector<16xi1>, vector<16xi32>
      %broadcast_in_dim3A_412 = vector.shape_cast %select_n3A_411 : vector<16xi32> to vector<16x1xi32>
      %gather3A_413 = vector.shape_cast %broadcast_in_dim3A_412 : vector<16x1xi32> to vector<16xi32>
      %gather3A_414 = tpu.dynamic_gather %add3A_400[%gather3A_413] in [0] : vector<16xf32>, vector<16xi32> -> vector<16xf32>
      %add3A_415 = arith.addf %add3A_400, %gather3A_414 : vector<16xf32>
      %iota3A_416 = tpu.iota {dimensions = array<i32: 0>} : vector<16xi32>
      %xor3A_417 = arith.constant 2 : i32
      %xor3A_418 = vector.broadcast %xor3A_417 : i32 to vector<16xi32>
      %xor3A_419 = arith.xori %iota3A_416, %xor3A_418 : vector<16xi32>
      %lt3A_420 = arith.constant 0 : i32
      %lt3A_421 = vector.broadcast %lt3A_420 : i32 to vector<16xi32>
      %lt3A_422 = arith.cmpi slt, %xor3A_419, %lt3A_421 : vector<16xi32>
      %add3A_423 = arith.constant 16 : i32
      %add3A_424 = vector.broadcast %add3A_423 : i32 to vector<16xi32>
      %add3A_425 = arith.addi %xor3A_419, %add3A_424 : vector<16xi32>
      %select_n3A_426 = arith.select %lt3A_422, %add3A_425, %xor3A_419 : vector<16xi1>, vector<16xi32>
      %broadcast_in_dim3A_427 = vector.shape_cast %select_n3A_426 : vector<16xi32> to vector<16x1xi32>
      %gather3A_428 = vector.shape_cast %broadcast_in_dim3A_427 : vector<16x1xi32> to vector<16xi32>
      %gather3A_429 = tpu.dynamic_gather %add3A_415[%gather3A_428] in [0] : vector<16xf32>, vector<16xi32> -> vector<16xf32>
      %add3A_430 = arith.addf %add3A_415, %gather3A_429 : vector<16xf32>
      %iota3A_431 = tpu.iota {dimensions = array<i32: 0>} : vector<16xi32>
      %xor3A_432 = arith.constant 1 : i32
      %xor3A_433 = vector.broadcast %xor3A_432 : i32 to vector<16xi32>
      %xor3A_434 = arith.xori %iota3A_431, %xor3A_433 : vector<16xi32>
      %lt3A_435 = arith.constant 0 : i32
      %lt3A_436 = vector.broadcast %lt3A_435 : i32 to vector<16xi32>
      %lt3A_437 = arith.cmpi slt, %xor3A_434, %lt3A_436 : vector<16xi32>
      %add3A_438 = arith.constant 16 : i32
      %add3A_439 = vector.broadcast %add3A_438 : i32 to vector<16xi32>
      %add3A_440 = arith.addi %xor3A_434, %add3A_439 : vector<16xi32>
      %select_n3A_441 = arith.select %lt3A_437, %add3A_440, %xor3A_434 : vector<16xi1>, vector<16xi32>
      %broadcast_in_dim3A_442 = vector.shape_cast %select_n3A_441 : vector<16xi32> to vector<16x1xi32>
      %gather3A_443 = vector.shape_cast %broadcast_in_dim3A_442 : vector<16x1xi32> to vector<16xi32>
      %gather3A_444 = tpu.dynamic_gather %add3A_430[%gather3A_443] in [0] : vector<16xf32>, vector<16xi32> -> vector<16xf32>
      %add3A_445 = arith.addf %add3A_430, %gather3A_444 : vector<16xf32>
      %iota3A_446 = tpu.iota {dimensions = array<i32: 0>} : vector<16xi32>
      %xor3A_447 = arith.constant 8 : i32
      %xor3A_448 = vector.broadcast %xor3A_447 : i32 to vector<16xi32>
      %xor3A_449 = arith.xori %iota3A_446, %xor3A_448 : vector<16xi32>
      %lt3A_450 = arith.constant 0 : i32
      %lt3A_451 = vector.broadcast %lt3A_450 : i32 to vector<16xi32>
      %lt3A_452 = arith.cmpi slt, %xor3A_449, %lt3A_451 : vector<16xi32>
      %add3A_453 = arith.constant 16 : i32
      %add3A_454 = vector.broadcast %add3A_453 : i32 to vector<16xi32>
      %add3A_455 = arith.addi %xor3A_449, %add3A_454 : vector<16xi32>
      %select_n3A_456 = arith.select %lt3A_452, %add3A_455, %xor3A_449 : vector<16xi1>, vector<16xi32>
      %broadcast_in_dim3A_457 = vector.shape_cast %select_n3A_456 : vector<16xi32> to vector<16x1xi32>
      %gather3A_458 = vector.shape_cast %broadcast_in_dim3A_457 : vector<16x1xi32> to vector<16xi32>
      %gather3A_459 = tpu.dynamic_gather %scan3A_131#5[%gather3A_458] in [0] : vector<16xf32>, vector<16xi32> -> vector<16xf32>
      %add3A_460 = arith.addf %scan3A_131#5, %gather3A_459 : vector<16xf32>
      %iota3A_461 = tpu.iota {dimensions = array<i32: 0>} : vector<16xi32>
      %xor3A_462 = arith.constant 4 : i32
      %xor3A_463 = vector.broadcast %xor3A_462 : i32 to vector<16xi32>
      %xor3A_464 = arith.xori %iota3A_461, %xor3A_463 : vector<16xi32>
      %lt3A_465 = arith.constant 0 : i32
      %lt3A_466 = vector.broadcast %lt3A_465 : i32 to vector<16xi32>
      %lt3A_467 = arith.cmpi slt, %xor3A_464, %lt3A_466 : vector<16xi32>
      %add3A_468 = arith.constant 16 : i32
      %add3A_469 = vector.broadcast %add3A_468 : i32 to vector<16xi32>
      %add3A_470 = arith.addi %xor3A_464, %add3A_469 : vector<16xi32>
      %select_n3A_471 = arith.select %lt3A_467, %add3A_470, %xor3A_464 : vector<16xi1>, vector<16xi32>
      %broadcast_in_dim3A_472 = vector.shape_cast %select_n3A_471 : vector<16xi32> to vector<16x1xi32>
      %gather3A_473 = vector.shape_cast %broadcast_in_dim3A_472 : vector<16x1xi32> to vector<16xi32>
      %gather3A_474 = tpu.dynamic_gather %add3A_460[%gather3A_473] in [0] : vector<16xf32>, vector<16xi32> -> vector<16xf32>
      %add3A_475 = arith.addf %add3A_460, %gather3A_474 : vector<16xf32>
      %iota3A_476 = tpu.iota {dimensions = array<i32: 0>} : vector<16xi32>
      %xor3A_477 = arith.constant 2 : i32
      %xor3A_478 = vector.broadcast %xor3A_477 : i32 to vector<16xi32>
      %xor3A_479 = arith.xori %iota3A_476, %xor3A_478 : vector<16xi32>
      %lt3A_480 = arith.constant 0 : i32
      %lt3A_481 = vector.broadcast %lt3A_480 : i32 to vector<16xi32>
      %lt3A_482 = arith.cmpi slt, %xor3A_479, %lt3A_481 : vector<16xi32>
      %add3A_483 = arith.constant 16 : i32
      %add3A_484 = vector.broadcast %add3A_483 : i32 to vector<16xi32>
      %add3A_485 = arith.addi %xor3A_479, %add3A_484 : vector<16xi32>
      %select_n3A_486 = arith.select %lt3A_482, %add3A_485, %xor3A_479 : vector<16xi1>, vector<16xi32>
      %broadcast_in_dim3A_487 = vector.shape_cast %select_n3A_486 : vector<16xi32> to vector<16x1xi32>
      %gather3A_488 = vector.shape_cast %broadcast_in_dim3A_487 : vector<16x1xi32> to vector<16xi32>
      %gather3A_489 = tpu.dynamic_gather %add3A_475[%gather3A_488] in [0] : vector<16xf32>, vector<16xi32> -> vector<16xf32>
      %add3A_490 = arith.addf %add3A_475, %gather3A_489 : vector<16xf32>
      %iota3A_491 = tpu.iota {dimensions = array<i32: 0>} : vector<16xi32>
      %xor3A_492 = arith.constant 1 : i32
      %xor3A_493 = vector.broadcast %xor3A_492 : i32 to vector<16xi32>
      %xor3A_494 = arith.xori %iota3A_491, %xor3A_493 : vector<16xi32>
      %lt3A_495 = arith.constant 0 : i32
      %lt3A_496 = vector.broadcast %lt3A_495 : i32 to vector<16xi32>
      %lt3A_497 = arith.cmpi slt, %xor3A_494, %lt3A_496 : vector<16xi32>
      %add3A_498 = arith.constant 16 : i32
      %add3A_499 = vector.broadcast %add3A_498 : i32 to vector<16xi32>
      %add3A_500 = arith.addi %xor3A_494, %add3A_499 : vector<16xi32>
      %select_n3A_501 = arith.select %lt3A_497, %add3A_500, %xor3A_494 : vector<16xi1>, vector<16xi32>
      %broadcast_in_dim3A_502 = vector.shape_cast %select_n3A_501 : vector<16xi32> to vector<16x1xi32>
      %gather3A_503 = vector.shape_cast %broadcast_in_dim3A_502 : vector<16x1xi32> to vector<16xi32>
      %gather3A_504 = tpu.dynamic_gather %add3A_490[%gather3A_503] in [0] : vector<16xf32>, vector<16xi32> -> vector<16xf32>
      %add3A_505 = arith.addf %add3A_490, %gather3A_504 : vector<16xf32>
      %iota3A_506 = tpu.iota {dimensions = array<i32: 0>} : vector<16xi32>
      %xor3A_507 = arith.constant 8 : i32
      %xor3A_508 = vector.broadcast %xor3A_507 : i32 to vector<16xi32>
      %xor3A_509 = arith.xori %iota3A_506, %xor3A_508 : vector<16xi32>
      %lt3A_510 = arith.constant 0 : i32
      %lt3A_511 = vector.broadcast %lt3A_510 : i32 to vector<16xi32>
      %lt3A_512 = arith.cmpi slt, %xor3A_509, %lt3A_511 : vector<16xi32>
      %add3A_513 = arith.constant 16 : i32
      %add3A_514 = vector.broadcast %add3A_513 : i32 to vector<16xi32>
      %add3A_515 = arith.addi %xor3A_509, %add3A_514 : vector<16xi32>
      %select_n3A_516 = arith.select %lt3A_512, %add3A_515, %xor3A_509 : vector<16xi1>, vector<16xi32>
      %broadcast_in_dim3A_517 = vector.shape_cast %select_n3A_516 : vector<16xi32> to vector<16x1xi32>
      %gather3A_518 = vector.shape_cast %broadcast_in_dim3A_517 : vector<16x1xi32> to vector<16xi32>
      %gather3A_519 = tpu.dynamic_gather %scan3A_131#6[%gather3A_518] in [0] : vector<16xi32>, vector<16xi32> -> vector<16xi32>
      %add3A_520 = arith.addi %scan3A_131#6, %gather3A_519 : vector<16xi32>
      %iota3A_521 = tpu.iota {dimensions = array<i32: 0>} : vector<16xi32>
      %xor3A_522 = arith.constant 4 : i32
      %xor3A_523 = vector.broadcast %xor3A_522 : i32 to vector<16xi32>
      %xor3A_524 = arith.xori %iota3A_521, %xor3A_523 : vector<16xi32>
      %lt3A_525 = arith.constant 0 : i32
      %lt3A_526 = vector.broadcast %lt3A_525 : i32 to vector<16xi32>
      %lt3A_527 = arith.cmpi slt, %xor3A_524, %lt3A_526 : vector<16xi32>
      %add3A_528 = arith.constant 16 : i32
      %add3A_529 = vector.broadcast %add3A_528 : i32 to vector<16xi32>
      %add3A_530 = arith.addi %xor3A_524, %add3A_529 : vector<16xi32>
      %select_n3A_531 = arith.select %lt3A_527, %add3A_530, %xor3A_524 : vector<16xi1>, vector<16xi32>
      %broadcast_in_dim3A_532 = vector.shape_cast %select_n3A_531 : vector<16xi32> to vector<16x1xi32>
      %gather3A_533 = vector.shape_cast %broadcast_in_dim3A_532 : vector<16x1xi32> to vector<16xi32>
      %gather3A_534 = tpu.dynamic_gather %add3A_520[%gather3A_533] in [0] : vector<16xi32>, vector<16xi32> -> vector<16xi32>
      %add3A_535 = arith.addi %add3A_520, %gather3A_534 : vector<16xi32>
      %iota3A_536 = tpu.iota {dimensions = array<i32: 0>} : vector<16xi32>
      %xor3A_537 = arith.constant 2 : i32
      %xor3A_538 = vector.broadcast %xor3A_537 : i32 to vector<16xi32>
      %xor3A_539 = arith.xori %iota3A_536, %xor3A_538 : vector<16xi32>
      %lt3A_540 = arith.constant 0 : i32
      %lt3A_541 = vector.broadcast %lt3A_540 : i32 to vector<16xi32>
      %lt3A_542 = arith.cmpi slt, %xor3A_539, %lt3A_541 : vector<16xi32>
      %add3A_543 = arith.constant 16 : i32
      %add3A_544 = vector.broadcast %add3A_543 : i32 to vector<16xi32>
      %add3A_545 = arith.addi %xor3A_539, %add3A_544 : vector<16xi32>
      %select_n3A_546 = arith.select %lt3A_542, %add3A_545, %xor3A_539 : vector<16xi1>, vector<16xi32>
      %broadcast_in_dim3A_547 = vector.shape_cast %select_n3A_546 : vector<16xi32> to vector<16x1xi32>
      %gather3A_548 = vector.shape_cast %broadcast_in_dim3A_547 : vector<16x1xi32> to vector<16xi32>
      %gather3A_549 = tpu.dynamic_gather %add3A_535[%gather3A_548] in [0] : vector<16xi32>, vector<16xi32> -> vector<16xi32>
      %add3A_550 = arith.addi %add3A_535, %gather3A_549 : vector<16xi32>
      %iota3A_551 = tpu.iota {dimensions = array<i32: 0>} : vector<16xi32>
      %xor3A_552 = arith.constant 1 : i32
      %xor3A_553 = vector.broadcast %xor3A_552 : i32 to vector<16xi32>
      %xor3A_554 = arith.xori %iota3A_551, %xor3A_553 : vector<16xi32>
      %lt3A_555 = arith.constant 0 : i32
      %lt3A_556 = vector.broadcast %lt3A_555 : i32 to vector<16xi32>
      %lt3A_557 = arith.cmpi slt, %xor3A_554, %lt3A_556 : vector<16xi32>
      %add3A_558 = arith.constant 16 : i32
      %add3A_559 = vector.broadcast %add3A_558 : i32 to vector<16xi32>
      %add3A_560 = arith.addi %xor3A_554, %add3A_559 : vector<16xi32>
      %select_n3A_561 = arith.select %lt3A_557, %add3A_560, %xor3A_554 : vector<16xi1>, vector<16xi32>
      %broadcast_in_dim3A_562 = vector.shape_cast %select_n3A_561 : vector<16xi32> to vector<16x1xi32>
      %gather3A_563 = vector.shape_cast %broadcast_in_dim3A_562 : vector<16x1xi32> to vector<16xi32>
      %gather3A_564 = tpu.dynamic_gather %add3A_550[%gather3A_563] in [0] : vector<16xi32>, vector<16xi32> -> vector<16xi32>
      %add3A_565 = arith.addi %add3A_550, %gather3A_564 : vector<16xi32>
      %convert_element_type3A_566 = arith.sitofp %add3A_565 : vector<16xi32> to vector<16xf32>
      %iota3A_567 = tpu.iota {dimensions = array<i32: 0>} : vector<16xi32>
      %xor3A_568 = arith.constant 8 : i32
      %xor3A_569 = vector.broadcast %xor3A_568 : i32 to vector<16xi32>
      %xor3A_570 = arith.xori %iota3A_567, %xor3A_569 : vector<16xi32>
      %lt3A_571 = arith.constant 0 : i32
      %lt3A_572 = vector.broadcast %lt3A_571 : i32 to vector<16xi32>
      %lt3A_573 = arith.cmpi slt, %xor3A_570, %lt3A_572 : vector<16xi32>
      %add3A_574 = arith.constant 16 : i32
      %add3A_575 = vector.broadcast %add3A_574 : i32 to vector<16xi32>
      %add3A_576 = arith.addi %xor3A_570, %add3A_575 : vector<16xi32>
      %select_n3A_577 = arith.select %lt3A_573, %add3A_576, %xor3A_570 : vector<16xi1>, vector<16xi32>
      %broadcast_in_dim3A_578 = vector.shape_cast %select_n3A_577 : vector<16xi32> to vector<16x1xi32>
      %gather3A_579 = vector.shape_cast %broadcast_in_dim3A_578 : vector<16x1xi32> to vector<16xi32>
      %gather3A_580 = tpu.dynamic_gather %scan3A_131#7[%gather3A_579] in [0] : vector<16xi32>, vector<16xi32> -> vector<16xi32>
      %add3A_581 = arith.addi %scan3A_131#7, %gather3A_580 : vector<16xi32>
      %iota3A_582 = tpu.iota {dimensions = array<i32: 0>} : vector<16xi32>
      %xor3A_583 = arith.constant 4 : i32
      %xor3A_584 = vector.broadcast %xor3A_583 : i32 to vector<16xi32>
      %xor3A_585 = arith.xori %iota3A_582, %xor3A_584 : vector<16xi32>
      %lt3A_586 = arith.constant 0 : i32
      %lt3A_587 = vector.broadcast %lt3A_586 : i32 to vector<16xi32>
      %lt3A_588 = arith.cmpi slt, %xor3A_585, %lt3A_587 : vector<16xi32>
      %add3A_589 = arith.constant 16 : i32
      %add3A_590 = vector.broadcast %add3A_589 : i32 to vector<16xi32>
      %add3A_591 = arith.addi %xor3A_585, %add3A_590 : vector<16xi32>
      %select_n3A_592 = arith.select %lt3A_588, %add3A_591, %xor3A_585 : vector<16xi1>, vector<16xi32>
      %broadcast_in_dim3A_593 = vector.shape_cast %select_n3A_592 : vector<16xi32> to vector<16x1xi32>
      %gather3A_594 = vector.shape_cast %broadcast_in_dim3A_593 : vector<16x1xi32> to vector<16xi32>
      %gather3A_595 = tpu.dynamic_gather %add3A_581[%gather3A_594] in [0] : vector<16xi32>, vector<16xi32> -> vector<16xi32>
      %add3A_596 = arith.addi %add3A_581, %gather3A_595 : vector<16xi32>
      %iota3A_597 = tpu.iota {dimensions = array<i32: 0>} : vector<16xi32>
      %xor3A_598 = arith.constant 2 : i32
      %xor3A_599 = vector.broadcast %xor3A_598 : i32 to vector<16xi32>
      %xor3A_600 = arith.xori %iota3A_597, %xor3A_599 : vector<16xi32>
      %lt3A_601 = arith.constant 0 : i32
      %lt3A_602 = vector.broadcast %lt3A_601 : i32 to vector<16xi32>
      %lt3A_603 = arith.cmpi slt, %xor3A_600, %lt3A_602 : vector<16xi32>
      %add3A_604 = arith.constant 16 : i32
      %add3A_605 = vector.broadcast %add3A_604 : i32 to vector<16xi32>
      %add3A_606 = arith.addi %xor3A_600, %add3A_605 : vector<16xi32>
      %select_n3A_607 = arith.select %lt3A_603, %add3A_606, %xor3A_600 : vector<16xi1>, vector<16xi32>
      %broadcast_in_dim3A_608 = vector.shape_cast %select_n3A_607 : vector<16xi32> to vector<16x1xi32>
      %gather3A_609 = vector.shape_cast %broadcast_in_dim3A_608 : vector<16x1xi32> to vector<16xi32>
      %gather3A_610 = tpu.dynamic_gather %add3A_596[%gather3A_609] in [0] : vector<16xi32>, vector<16xi32> -> vector<16xi32>
      %add3A_611 = arith.addi %add3A_596, %gather3A_610 : vector<16xi32>
      %iota3A_612 = tpu.iota {dimensions = array<i32: 0>} : vector<16xi32>
      %xor3A_613 = arith.constant 1 : i32
      %xor3A_614 = vector.broadcast %xor3A_613 : i32 to vector<16xi32>
      %xor3A_615 = arith.xori %iota3A_612, %xor3A_614 : vector<16xi32>
      %lt3A_616 = arith.constant 0 : i32
      %lt3A_617 = vector.broadcast %lt3A_616 : i32 to vector<16xi32>
      %lt3A_618 = arith.cmpi slt, %xor3A_615, %lt3A_617 : vector<16xi32>
      %add3A_619 = arith.constant 16 : i32
      %add3A_620 = vector.broadcast %add3A_619 : i32 to vector<16xi32>
      %add3A_621 = arith.addi %xor3A_615, %add3A_620 : vector<16xi32>
      %select_n3A_622 = arith.select %lt3A_618, %add3A_621, %xor3A_615 : vector<16xi1>, vector<16xi32>
      %broadcast_in_dim3A_623 = vector.shape_cast %select_n3A_622 : vector<16xi32> to vector<16x1xi32>
      %gather3A_624 = vector.shape_cast %broadcast_in_dim3A_623 : vector<16x1xi32> to vector<16xi32>
      %gather3A_625 = tpu.dynamic_gather %add3A_611[%gather3A_624] in [0] : vector<16xi32>, vector<16xi32> -> vector<16xi32>
      %add3A_626 = arith.addi %add3A_611, %gather3A_625 : vector<16xi32>
      %convert_element_type3A_627 = arith.sitofp %add3A_626 : vector<16xi32> to vector<16xf32>
      %div3A_628 = arith.divf %add3A_505, %convert_element_type3A_627 : vector<16xf32>
      %sub3A_629 = arith.constant 6.820000e+02 : f32
      %sub3A_630 = vector.broadcast %sub3A_629 : f32 to vector<16xf32>
      %sub3A_631 = arith.subf %sub3A_630, %convert_element_type3A_566 : vector<16xf32>
      %mul3A_632 = arith.mulf %sub3A_631, %div3A_628 : vector<16xf32>
      %add3A_633 = arith.addf %add3A_445, %mul3A_632 : vector<16xf32>
      %div3A_634 = arith.divf %get3A_7, %add3A_633 : vector<16xf32>
      %sub3A_635 = arith.constant 6.820000e+02 : f32
      %sub3A_636 = vector.broadcast %sub3A_635 : f32 to vector<16xf32>
      %sub3A_637 = arith.subf %sub3A_636, %convert_element_type3A_566 : vector<16xf32>
      %mul3A_638 = arith.mulf %get3A_7, %sub3A_637 : vector<16xf32>
      %mul3A_639 = arith.mulf %convert_element_type3A_627, %add3A_633 : vector<16xf32>
      %div3A_640 = arith.divf %mul3A_638, %mul3A_639 : vector<16xf32>
      %iota3A_641 = tpu.iota {dimensions = array<i32: 0>} : vector<16xi32>
      %xor3A_642 = arith.constant 8 : i32
      %xor3A_643 = vector.broadcast %xor3A_642 : i32 to vector<16xi32>
      %xor3A_644 = arith.xori %iota3A_641, %xor3A_643 : vector<16xi32>
      %lt3A_645 = arith.constant 0 : i32
      %lt3A_646 = vector.broadcast %lt3A_645 : i32 to vector<16xi32>
      %lt3A_647 = arith.cmpi slt, %xor3A_644, %lt3A_646 : vector<16xi32>
      %add3A_648 = arith.constant 16 : i32
      %add3A_649 = vector.broadcast %add3A_648 : i32 to vector<16xi32>
      %add3A_650 = arith.addi %xor3A_644, %add3A_649 : vector<16xi32>
      %select_n3A_651 = arith.select %lt3A_647, %add3A_650, %xor3A_644 : vector<16xi1>, vector<16xi32>
      %broadcast_in_dim3A_652 = vector.shape_cast %select_n3A_651 : vector<16xi32> to vector<16x1xi32>
      %gather3A_653 = vector.shape_cast %broadcast_in_dim3A_652 : vector<16x1xi32> to vector<16xi32>
      %gather3A_654 = tpu.dynamic_gather %scan3A_131#8[%gather3A_653] in [0] : vector<16xf32>, vector<16xi32> -> vector<16xf32>
      %add3A_655 = arith.addf %scan3A_131#8, %gather3A_654 : vector<16xf32>
      %iota3A_656 = tpu.iota {dimensions = array<i32: 0>} : vector<16xi32>
      %xor3A_657 = arith.constant 4 : i32
      %xor3A_658 = vector.broadcast %xor3A_657 : i32 to vector<16xi32>
      %xor3A_659 = arith.xori %iota3A_656, %xor3A_658 : vector<16xi32>
      %lt3A_660 = arith.constant 0 : i32
      %lt3A_661 = vector.broadcast %lt3A_660 : i32 to vector<16xi32>
      %lt3A_662 = arith.cmpi slt, %xor3A_659, %lt3A_661 : vector<16xi32>
      %add3A_663 = arith.constant 16 : i32
      %add3A_664 = vector.broadcast %add3A_663 : i32 to vector<16xi32>
      %add3A_665 = arith.addi %xor3A_659, %add3A_664 : vector<16xi32>
      %select_n3A_666 = arith.select %lt3A_662, %add3A_665, %xor3A_659 : vector<16xi1>, vector<16xi32>
      %broadcast_in_dim3A_667 = vector.shape_cast %select_n3A_666 : vector<16xi32> to vector<16x1xi32>
      %gather3A_668 = vector.shape_cast %broadcast_in_dim3A_667 : vector<16x1xi32> to vector<16xi32>
      %gather3A_669 = tpu.dynamic_gather %add3A_655[%gather3A_668] in [0] : vector<16xf32>, vector<16xi32> -> vector<16xf32>
      %add3A_670 = arith.addf %add3A_655, %gather3A_669 : vector<16xf32>
      %iota3A_671 = tpu.iota {dimensions = array<i32: 0>} : vector<16xi32>
      %xor3A_672 = arith.constant 2 : i32
      %xor3A_673 = vector.broadcast %xor3A_672 : i32 to vector<16xi32>
      %xor3A_674 = arith.xori %iota3A_671, %xor3A_673 : vector<16xi32>
      %lt3A_675 = arith.constant 0 : i32
      %lt3A_676 = vector.broadcast %lt3A_675 : i32 to vector<16xi32>
      %lt3A_677 = arith.cmpi slt, %xor3A_674, %lt3A_676 : vector<16xi32>
      %add3A_678 = arith.constant 16 : i32
      %add3A_679 = vector.broadcast %add3A_678 : i32 to vector<16xi32>
      %add3A_680 = arith.addi %xor3A_674, %add3A_679 : vector<16xi32>
      %select_n3A_681 = arith.select %lt3A_677, %add3A_680, %xor3A_674 : vector<16xi1>, vector<16xi32>
      %broadcast_in_dim3A_682 = vector.shape_cast %select_n3A_681 : vector<16xi32> to vector<16x1xi32>
      %gather3A_683 = vector.shape_cast %broadcast_in_dim3A_682 : vector<16x1xi32> to vector<16xi32>
      %gather3A_684 = tpu.dynamic_gather %add3A_670[%gather3A_683] in [0] : vector<16xf32>, vector<16xi32> -> vector<16xf32>
      %add3A_685 = arith.addf %add3A_670, %gather3A_684 : vector<16xf32>
      %iota3A_686 = tpu.iota {dimensions = array<i32: 0>} : vector<16xi32>
      %xor3A_687 = arith.constant 1 : i32
      %xor3A_688 = vector.broadcast %xor3A_687 : i32 to vector<16xi32>
      %xor3A_689 = arith.xori %iota3A_686, %xor3A_688 : vector<16xi32>
      %lt3A_690 = arith.constant 0 : i32
      %lt3A_691 = vector.broadcast %lt3A_690 : i32 to vector<16xi32>
      %lt3A_692 = arith.cmpi slt, %xor3A_689, %lt3A_691 : vector<16xi32>
      %add3A_693 = arith.constant 16 : i32
      %add3A_694 = vector.broadcast %add3A_693 : i32 to vector<16xi32>
      %add3A_695 = arith.addi %xor3A_689, %add3A_694 : vector<16xi32>
      %select_n3A_696 = arith.select %lt3A_692, %add3A_695, %xor3A_689 : vector<16xi1>, vector<16xi32>
      %broadcast_in_dim3A_697 = vector.shape_cast %select_n3A_696 : vector<16xi32> to vector<16x1xi32>
      %gather3A_698 = vector.shape_cast %broadcast_in_dim3A_697 : vector<16x1xi32> to vector<16xi32>
      %gather3A_699 = tpu.dynamic_gather %add3A_685[%gather3A_698] in [0] : vector<16xf32>, vector<16xi32> -> vector<16xf32>
      %add3A_700 = arith.addf %add3A_685, %gather3A_699 : vector<16xf32>
      %iota3A_701 = tpu.iota {dimensions = array<i32: 0>} : vector<16xi32>
      %xor3A_702 = arith.constant 8 : i32
      %xor3A_703 = vector.broadcast %xor3A_702 : i32 to vector<16xi32>
      %xor3A_704 = arith.xori %iota3A_701, %xor3A_703 : vector<16xi32>
      %lt3A_705 = arith.constant 0 : i32
      %lt3A_706 = vector.broadcast %lt3A_705 : i32 to vector<16xi32>
      %lt3A_707 = arith.cmpi slt, %xor3A_704, %lt3A_706 : vector<16xi32>
      %add3A_708 = arith.constant 16 : i32
      %add3A_709 = vector.broadcast %add3A_708 : i32 to vector<16xi32>
      %add3A_710 = arith.addi %xor3A_704, %add3A_709 : vector<16xi32>
      %select_n3A_711 = arith.select %lt3A_707, %add3A_710, %xor3A_704 : vector<16xi1>, vector<16xi32>
      %broadcast_in_dim3A_712 = vector.shape_cast %select_n3A_711 : vector<16xi32> to vector<16x1xi32>
      %gather3A_713 = vector.shape_cast %broadcast_in_dim3A_712 : vector<16x1xi32> to vector<16xi32>
      %gather3A_714 = tpu.dynamic_gather %scan3A_131#9[%gather3A_713] in [0] : vector<16xf32>, vector<16xi32> -> vector<16xf32>
      %add3A_715 = arith.addf %scan3A_131#9, %gather3A_714 : vector<16xf32>
      %iota3A_716 = tpu.iota {dimensions = array<i32: 0>} : vector<16xi32>
      %xor3A_717 = arith.constant 4 : i32
      %xor3A_718 = vector.broadcast %xor3A_717 : i32 to vector<16xi32>
      %xor3A_719 = arith.xori %iota3A_716, %xor3A_718 : vector<16xi32>
      %lt3A_720 = arith.constant 0 : i32
      %lt3A_721 = vector.broadcast %lt3A_720 : i32 to vector<16xi32>
      %lt3A_722 = arith.cmpi slt, %xor3A_719, %lt3A_721 : vector<16xi32>
      %add3A_723 = arith.constant 16 : i32
      %add3A_724 = vector.broadcast %add3A_723 : i32 to vector<16xi32>
      %add3A_725 = arith.addi %xor3A_719, %add3A_724 : vector<16xi32>
      %select_n3A_726 = arith.select %lt3A_722, %add3A_725, %xor3A_719 : vector<16xi1>, vector<16xi32>
      %broadcast_in_dim3A_727 = vector.shape_cast %select_n3A_726 : vector<16xi32> to vector<16x1xi32>
      %gather3A_728 = vector.shape_cast %broadcast_in_dim3A_727 : vector<16x1xi32> to vector<16xi32>
      %gather3A_729 = tpu.dynamic_gather %add3A_715[%gather3A_728] in [0] : vector<16xf32>, vector<16xi32> -> vector<16xf32>
      %add3A_730 = arith.addf %add3A_715, %gather3A_729 : vector<16xf32>
      %iota3A_731 = tpu.iota {dimensions = array<i32: 0>} : vector<16xi32>
      %xor3A_732 = arith.constant 2 : i32
      %xor3A_733 = vector.broadcast %xor3A_732 : i32 to vector<16xi32>
      %xor3A_734 = arith.xori %iota3A_731, %xor3A_733 : vector<16xi32>
      %lt3A_735 = arith.constant 0 : i32
      %lt3A_736 = vector.broadcast %lt3A_735 : i32 to vector<16xi32>
      %lt3A_737 = arith.cmpi slt, %xor3A_734, %lt3A_736 : vector<16xi32>
      %add3A_738 = arith.constant 16 : i32
      %add3A_739 = vector.broadcast %add3A_738 : i32 to vector<16xi32>
      %add3A_740 = arith.addi %xor3A_734, %add3A_739 : vector<16xi32>
      %select_n3A_741 = arith.select %lt3A_737, %add3A_740, %xor3A_734 : vector<16xi1>, vector<16xi32>
      %broadcast_in_dim3A_742 = vector.shape_cast %select_n3A_741 : vector<16xi32> to vector<16x1xi32>
      %gather3A_743 = vector.shape_cast %broadcast_in_dim3A_742 : vector<16x1xi32> to vector<16xi32>
      %gather3A_744 = tpu.dynamic_gather %add3A_730[%gather3A_743] in [0] : vector<16xf32>, vector<16xi32> -> vector<16xf32>
      %add3A_745 = arith.addf %add3A_730, %gather3A_744 : vector<16xf32>
      %iota3A_746 = tpu.iota {dimensions = array<i32: 0>} : vector<16xi32>
      %xor3A_747 = arith.constant 1 : i32
      %xor3A_748 = vector.broadcast %xor3A_747 : i32 to vector<16xi32>
      %xor3A_749 = arith.xori %iota3A_746, %xor3A_748 : vector<16xi32>
      %lt3A_750 = arith.constant 0 : i32
      %lt3A_751 = vector.broadcast %lt3A_750 : i32 to vector<16xi32>
      %lt3A_752 = arith.cmpi slt, %xor3A_749, %lt3A_751 : vector<16xi32>
      %add3A_753 = arith.constant 16 : i32
      %add3A_754 = vector.broadcast %add3A_753 : i32 to vector<16xi32>
      %add3A_755 = arith.addi %xor3A_749, %add3A_754 : vector<16xi32>
      %select_n3A_756 = arith.select %lt3A_752, %add3A_755, %xor3A_749 : vector<16xi1>, vector<16xi32>
      %broadcast_in_dim3A_757 = vector.shape_cast %select_n3A_756 : vector<16xi32> to vector<16x1xi32>
      %gather3A_758 = vector.shape_cast %broadcast_in_dim3A_757 : vector<16x1xi32> to vector<16xi32>
      %gather3A_759 = tpu.dynamic_gather %add3A_745[%gather3A_758] in [0] : vector<16xf32>, vector<16xi32> -> vector<16xf32>
      %add3A_760 = arith.addf %add3A_745, %gather3A_759 : vector<16xf32>
      %iota3A_761 = tpu.iota {dimensions = array<i32: 0>} : vector<16xi32>
      %xor3A_762 = arith.constant 8 : i32
      %xor3A_763 = vector.broadcast %xor3A_762 : i32 to vector<16xi32>
      %xor3A_764 = arith.xori %iota3A_761, %xor3A_763 : vector<16xi32>
      %lt3A_765 = arith.constant 0 : i32
      %lt3A_766 = vector.broadcast %lt3A_765 : i32 to vector<16xi32>
      %lt3A_767 = arith.cmpi slt, %xor3A_764, %lt3A_766 : vector<16xi32>
      %add3A_768 = arith.constant 16 : i32
      %add3A_769 = vector.broadcast %add3A_768 : i32 to vector<16xi32>
      %add3A_770 = arith.addi %xor3A_764, %add3A_769 : vector<16xi32>
      %select_n3A_771 = arith.select %lt3A_767, %add3A_770, %xor3A_764 : vector<16xi1>, vector<16xi32>
      %broadcast_in_dim3A_772 = vector.shape_cast %select_n3A_771 : vector<16xi32> to vector<16x1xi32>
      %gather3A_773 = vector.shape_cast %broadcast_in_dim3A_772 : vector<16x1xi32> to vector<16xi32>
      %gather3A_774 = tpu.dynamic_gather %scan3A_131#10[%gather3A_773] in [0] : vector<16xi32>, vector<16xi32> -> vector<16xi32>
      %add3A_775 = arith.addi %scan3A_131#10, %gather3A_774 : vector<16xi32>
      %iota3A_776 = tpu.iota {dimensions = array<i32: 0>} : vector<16xi32>
      %xor3A_777 = arith.constant 4 : i32
      %xor3A_778 = vector.broadcast %xor3A_777 : i32 to vector<16xi32>
      %xor3A_779 = arith.xori %iota3A_776, %xor3A_778 : vector<16xi32>
      %lt3A_780 = arith.constant 0 : i32
      %lt3A_781 = vector.broadcast %lt3A_780 : i32 to vector<16xi32>
      %lt3A_782 = arith.cmpi slt, %xor3A_779, %lt3A_781 : vector<16xi32>
      %add3A_783 = arith.constant 16 : i32
      %add3A_784 = vector.broadcast %add3A_783 : i32 to vector<16xi32>
      %add3A_785 = arith.addi %xor3A_779, %add3A_784 : vector<16xi32>
      %select_n3A_786 = arith.select %lt3A_782, %add3A_785, %xor3A_779 : vector<16xi1>, vector<16xi32>
      %broadcast_in_dim3A_787 = vector.shape_cast %select_n3A_786 : vector<16xi32> to vector<16x1xi32>
      %gather3A_788 = vector.shape_cast %broadcast_in_dim3A_787 : vector<16x1xi32> to vector<16xi32>
      %gather3A_789 = tpu.dynamic_gather %add3A_775[%gather3A_788] in [0] : vector<16xi32>, vector<16xi32> -> vector<16xi32>
      %add3A_790 = arith.addi %add3A_775, %gather3A_789 : vector<16xi32>
      %iota3A_791 = tpu.iota {dimensions = array<i32: 0>} : vector<16xi32>
      %xor3A_792 = arith.constant 2 : i32
      %xor3A_793 = vector.broadcast %xor3A_792 : i32 to vector<16xi32>
      %xor3A_794 = arith.xori %iota3A_791, %xor3A_793 : vector<16xi32>
      %lt3A_795 = arith.constant 0 : i32
      %lt3A_796 = vector.broadcast %lt3A_795 : i32 to vector<16xi32>
      %lt3A_797 = arith.cmpi slt, %xor3A_794, %lt3A_796 : vector<16xi32>
      %add3A_798 = arith.constant 16 : i32
      %add3A_799 = vector.broadcast %add3A_798 : i32 to vector<16xi32>
      %add3A_800 = arith.addi %xor3A_794, %add3A_799 : vector<16xi32>
      %select_n3A_801 = arith.select %lt3A_797, %add3A_800, %xor3A_794 : vector<16xi1>, vector<16xi32>
      %broadcast_in_dim3A_802 = vector.shape_cast %select_n3A_801 : vector<16xi32> to vector<16x1xi32>
      %gather3A_803 = vector.shape_cast %broadcast_in_dim3A_802 : vector<16x1xi32> to vector<16xi32>
      %gather3A_804 = tpu.dynamic_gather %add3A_790[%gather3A_803] in [0] : vector<16xi32>, vector<16xi32> -> vector<16xi32>
      %add3A_805 = arith.addi %add3A_790, %gather3A_804 : vector<16xi32>
      %iota3A_806 = tpu.iota {dimensions = array<i32: 0>} : vector<16xi32>
      %xor3A_807 = arith.constant 1 : i32
      %xor3A_808 = vector.broadcast %xor3A_807 : i32 to vector<16xi32>
      %xor3A_809 = arith.xori %iota3A_806, %xor3A_808 : vector<16xi32>
      %lt3A_810 = arith.constant 0 : i32
      %lt3A_811 = vector.broadcast %lt3A_810 : i32 to vector<16xi32>
      %lt3A_812 = arith.cmpi slt, %xor3A_809, %lt3A_811 : vector<16xi32>
      %add3A_813 = arith.constant 16 : i32
      %add3A_814 = vector.broadcast %add3A_813 : i32 to vector<16xi32>
      %add3A_815 = arith.addi %xor3A_809, %add3A_814 : vector<16xi32>
      %select_n3A_816 = arith.select %lt3A_812, %add3A_815, %xor3A_809 : vector<16xi1>, vector<16xi32>
      %broadcast_in_dim3A_817 = vector.shape_cast %select_n3A_816 : vector<16xi32> to vector<16x1xi32>
      %gather3A_818 = vector.shape_cast %broadcast_in_dim3A_817 : vector<16x1xi32> to vector<16xi32>
      %gather3A_819 = tpu.dynamic_gather %add3A_805[%gather3A_818] in [0] : vector<16xi32>, vector<16xi32> -> vector<16xi32>
      %add3A_820 = arith.addi %add3A_805, %gather3A_819 : vector<16xi32>
      %convert_element_type3A_821 = arith.sitofp %add3A_820 : vector<16xi32> to vector<16xf32>
      %iota3A_822 = tpu.iota {dimensions = array<i32: 0>} : vector<16xi32>
      %xor3A_823 = arith.constant 8 : i32
      %xor3A_824 = vector.broadcast %xor3A_823 : i32 to vector<16xi32>
      %xor3A_825 = arith.xori %iota3A_822, %xor3A_824 : vector<16xi32>
      %lt3A_826 = arith.constant 0 : i32
      %lt3A_827 = vector.broadcast %lt3A_826 : i32 to vector<16xi32>
      %lt3A_828 = arith.cmpi slt, %xor3A_825, %lt3A_827 : vector<16xi32>
      %add3A_829 = arith.constant 16 : i32
      %add3A_830 = vector.broadcast %add3A_829 : i32 to vector<16xi32>
      %add3A_831 = arith.addi %xor3A_825, %add3A_830 : vector<16xi32>
      %select_n3A_832 = arith.select %lt3A_828, %add3A_831, %xor3A_825 : vector<16xi1>, vector<16xi32>
      %broadcast_in_dim3A_833 = vector.shape_cast %select_n3A_832 : vector<16xi32> to vector<16x1xi32>
      %gather3A_834 = vector.shape_cast %broadcast_in_dim3A_833 : vector<16x1xi32> to vector<16xi32>
      %gather3A_835 = tpu.dynamic_gather %scan3A_131#11[%gather3A_834] in [0] : vector<16xi32>, vector<16xi32> -> vector<16xi32>
      %add3A_836 = arith.addi %scan3A_131#11, %gather3A_835 : vector<16xi32>
      %iota3A_837 = tpu.iota {dimensions = array<i32: 0>} : vector<16xi32>
      %xor3A_838 = arith.constant 4 : i32
      %xor3A_839 = vector.broadcast %xor3A_838 : i32 to vector<16xi32>
      %xor3A_840 = arith.xori %iota3A_837, %xor3A_839 : vector<16xi32>
      %lt3A_841 = arith.constant 0 : i32
      %lt3A_842 = vector.broadcast %lt3A_841 : i32 to vector<16xi32>
      %lt3A_843 = arith.cmpi slt, %xor3A_840, %lt3A_842 : vector<16xi32>
      %add3A_844 = arith.constant 16 : i32
      %add3A_845 = vector.broadcast %add3A_844 : i32 to vector<16xi32>
      %add3A_846 = arith.addi %xor3A_840, %add3A_845 : vector<16xi32>
      %select_n3A_847 = arith.select %lt3A_843, %add3A_846, %xor3A_840 : vector<16xi1>, vector<16xi32>
      %broadcast_in_dim3A_848 = vector.shape_cast %select_n3A_847 : vector<16xi32> to vector<16x1xi32>
      %gather3A_849 = vector.shape_cast %broadcast_in_dim3A_848 : vector<16x1xi32> to vector<16xi32>
      %gather3A_850 = tpu.dynamic_gather %add3A_836[%gather3A_849] in [0] : vector<16xi32>, vector<16xi32> -> vector<16xi32>
      %add3A_851 = arith.addi %add3A_836, %gather3A_850 : vector<16xi32>
      %iota3A_852 = tpu.iota {dimensions = array<i32: 0>} : vector<16xi32>
      %xor3A_853 = arith.constant 2 : i32
      %xor3A_854 = vector.broadcast %xor3A_853 : i32 to vector<16xi32>
      %xor3A_855 = arith.xori %iota3A_852, %xor3A_854 : vector<16xi32>
      %lt3A_856 = arith.constant 0 : i32
      %lt3A_857 = vector.broadcast %lt3A_856 : i32 to vector<16xi32>
      %lt3A_858 = arith.cmpi slt, %xor3A_855, %lt3A_857 : vector<16xi32>
      %add3A_859 = arith.constant 16 : i32
      %add3A_860 = vector.broadcast %add3A_859 : i32 to vector<16xi32>
      %add3A_861 = arith.addi %xor3A_855, %add3A_860 : vector<16xi32>
      %select_n3A_862 = arith.select %lt3A_858, %add3A_861, %xor3A_855 : vector<16xi1>, vector<16xi32>
      %broadcast_in_dim3A_863 = vector.shape_cast %select_n3A_862 : vector<16xi32> to vector<16x1xi32>
      %gather3A_864 = vector.shape_cast %broadcast_in_dim3A_863 : vector<16x1xi32> to vector<16xi32>
      %gather3A_865 = tpu.dynamic_gather %add3A_851[%gather3A_864] in [0] : vector<16xi32>, vector<16xi32> -> vector<16xi32>
      %add3A_866 = arith.addi %add3A_851, %gather3A_865 : vector<16xi32>
      %iota3A_867 = tpu.iota {dimensions = array<i32: 0>} : vector<16xi32>
      %xor3A_868 = arith.constant 1 : i32
      %xor3A_869 = vector.broadcast %xor3A_868 : i32 to vector<16xi32>
      %xor3A_870 = arith.xori %iota3A_867, %xor3A_869 : vector<16xi32>
      %lt3A_871 = arith.constant 0 : i32
      %lt3A_872 = vector.broadcast %lt3A_871 : i32 to vector<16xi32>
      %lt3A_873 = arith.cmpi slt, %xor3A_870, %lt3A_872 : vector<16xi32>
      %add3A_874 = arith.constant 16 : i32
      %add3A_875 = vector.broadcast %add3A_874 : i32 to vector<16xi32>
      %add3A_876 = arith.addi %xor3A_870, %add3A_875 : vector<16xi32>
      %select_n3A_877 = arith.select %lt3A_873, %add3A_876, %xor3A_870 : vector<16xi1>, vector<16xi32>
      %broadcast_in_dim3A_878 = vector.shape_cast %select_n3A_877 : vector<16xi32> to vector<16x1xi32>
      %gather3A_879 = vector.shape_cast %broadcast_in_dim3A_878 : vector<16x1xi32> to vector<16xi32>
      %gather3A_880 = tpu.dynamic_gather %add3A_866[%gather3A_879] in [0] : vector<16xi32>, vector<16xi32> -> vector<16xi32>
      %add3A_881 = arith.addi %add3A_866, %gather3A_880 : vector<16xi32>
      %convert_element_type3A_882 = arith.sitofp %add3A_881 : vector<16xi32> to vector<16xf32>
      %div3A_883 = arith.divf %add3A_760, %convert_element_type3A_882 : vector<16xf32>
      %sub3A_884 = arith.constant 7.680000e+02 : f32
      %sub3A_885 = vector.broadcast %sub3A_884 : f32 to vector<16xf32>
      %sub3A_886 = arith.subf %sub3A_885, %convert_element_type3A_821 : vector<16xf32>
      %mul3A_887 = arith.mulf %sub3A_886, %div3A_883 : vector<16xf32>
      %add3A_888 = arith.addf %add3A_700, %mul3A_887 : vector<16xf32>
      %div3A_889 = arith.divf %get3A_10, %add3A_888 : vector<16xf32>
      %sub3A_890 = arith.constant 7.680000e+02 : f32
      %sub3A_891 = vector.broadcast %sub3A_890 : f32 to vector<16xf32>
      %sub3A_892 = arith.subf %sub3A_891, %convert_element_type3A_821 : vector<16xf32>
      %mul3A_893 = arith.mulf %get3A_10, %sub3A_892 : vector<16xf32>
      %mul3A_894 = arith.mulf %convert_element_type3A_882, %add3A_888 : vector<16xf32>
      %div3A_895 = arith.divf %mul3A_893, %mul3A_894 : vector<16xf32>
      %iota3A_896 = tpu.iota {dimensions = array<i32: 0>} : vector<16xi32>
      %xor3A_897 = arith.constant 8 : i32
      %xor3A_898 = vector.broadcast %xor3A_897 : i32 to vector<16xi32>
      %xor3A_899 = arith.xori %iota3A_896, %xor3A_898 : vector<16xi32>
      %lt3A_900 = arith.constant 0 : i32
      %lt3A_901 = vector.broadcast %lt3A_900 : i32 to vector<16xi32>
      %lt3A_902 = arith.cmpi slt, %xor3A_899, %lt3A_901 : vector<16xi32>
      %add3A_903 = arith.constant 16 : i32
      %add3A_904 = vector.broadcast %add3A_903 : i32 to vector<16xi32>
      %add3A_905 = arith.addi %xor3A_899, %add3A_904 : vector<16xi32>
      %select_n3A_906 = arith.select %lt3A_902, %add3A_905, %xor3A_899 : vector<16xi1>, vector<16xi32>
      %broadcast_in_dim3A_907 = vector.shape_cast %select_n3A_906 : vector<16xi32> to vector<16x1xi32>
      %gather3A_908 = vector.shape_cast %broadcast_in_dim3A_907 : vector<16x1xi32> to vector<16xi32>
      %gather3A_909 = tpu.dynamic_gather %scan3A_131#12[%gather3A_908] in [0] : vector<16xf32>, vector<16xi32> -> vector<16xf32>
      %add3A_910 = arith.addf %scan3A_131#12, %gather3A_909 : vector<16xf32>
      %iota3A_911 = tpu.iota {dimensions = array<i32: 0>} : vector<16xi32>
      %xor3A_912 = arith.constant 4 : i32
      %xor3A_913 = vector.broadcast %xor3A_912 : i32 to vector<16xi32>
      %xor3A_914 = arith.xori %iota3A_911, %xor3A_913 : vector<16xi32>
      %lt3A_915 = arith.constant 0 : i32
      %lt3A_916 = vector.broadcast %lt3A_915 : i32 to vector<16xi32>
      %lt3A_917 = arith.cmpi slt, %xor3A_914, %lt3A_916 : vector<16xi32>
      %add3A_918 = arith.constant 16 : i32
      %add3A_919 = vector.broadcast %add3A_918 : i32 to vector<16xi32>
      %add3A_920 = arith.addi %xor3A_914, %add3A_919 : vector<16xi32>
      %select_n3A_921 = arith.select %lt3A_917, %add3A_920, %xor3A_914 : vector<16xi1>, vector<16xi32>
      %broadcast_in_dim3A_922 = vector.shape_cast %select_n3A_921 : vector<16xi32> to vector<16x1xi32>
      %gather3A_923 = vector.shape_cast %broadcast_in_dim3A_922 : vector<16x1xi32> to vector<16xi32>
      %gather3A_924 = tpu.dynamic_gather %add3A_910[%gather3A_923] in [0] : vector<16xf32>, vector<16xi32> -> vector<16xf32>
      %add3A_925 = arith.addf %add3A_910, %gather3A_924 : vector<16xf32>
      %iota3A_926 = tpu.iota {dimensions = array<i32: 0>} : vector<16xi32>
      %xor3A_927 = arith.constant 2 : i32
      %xor3A_928 = vector.broadcast %xor3A_927 : i32 to vector<16xi32>
      %xor3A_929 = arith.xori %iota3A_926, %xor3A_928 : vector<16xi32>
      %lt3A_930 = arith.constant 0 : i32
      %lt3A_931 = vector.broadcast %lt3A_930 : i32 to vector<16xi32>
      %lt3A_932 = arith.cmpi slt, %xor3A_929, %lt3A_931 : vector<16xi32>
      %add3A_933 = arith.constant 16 : i32
      %add3A_934 = vector.broadcast %add3A_933 : i32 to vector<16xi32>
      %add3A_935 = arith.addi %xor3A_929, %add3A_934 : vector<16xi32>
      %select_n3A_936 = arith.select %lt3A_932, %add3A_935, %xor3A_929 : vector<16xi1>, vector<16xi32>
      %broadcast_in_dim3A_937 = vector.shape_cast %select_n3A_936 : vector<16xi32> to vector<16x1xi32>
      %gather3A_938 = vector.shape_cast %broadcast_in_dim3A_937 : vector<16x1xi32> to vector<16xi32>
      %gather3A_939 = tpu.dynamic_gather %add3A_925[%gather3A_938] in [0] : vector<16xf32>, vector<16xi32> -> vector<16xf32>
      %add3A_940 = arith.addf %add3A_925, %gather3A_939 : vector<16xf32>
      %iota3A_941 = tpu.iota {dimensions = array<i32: 0>} : vector<16xi32>
      %xor3A_942 = arith.constant 1 : i32
      %xor3A_943 = vector.broadcast %xor3A_942 : i32 to vector<16xi32>
      %xor3A_944 = arith.xori %iota3A_941, %xor3A_943 : vector<16xi32>
      %lt3A_945 = arith.constant 0 : i32
      %lt3A_946 = vector.broadcast %lt3A_945 : i32 to vector<16xi32>
      %lt3A_947 = arith.cmpi slt, %xor3A_944, %lt3A_946 : vector<16xi32>
      %add3A_948 = arith.constant 16 : i32
      %add3A_949 = vector.broadcast %add3A_948 : i32 to vector<16xi32>
      %add3A_950 = arith.addi %xor3A_944, %add3A_949 : vector<16xi32>
      %select_n3A_951 = arith.select %lt3A_947, %add3A_950, %xor3A_944 : vector<16xi1>, vector<16xi32>
      %broadcast_in_dim3A_952 = vector.shape_cast %select_n3A_951 : vector<16xi32> to vector<16x1xi32>
      %gather3A_953 = vector.shape_cast %broadcast_in_dim3A_952 : vector<16x1xi32> to vector<16xi32>
      %gather3A_954 = tpu.dynamic_gather %add3A_940[%gather3A_953] in [0] : vector<16xf32>, vector<16xi32> -> vector<16xf32>
      %add3A_955 = arith.addf %add3A_940, %gather3A_954 : vector<16xf32>
      %iota3A_956 = tpu.iota {dimensions = array<i32: 0>} : vector<16xi32>
      %xor3A_957 = arith.constant 8 : i32
      %xor3A_958 = vector.broadcast %xor3A_957 : i32 to vector<16xi32>
      %xor3A_959 = arith.xori %iota3A_956, %xor3A_958 : vector<16xi32>
      %lt3A_960 = arith.constant 0 : i32
      %lt3A_961 = vector.broadcast %lt3A_960 : i32 to vector<16xi32>
      %lt3A_962 = arith.cmpi slt, %xor3A_959, %lt3A_961 : vector<16xi32>
      %add3A_963 = arith.constant 16 : i32
      %add3A_964 = vector.broadcast %add3A_963 : i32 to vector<16xi32>
      %add3A_965 = arith.addi %xor3A_959, %add3A_964 : vector<16xi32>
      %select_n3A_966 = arith.select %lt3A_962, %add3A_965, %xor3A_959 : vector<16xi1>, vector<16xi32>
      %broadcast_in_dim3A_967 = vector.shape_cast %select_n3A_966 : vector<16xi32> to vector<16x1xi32>
      %gather3A_968 = vector.shape_cast %broadcast_in_dim3A_967 : vector<16x1xi32> to vector<16xi32>
      %gather3A_969 = tpu.dynamic_gather %scan3A_131#13[%gather3A_968] in [0] : vector<16xf32>, vector<16xi32> -> vector<16xf32>
      %add3A_970 = arith.addf %scan3A_131#13, %gather3A_969 : vector<16xf32>
      %iota3A_971 = tpu.iota {dimensions = array<i32: 0>} : vector<16xi32>
      %xor3A_972 = arith.constant 4 : i32
      %xor3A_973 = vector.broadcast %xor3A_972 : i32 to vector<16xi32>
      %xor3A_974 = arith.xori %iota3A_971, %xor3A_973 : vector<16xi32>
      %lt3A_975 = arith.constant 0 : i32
      %lt3A_976 = vector.broadcast %lt3A_975 : i32 to vector<16xi32>
      %lt3A_977 = arith.cmpi slt, %xor3A_974, %lt3A_976 : vector<16xi32>
      %add3A_978 = arith.constant 16 : i32
      %add3A_979 = vector.broadcast %add3A_978 : i32 to vector<16xi32>
      %add3A_980 = arith.addi %xor3A_974, %add3A_979 : vector<16xi32>
      %select_n3A_981 = arith.select %lt3A_977, %add3A_980, %xor3A_974 : vector<16xi1>, vector<16xi32>
      %broadcast_in_dim3A_982 = vector.shape_cast %select_n3A_981 : vector<16xi32> to vector<16x1xi32>
      %gather3A_983 = vector.shape_cast %broadcast_in_dim3A_982 : vector<16x1xi32> to vector<16xi32>
      %gather3A_984 = tpu.dynamic_gather %add3A_970[%gather3A_983] in [0] : vector<16xf32>, vector<16xi32> -> vector<16xf32>
      %add3A_985 = arith.addf %add3A_970, %gather3A_984 : vector<16xf32>
      %iota3A_986 = tpu.iota {dimensions = array<i32: 0>} : vector<16xi32>
      %xor3A_987 = arith.constant 2 : i32
      %xor3A_988 = vector.broadcast %xor3A_987 : i32 to vector<16xi32>
      %xor3A_989 = arith.xori %iota3A_986, %xor3A_988 : vector<16xi32>
      %lt3A_990 = arith.constant 0 : i32
      %lt3A_991 = vector.broadcast %lt3A_990 : i32 to vector<16xi32>
      %lt3A_992 = arith.cmpi slt, %xor3A_989, %lt3A_991 : vector<16xi32>
      %add3A_993 = arith.constant 16 : i32
      %add3A_994 = vector.broadcast %add3A_993 : i32 to vector<16xi32>
      %add3A_995 = arith.addi %xor3A_989, %add3A_994 : vector<16xi32>
      %select_n3A_996 = arith.select %lt3A_992, %add3A_995, %xor3A_989 : vector<16xi1>, vector<16xi32>
      %broadcast_in_dim3A_997 = vector.shape_cast %select_n3A_996 : vector<16xi32> to vector<16x1xi32>
      %gather3A_998 = vector.shape_cast %broadcast_in_dim3A_997 : vector<16x1xi32> to vector<16xi32>
      %gather3A_999 = tpu.dynamic_gather %add3A_985[%gather3A_998] in [0] : vector<16xf32>, vector<16xi32> -> vector<16xf32>
      %add3A_1000 = arith.addf %add3A_985, %gather3A_999 : vector<16xf32>
      %iota3A_1001 = tpu.iota {dimensions = array<i32: 0>} : vector<16xi32>
      %xor3A_1002 = arith.constant 1 : i32
      %xor3A_1003 = vector.broadcast %xor3A_1002 : i32 to vector<16xi32>
      %xor3A_1004 = arith.xori %iota3A_1001, %xor3A_1003 : vector<16xi32>
      %lt3A_1005 = arith.constant 0 : i32
      %lt3A_1006 = vector.broadcast %lt3A_1005 : i32 to vector<16xi32>
      %lt3A_1007 = arith.cmpi slt, %xor3A_1004, %lt3A_1006 : vector<16xi32>
      %add3A_1008 = arith.constant 16 : i32
      %add3A_1009 = vector.broadcast %add3A_1008 : i32 to vector<16xi32>
      %add3A_1010 = arith.addi %xor3A_1004, %add3A_1009 : vector<16xi32>
      %select_n3A_1011 = arith.select %lt3A_1007, %add3A_1010, %xor3A_1004 : vector<16xi1>, vector<16xi32>
      %broadcast_in_dim3A_1012 = vector.shape_cast %select_n3A_1011 : vector<16xi32> to vector<16x1xi32>
      %gather3A_1013 = vector.shape_cast %broadcast_in_dim3A_1012 : vector<16x1xi32> to vector<16xi32>
      %gather3A_1014 = tpu.dynamic_gather %add3A_1000[%gather3A_1013] in [0] : vector<16xf32>, vector<16xi32> -> vector<16xf32>
      %add3A_1015 = arith.addf %add3A_1000, %gather3A_1014 : vector<16xf32>
      %iota3A_1016 = tpu.iota {dimensions = array<i32: 0>} : vector<16xi32>
      %xor3A_1017 = arith.constant 8 : i32
      %xor3A_1018 = vector.broadcast %xor3A_1017 : i32 to vector<16xi32>
      %xor3A_1019 = arith.xori %iota3A_1016, %xor3A_1018 : vector<16xi32>
      %lt3A_1020 = arith.constant 0 : i32
      %lt3A_1021 = vector.broadcast %lt3A_1020 : i32 to vector<16xi32>
      %lt3A_1022 = arith.cmpi slt, %xor3A_1019, %lt3A_1021 : vector<16xi32>
      %add3A_1023 = arith.constant 16 : i32
      %add3A_1024 = vector.broadcast %add3A_1023 : i32 to vector<16xi32>
      %add3A_1025 = arith.addi %xor3A_1019, %add3A_1024 : vector<16xi32>
      %select_n3A_1026 = arith.select %lt3A_1022, %add3A_1025, %xor3A_1019 : vector<16xi1>, vector<16xi32>
      %broadcast_in_dim3A_1027 = vector.shape_cast %select_n3A_1026 : vector<16xi32> to vector<16x1xi32>
      %gather3A_1028 = vector.shape_cast %broadcast_in_dim3A_1027 : vector<16x1xi32> to vector<16xi32>
      %gather3A_1029 = tpu.dynamic_gather %scan3A_131#14[%gather3A_1028] in [0] : vector<16xi32>, vector<16xi32> -> vector<16xi32>
      %add3A_1030 = arith.addi %scan3A_131#14, %gather3A_1029 : vector<16xi32>
      %iota3A_1031 = tpu.iota {dimensions = array<i32: 0>} : vector<16xi32>
      %xor3A_1032 = arith.constant 4 : i32
      %xor3A_1033 = vector.broadcast %xor3A_1032 : i32 to vector<16xi32>
      %xor3A_1034 = arith.xori %iota3A_1031, %xor3A_1033 : vector<16xi32>
      %lt3A_1035 = arith.constant 0 : i32
      %lt3A_1036 = vector.broadcast %lt3A_1035 : i32 to vector<16xi32>
      %lt3A_1037 = arith.cmpi slt, %xor3A_1034, %lt3A_1036 : vector<16xi32>
      %add3A_1038 = arith.constant 16 : i32
      %add3A_1039 = vector.broadcast %add3A_1038 : i32 to vector<16xi32>
      %add3A_1040 = arith.addi %xor3A_1034, %add3A_1039 : vector<16xi32>
      %select_n3A_1041 = arith.select %lt3A_1037, %add3A_1040, %xor3A_1034 : vector<16xi1>, vector<16xi32>
      %broadcast_in_dim3A_1042 = vector.shape_cast %select_n3A_1041 : vector<16xi32> to vector<16x1xi32>
      %gather3A_1043 = vector.shape_cast %broadcast_in_dim3A_1042 : vector<16x1xi32> to vector<16xi32>
      %gather3A_1044 = tpu.dynamic_gather %add3A_1030[%gather3A_1043] in [0] : vector<16xi32>, vector<16xi32> -> vector<16xi32>
      %add3A_1045 = arith.addi %add3A_1030, %gather3A_1044 : vector<16xi32>
      %iota3A_1046 = tpu.iota {dimensions = array<i32: 0>} : vector<16xi32>
      %xor3A_1047 = arith.constant 2 : i32
      %xor3A_1048 = vector.broadcast %xor3A_1047 : i32 to vector<16xi32>
      %xor3A_1049 = arith.xori %iota3A_1046, %xor3A_1048 : vector<16xi32>
      %lt3A_1050 = arith.constant 0 : i32
      %lt3A_1051 = vector.broadcast %lt3A_1050 : i32 to vector<16xi32>
      %lt3A_1052 = arith.cmpi slt, %xor3A_1049, %lt3A_1051 : vector<16xi32>
      %add3A_1053 = arith.constant 16 : i32
      %add3A_1054 = vector.broadcast %add3A_1053 : i32 to vector<16xi32>
      %add3A_1055 = arith.addi %xor3A_1049, %add3A_1054 : vector<16xi32>
      %select_n3A_1056 = arith.select %lt3A_1052, %add3A_1055, %xor3A_1049 : vector<16xi1>, vector<16xi32>
      %broadcast_in_dim3A_1057 = vector.shape_cast %select_n3A_1056 : vector<16xi32> to vector<16x1xi32>
      %gather3A_1058 = vector.shape_cast %broadcast_in_dim3A_1057 : vector<16x1xi32> to vector<16xi32>
      %gather3A_1059 = tpu.dynamic_gather %add3A_1045[%gather3A_1058] in [0] : vector<16xi32>, vector<16xi32> -> vector<16xi32>
      %add3A_1060 = arith.addi %add3A_1045, %gather3A_1059 : vector<16xi32>
      %iota3A_1061 = tpu.iota {dimensions = array<i32: 0>} : vector<16xi32>
      %xor3A_1062 = arith.constant 1 : i32
      %xor3A_1063 = vector.broadcast %xor3A_1062 : i32 to vector<16xi32>
      %xor3A_1064 = arith.xori %iota3A_1061, %xor3A_1063 : vector<16xi32>
      %lt3A_1065 = arith.constant 0 : i32
      %lt3A_1066 = vector.broadcast %lt3A_1065 : i32 to vector<16xi32>
      %lt3A_1067 = arith.cmpi slt, %xor3A_1064, %lt3A_1066 : vector<16xi32>
      %add3A_1068 = arith.constant 16 : i32
      %add3A_1069 = vector.broadcast %add3A_1068 : i32 to vector<16xi32>
      %add3A_1070 = arith.addi %xor3A_1064, %add3A_1069 : vector<16xi32>
      %select_n3A_1071 = arith.select %lt3A_1067, %add3A_1070, %xor3A_1064 : vector<16xi1>, vector<16xi32>
      %broadcast_in_dim3A_1072 = vector.shape_cast %select_n3A_1071 : vector<16xi32> to vector<16x1xi32>
      %gather3A_1073 = vector.shape_cast %broadcast_in_dim3A_1072 : vector<16x1xi32> to vector<16xi32>
      %gather3A_1074 = tpu.dynamic_gather %add3A_1060[%gather3A_1073] in [0] : vector<16xi32>, vector<16xi32> -> vector<16xi32>
      %add3A_1075 = arith.addi %add3A_1060, %gather3A_1074 : vector<16xi32>
      %convert_element_type3A_1076 = arith.sitofp %add3A_1075 : vector<16xi32> to vector<16xf32>
      %iota3A_1077 = tpu.iota {dimensions = array<i32: 0>} : vector<16xi32>
      %xor3A_1078 = arith.constant 8 : i32
      %xor3A_1079 = vector.broadcast %xor3A_1078 : i32 to vector<16xi32>
      %xor3A_1080 = arith.xori %iota3A_1077, %xor3A_1079 : vector<16xi32>
      %lt3A_1081 = arith.constant 0 : i32
      %lt3A_1082 = vector.broadcast %lt3A_1081 : i32 to vector<16xi32>
      %lt3A_1083 = arith.cmpi slt, %xor3A_1080, %lt3A_1082 : vector<16xi32>
      %add3A_1084 = arith.constant 16 : i32
      %add3A_1085 = vector.broadcast %add3A_1084 : i32 to vector<16xi32>
      %add3A_1086 = arith.addi %xor3A_1080, %add3A_1085 : vector<16xi32>
      %select_n3A_1087 = arith.select %lt3A_1083, %add3A_1086, %xor3A_1080 : vector<16xi1>, vector<16xi32>
      %broadcast_in_dim3A_1088 = vector.shape_cast %select_n3A_1087 : vector<16xi32> to vector<16x1xi32>
      %gather3A_1089 = vector.shape_cast %broadcast_in_dim3A_1088 : vector<16x1xi32> to vector<16xi32>
      %gather3A_1090 = tpu.dynamic_gather %scan3A_131#15[%gather3A_1089] in [0] : vector<16xi32>, vector<16xi32> -> vector<16xi32>
      %add3A_1091 = arith.addi %scan3A_131#15, %gather3A_1090 : vector<16xi32>
      %iota3A_1092 = tpu.iota {dimensions = array<i32: 0>} : vector<16xi32>
      %xor3A_1093 = arith.constant 4 : i32
      %xor3A_1094 = vector.broadcast %xor3A_1093 : i32 to vector<16xi32>
      %xor3A_1095 = arith.xori %iota3A_1092, %xor3A_1094 : vector<16xi32>
      %lt3A_1096 = arith.constant 0 : i32
      %lt3A_1097 = vector.broadcast %lt3A_1096 : i32 to vector<16xi32>
      %lt3A_1098 = arith.cmpi slt, %xor3A_1095, %lt3A_1097 : vector<16xi32>
      %add3A_1099 = arith.constant 16 : i32
      %add3A_1100 = vector.broadcast %add3A_1099 : i32 to vector<16xi32>
      %add3A_1101 = arith.addi %xor3A_1095, %add3A_1100 : vector<16xi32>
      %select_n3A_1102 = arith.select %lt3A_1098, %add3A_1101, %xor3A_1095 : vector<16xi1>, vector<16xi32>
      %broadcast_in_dim3A_1103 = vector.shape_cast %select_n3A_1102 : vector<16xi32> to vector<16x1xi32>
      %gather3A_1104 = vector.shape_cast %broadcast_in_dim3A_1103 : vector<16x1xi32> to vector<16xi32>
      %gather3A_1105 = tpu.dynamic_gather %add3A_1091[%gather3A_1104] in [0] : vector<16xi32>, vector<16xi32> -> vector<16xi32>
      %add3A_1106 = arith.addi %add3A_1091, %gather3A_1105 : vector<16xi32>
      %iota3A_1107 = tpu.iota {dimensions = array<i32: 0>} : vector<16xi32>
      %xor3A_1108 = arith.constant 2 : i32
      %xor3A_1109 = vector.broadcast %xor3A_1108 : i32 to vector<16xi32>
      %xor3A_1110 = arith.xori %iota3A_1107, %xor3A_1109 : vector<16xi32>
      %lt3A_1111 = arith.constant 0 : i32
      %lt3A_1112 = vector.broadcast %lt3A_1111 : i32 to vector<16xi32>
      %lt3A_1113 = arith.cmpi slt, %xor3A_1110, %lt3A_1112 : vector<16xi32>
      %add3A_1114 = arith.constant 16 : i32
      %add3A_1115 = vector.broadcast %add3A_1114 : i32 to vector<16xi32>
      %add3A_1116 = arith.addi %xor3A_1110, %add3A_1115 : vector<16xi32>
      %select_n3A_1117 = arith.select %lt3A_1113, %add3A_1116, %xor3A_1110 : vector<16xi1>, vector<16xi32>
      %broadcast_in_dim3A_1118 = vector.shape_cast %select_n3A_1117 : vector<16xi32> to vector<16x1xi32>
      %gather3A_1119 = vector.shape_cast %broadcast_in_dim3A_1118 : vector<16x1xi32> to vector<16xi32>
      %gather3A_1120 = tpu.dynamic_gather %add3A_1106[%gather3A_1119] in [0] : vector<16xi32>, vector<16xi32> -> vector<16xi32>
      %add3A_1121 = arith.addi %add3A_1106, %gather3A_1120 : vector<16xi32>
      %iota3A_1122 = tpu.iota {dimensions = array<i32: 0>} : vector<16xi32>
      %xor3A_1123 = arith.constant 1 : i32
      %xor3A_1124 = vector.broadcast %xor3A_1123 : i32 to vector<16xi32>
      %xor3A_1125 = arith.xori %iota3A_1122, %xor3A_1124 : vector<16xi32>
      %lt3A_1126 = arith.constant 0 : i32
      %lt3A_1127 = vector.broadcast %lt3A_1126 : i32 to vector<16xi32>
      %lt3A_1128 = arith.cmpi slt, %xor3A_1125, %lt3A_1127 : vector<16xi32>
      %add3A_1129 = arith.constant 16 : i32
      %add3A_1130 = vector.broadcast %add3A_1129 : i32 to vector<16xi32>
      %add3A_1131 = arith.addi %xor3A_1125, %add3A_1130 : vector<16xi32>
      %select_n3A_1132 = arith.select %lt3A_1128, %add3A_1131, %xor3A_1125 : vector<16xi1>, vector<16xi32>
      %broadcast_in_dim3A_1133 = vector.shape_cast %select_n3A_1132 : vector<16xi32> to vector<16x1xi32>
      %gather3A_1134 = vector.shape_cast %broadcast_in_dim3A_1133 : vector<16x1xi32> to vector<16xi32>
      %gather3A_1135 = tpu.dynamic_gather %add3A_1121[%gather3A_1134] in [0] : vector<16xi32>, vector<16xi32> -> vector<16xi32>
      %add3A_1136 = arith.addi %add3A_1121, %gather3A_1135 : vector<16xi32>
      %convert_element_type3A_1137 = arith.sitofp %add3A_1136 : vector<16xi32> to vector<16xf32>
      %div3A_1138 = arith.divf %add3A_1015, %convert_element_type3A_1137 : vector<16xf32>
      %sub3A_1139 = arith.constant 8.190000e+02 : f32
      %sub3A_1140 = vector.broadcast %sub3A_1139 : f32 to vector<16xf32>
      %sub3A_1141 = arith.subf %sub3A_1140, %convert_element_type3A_1076 : vector<16xf32>
      %mul3A_1142 = arith.mulf %sub3A_1141, %div3A_1138 : vector<16xf32>
      %add3A_1143 = arith.addf %add3A_955, %mul3A_1142 : vector<16xf32>
      %div3A_1144 = arith.divf %get3A_13, %add3A_1143 : vector<16xf32>
      %sub3A_1145 = arith.constant 8.190000e+02 : f32
      %sub3A_1146 = vector.broadcast %sub3A_1145 : f32 to vector<16xf32>
      %sub3A_1147 = arith.subf %sub3A_1146, %convert_element_type3A_1076 : vector<16xf32>
      %mul3A_1148 = arith.mulf %get3A_13, %sub3A_1147 : vector<16xf32>
      %mul3A_1149 = arith.mulf %convert_element_type3A_1137, %add3A_1143 : vector<16xf32>
      %div3A_1150 = arith.divf %mul3A_1148, %mul3A_1149 : vector<16xf32>
      %scan3A_1151 = arith.constant 0 : i32
      %scan3A_1152 = arith.constant 0 : i32
      %scan3A_1153 = arith.constant 64 : i32
      %scan3A_1154 = arith.addi %scan3A_1152, %scan3A_1153 : i32
      %scan3A_1155 = arith.constant 1 : i32
      scf.for %scan3A_1157 = %scan3A_1152 to %scan3A_1154 step %scan3A_1155  : i32 {
        %mul3A_1158 = arith.constant 16 : i32
        %mul3A_1159 = arith.muli %scan3A_1157, %mul3A_1158 : i32
        %get3A_1160 = arith.index_cast %mul3A_1159 : i32 to index
        %get3A_1161 = tpu.vector_load %arg6[%get3A_1160] {strides = array<i32>} : memref<1024xf32, #tpu.memory_space<vmem>>, vector<16xf32>,
        %get3A_1162 = vector.shape_cast %get3A_1161 : vector<16xf32> to vector<16xf32>
        %mul3A_1163 = arith.constant 16 : i32
        %mul3A_1164 = arith.muli %scan3A_1157, %mul3A_1163 : i32
        %get3A_1165 = arith.index_cast %mul3A_1164 : i32 to index
        %get3A_1166 = tpu.vector_load %arg7[%get3A_1165] {strides = array<i32>} : memref<1024xi32, #tpu.memory_space<vmem>>, vector<16xi32>,
        %get3A_1167 = vector.shape_cast %get3A_1166 : vector<16xi32> to vector<16xi32>
        %sub3A_1168 = arith.subf %get3A_1162, %max3A_74 : vector<16xf32>
        %exp3A = math.exp %sub3A_1168 : vector<16xf32>
        %broadcast_in_dim3A_1169 = arith.constant 0.000000e+00 : f32
        %broadcast_in_dim3A_1170 = vector.broadcast %broadcast_in_dim3A_1169 : f32 to vector<16xf32>
        %gt3A = arith.cmpi sgt, %get3A_1167, %xor3A_85 : vector<16xi32>
        %jit3A = arith.constant 0.000000e+00 : f32
        %broadcast_in_dim3A_1171 = vector.broadcast %jit3A : f32 to vector<16xf32>
        %select_n3A_1172 = arith.select %gt3A, %div3A_379, %broadcast_in_dim3A_1171 : vector<16xi1>, vector<16xf32>
        %add3A_1173 = arith.addf %broadcast_in_dim3A_1170, %select_n3A_1172 : vector<16xf32>
        %eq3A = arith.cmpi eq, %get3A_1167, %xor3A_85 : vector<16xi32>
        %jit3A_1174 = arith.constant 0.000000e+00 : f32
        %broadcast_in_dim3A_1175 = vector.broadcast %jit3A_1174 : f32 to vector<16xf32>
        %select_n3A_1176 = arith.select %eq3A, %div3A_385, %broadcast_in_dim3A_1175 : vector<16xi1>, vector<16xf32>
        %add3A_1177 = arith.addf %add3A_1173, %select_n3A_1176 : vector<16xf32>
        %gt3A_1178 = arith.cmpi sgt, %get3A_1167, %xor3A_96 : vector<16xi32>
        %jit3A_1179 = arith.constant 0.000000e+00 : f32
        %broadcast_in_dim3A_1180 = vector.broadcast %jit3A_1179 : f32 to vector<16xf32>
        %select_n3A_1181 = arith.select %gt3A_1178, %div3A_634, %broadcast_in_dim3A_1180 : vector<16xi1>, vector<16xf32>
        %add3A_1182 = arith.addf %add3A_1177, %select_n3A_1181 : vector<16xf32>
        %eq3A_1183 = arith.cmpi eq, %get3A_1167, %xor3A_96 : vector<16xi32>
        %jit3A_1184 = arith.constant 0.000000e+00 : f32
        %broadcast_in_dim3A_1185 = vector.broadcast %jit3A_1184 : f32 to vector<16xf32>
        %select_n3A_1186 = arith.select %eq3A_1183, %div3A_640, %broadcast_in_dim3A_1185 : vector<16xi1>, vector<16xf32>
        %add3A_1187 = arith.addf %add3A_1182, %select_n3A_1186 : vector<16xf32>
        %gt3A_1188 = arith.cmpi sgt, %get3A_1167, %xor3A_107 : vector<16xi32>
        %jit3A_1189 = arith.constant 0.000000e+00 : f32
        %broadcast_in_dim3A_1190 = vector.broadcast %jit3A_1189 : f32 to vector<16xf32>
        %select_n3A_1191 = arith.select %gt3A_1188, %div3A_889, %broadcast_in_dim3A_1190 : vector<16xi1>, vector<16xf32>
        %add3A_1192 = arith.addf %add3A_1187, %select_n3A_1191 : vector<16xf32>
        %eq3A_1193 = arith.cmpi eq, %get3A_1167, %xor3A_107 : vector<16xi32>
        %jit3A_1194 = arith.constant 0.000000e+00 : f32
        %broadcast_in_dim3A_1195 = vector.broadcast %jit3A_1194 : f32 to vector<16xf32>
        %select_n3A_1196 = arith.select %eq3A_1193, %div3A_895, %broadcast_in_dim3A_1195 : vector<16xi1>, vector<16xf32>
        %add3A_1197 = arith.addf %add3A_1192, %select_n3A_1196 : vector<16xf32>
        %gt3A_1198 = arith.cmpi sgt, %get3A_1167, %xor3A_118 : vector<16xi32>
        %jit3A_1199 = arith.constant 0.000000e+00 : f32
        %broadcast_in_dim3A_1200 = vector.broadcast %jit3A_1199 : f32 to vector<16xf32>
        %select_n3A_1201 = arith.select %gt3A_1198, %div3A_1144, %broadcast_in_dim3A_1200 : vector<16xi1>, vector<16xf32>
        %add3A_1202 = arith.addf %add3A_1197, %select_n3A_1201 : vector<16xf32>
        %eq3A_1203 = arith.cmpi eq, %get3A_1167, %xor3A_118 : vector<16xi32>
        %jit3A_1204 = arith.constant 0.000000e+00 : f32
        %broadcast_in_dim3A_1205 = vector.broadcast %jit3A_1204 : f32 to vector<16xf32>
        %select_n3A_1206 = arith.select %eq3A_1203, %div3A_1150, %broadcast_in_dim3A_1205 : vector<16xi1>, vector<16xf32>
        %add3A_1207 = arith.addf %add3A_1202, %select_n3A_1206 : vector<16xf32>
        %mul3A_1208 = arith.mulf %exp3A, %add3A_1207 : vector<16xf32>
        %mul3A_1209 = arith.constant 16 : i32
        %mul3A_1210 = arith.muli %scan3A_1157, %mul3A_1209 : i32
        %swap3A = arith.index_cast %mul3A_1210 : i32 to index
        %swap3A_1211 = tpu.vector_load %arg8[%swap3A] {strides = array<i32>} : memref<1024xf32, #tpu.memory_space<vmem>>, vector<16xf32>,
        %swap3A_1212 = vector.shape_cast %swap3A_1211 : vector<16xf32> to vector<16xf32>
        %swap3A_1213 = vector.shape_cast %mul3A_1208 : vector<16xf32> to vector<16xf32>
        tpu.vector_store %arg8[%swap3A], %swap3A_1213 {strides = array<i32>} : memref<1024xf32, #tpu.memory_space<vmem>>, vector<16xf32>,
      }
      %scan3A_1156 = arith.constant 64 : i32
      "tpu.region"() ({
        %run_scoped3A = tpu.sem_alloc : memref<!tpu.dma_semaphore, #tpu.memory_space<semaphore_mem>>
        %dma_start3A = arith.constant 0 : i32
        %dma_start3A_1157 = tpu.memref_slice %arg5[%add3A, %dma_start3A] : memref<12x1024xf32, #tpu.memory_space<hbm>> -> memref<1x1024xf32, #tpu.memory_space<hbm>>
        %dma_start3A_1158 = tpu.memref_squeeze %dma_start3A_1157 : memref<1x1024xf32, #tpu.memory_space<hbm>> -> memref<1024xf32, #tpu.memory_space<hbm>>
        %dma_start3A_1159 = arith.constant 0 : i32
        %dma_start3A_1160 = tpu.memref_slice %arg5[%add3A, %dma_start3A_1159] : memref<12x1024xf32, #tpu.memory_space<hbm>> -> memref<1x1024xf32, #tpu.memory_space<hbm>>
        %dma_start3A_1161 = tpu.memref_squeeze %dma_start3A_1160 : memref<1x1024xf32, #tpu.memory_space<hbm>> -> memref<1024xf32, #tpu.memory_space<hbm>>
        tpu.enqueue_dma source(%arg8 : memref<1024xf32, #tpu.memory_space<vmem>>) target(%dma_start3A_1161 : memref<1024xf32, #tpu.memory_space<hbm>>) target_semaphore(%run_scoped3A : memref<!tpu.dma_semaphore, #tpu.memory_space<semaphore_mem>>)
        %dma_wait3A = arith.constant 0 : i32
        %dma_wait3A_1162 = tpu.memref_slice %arg5[%add3A, %dma_wait3A] : memref<12x1024xf32, #tpu.memory_space<hbm>> -> memref<1x1024xf32, #tpu.memory_space<hbm>>
        %dma_wait3A_1163 = tpu.memref_squeeze %dma_wait3A_1162 : memref<1x1024xf32, #tpu.memory_space<hbm>> -> memref<1024xf32, #tpu.memory_space<hbm>>
        %dma_wait3A_1164 = arith.constant 0 : i32
        %dma_wait3A_1165 = tpu.memref_slice %arg5[%add3A, %dma_wait3A_1164] : memref<12x1024xf32, #tpu.memory_space<hbm>> -> memref<1x1024xf32, #tpu.memory_space<hbm>>
        %dma_wait3A_1166 = tpu.memref_squeeze %dma_wait3A_1165 : memref<1x1024xf32, #tpu.memory_space<hbm>> -> memref<1024xf32, #tpu.memory_space<hbm>>
        tpu.wait_dma2 semaphore(%run_scoped3A : memref<!tpu.dma_semaphore, #tpu.memory_space<semaphore_mem>>) src(%arg8 : memref<1024xf32, #tpu.memory_space<vmem>>) dst(%dma_wait3A_1166 : memref<1024xf32, #tpu.memory_space<hbm>>)
        tpu.yield
      }) : () -> ()
    } else {
    }
    return
  }
}

module attributes {stable_mosaic.version = 14 : i64} {
  func.func @_a1_body(%arg0: i32, %arg1: i32, %arg2: memref<1x192x3584xf32, #tpu.memory_space<vmem>>, %arg3: memref<576x192xf32, #tpu.memory_space<vmem>>, %arg4: memref<1x576x3584xbf16, #tpu.memory_space<vmem>>) attributes {dimension_semantics = [#tpu.dimension_semantics<arbitrary>, #tpu.dimension_semantics<arbitrary>], iteration_bounds = array<i64: 2, 14>, scalar_prefetch = 0 : i64, scratch_operands = 0 : i64, tpu.core_type = #tpu.core_type<tc>, window_params = [{transform_indices = @transform_0, window_bounds = array<i64: 1, 192, 3584>}, {pipeline_mode = #tpu.pipeline_mode<synchronous>, transform_indices = @transform_1, window_bounds = array<i64: 576, 192>}, {transform_indices = @transform_2, window_bounds = array<i64: 1, 576, 3584>}]} {
    %get3A = arith.constant 0 : index
    %get3A_0 = arith.constant 0 : index
    %get3A_1 = vector.load %arg3[%get3A, %get3A_0] : memref<576x192xf32, #tpu.memory_space<vmem>>, vector<576x192xf32>
    %convert_element_type3A = arith.truncf %get3A_1 : vector<576x192xf32> to vector<576x192xbf16>
    %get3A_2 = arith.constant 0 : index
    %get3A_3 = arith.constant 0 : index
    %get3A_4 = arith.constant 0 : index
    %get3A_5 = vector.load %arg2[%get3A_2, %get3A_3, %get3A_4] : memref<1x192x3584xf32, #tpu.memory_space<vmem>>, vector<1x192x3584xf32>
    %get3A_6 = vector.shape_cast %get3A_5 : vector<1x192x3584xf32> to vector<192x3584xf32>
    %convert_element_type3A_7 = arith.truncf %get3A_6 : vector<192x3584xf32> to vector<192x3584xbf16>
    %dot_general3A = arith.constant dense<0.000000e+00> : vector<576x3584xf32>
    %dot_general3A_8 = tpu.matmul %convert_element_type3A, %convert_element_type3A_7, %dot_general3A {dimension_numbers = #tpu.dot_dimension_numbers<[1], [0], [0], [1], [0, 0, 1, 1], [], []>, transpose_lhs_hint = false} : vector<576x192xbf16>, vector<192x3584xbf16>, vector<576x3584xf32> -> vector<576x3584xf32>
    %convert_element_type3A_9 = arith.truncf %dot_general3A_8 : vector<576x3584xf32> to vector<576x3584xbf16>
    %swap3A = arith.constant 0 : index
    %swap3A_10 = arith.constant 0 : index
    %swap3A_11 = arith.constant 0 : index
    %swap3A_12 = vector.load %arg4[%swap3A, %swap3A_10, %swap3A_11] : memref<1x576x3584xbf16, #tpu.memory_space<vmem>>, vector<1x576x3584xbf16>
    %swap3A_13 = vector.shape_cast %swap3A_12 : vector<1x576x3584xbf16> to vector<576x3584xbf16>
    %swap3A_14 = vector.shape_cast %convert_element_type3A_9 : vector<576x3584xbf16> to vector<1x576x3584xbf16>
    tpu.vector_store %arg4[%swap3A, %swap3A_10, %swap3A_11], %swap3A_14 {strides = array<i32>} : memref<1x576x3584xbf16, #tpu.memory_space<vmem>>, vector<1x576x3584xbf16>,
    return
  }
  func.func @transform_0(%arg0: i32, %arg1: i32) -> (i32, i32, i32) {
    %c0_i32 = arith.constant 0 : i32
    %c0_i32_0 = arith.constant 0 : i32
    return %arg0, %c0_i32, %arg1 : i32, i32, i32
  }
  func.func @transform_1(%arg0: i32, %arg1: i32) -> (i32, i32) {
    %c0_i32 = arith.constant 0 : i32
    %c0_i32_0 = arith.constant 0 : i32
    %c0_i32_1 = arith.constant 0 : i32
    return %c0_i32, %c0_i32_0 : i32, i32
  }
  func.func @transform_2(%arg0: i32, %arg1: i32) -> (i32, i32, i32) {
    %c0_i32 = arith.constant 0 : i32
    %c0_i32_0 = arith.constant 0 : i32
    return %arg0, %c0_i32, %arg1 : i32, i32, i32
  }
}

module attributes {stable_mosaic.version = 14 : i64} {
  func.func @_a2a_body(%arg0: i32, %arg1: i32, %arg2: i32, %arg3: memref<1x64x12544xbf16, #tpu.memory_space<vmem>>, %arg4: memref<1x64x896xbf16, #tpu.memory_space<vmem>>, %arg5: memref<1x64x896xbf16, #tpu.memory_space<vmem>>, %arg6: memref<64x9xf32, #tpu.memory_space<vmem>>, %arg7: memref<1x64x12544xf32, #tpu.memory_space<vmem>>, %arg8: memref<1x2x32xf32, #tpu.memory_space<vmem>>) attributes {dimension_semantics = [#tpu.dimension_semantics<arbitrary>, #tpu.dimension_semantics<arbitrary>, #tpu.dimension_semantics<arbitrary>], iteration_bounds = array<i64: 2, 6, 4>, scalar_prefetch = 0 : i64, scratch_operands = 0 : i64, tpu.core_type = #tpu.core_type<tc>, window_params = [{transform_indices = @transform_0, window_bounds = array<i64: 1, 64, 12544>}, {transform_indices = @transform_1, window_bounds = array<i64: 1, 64, 896>}, {transform_indices = @transform_2, window_bounds = array<i64: 1, 64, 896>}, {transform_indices = @transform_3, window_bounds = array<i64: 64, 9>}, {transform_indices = @transform_4, window_bounds = array<i64: 1, 64, 12544>}, {transform_indices = @transform_5, window_bounds = array<i64: 1, 2, 32>}]} {
    %gt3A = arith.constant 0 : i32
    %gt3A_0 = arith.cmpi sgt, %arg2, %gt3A : i32
    %jit3A = arith.constant 1.000000e+00 : f32
    %jit3A_1 = arith.constant 0.000000e+00 : f32
    %select_n3A = arith.select %gt3A_0, %jit3A, %jit3A_1 : f32
    %lt3A = arith.constant 3 : i32
    %lt3A_2 = arith.cmpi slt, %arg2, %lt3A : i32
    %jit3A_3 = arith.constant 1.000000e+00 : f32
    %jit3A_4 = arith.constant 0.000000e+00 : f32
    %select_n3A_5 = arith.select %lt3A_2, %jit3A_3, %jit3A_4 : f32
    %get3A = arith.constant 0 : index
    %get3A_6 = arith.constant 0 : index
    %get3A_7 = arith.constant 0 : index
    %get3A_8 = vector.load %arg4[%get3A, %get3A_6, %get3A_7] : memref<1x64x896xbf16, #tpu.memory_space<vmem>>, vector<1x64x896xbf16>
    %get3A_9 = vector.shape_cast %get3A_8 : vector<1x64x896xbf16> to vector<64x896xbf16>
    %convert_element_type3A = arith.extf %get3A_9 : vector<64x896xbf16> to vector<64x896xf32>
    %mul3A = vector.broadcast %select_n3A : f32 to vector<64x896xf32>
    %mul3A_10 = arith.mulf %convert_element_type3A, %mul3A : vector<64x896xf32>
    %get3A_11 = arith.constant 0 : index
    %get3A_12 = arith.constant 0 : index
    %get3A_13 = arith.constant 0 : index
    %get3A_14 = vector.load %arg3[%get3A_11, %get3A_12, %get3A_13] : memref<1x64x12544xbf16, #tpu.memory_space<vmem>>, vector<1x64x12544xbf16>
    %get3A_15 = vector.shape_cast %get3A_14 : vector<1x64x12544xbf16> to vector<64x12544xbf16>
    %convert_element_type3A_16 = arith.extf %get3A_15 : vector<64x12544xbf16> to vector<64x12544xf32>
    %get3A_17 = arith.constant 0 : index
    %get3A_18 = arith.constant 0 : index
    %get3A_19 = arith.constant 0 : index
    %get3A_20 = vector.load %arg5[%get3A_17, %get3A_18, %get3A_19] : memref<1x64x896xbf16, #tpu.memory_space<vmem>>, vector<1x64x896xbf16>
    %get3A_21 = vector.shape_cast %get3A_20 : vector<1x64x896xbf16> to vector<64x896xbf16>
    %convert_element_type3A_22 = arith.extf %get3A_21 : vector<64x896xbf16> to vector<64x896xf32>
    %mul3A_23 = vector.broadcast %select_n3A_5 : f32 to vector<64x896xf32>
    %mul3A_24 = arith.mulf %convert_element_type3A_22, %mul3A_23 : vector<64x896xf32>
    %concatenate3A = tpu.concatenate %mul3A_10, %convert_element_type3A_16, %mul3A_24 in 1 : vector<64x896xf32>, vector<64x12544xf32>, vector<64x896xf32> -> vector<64x14336xf32>
    %get3A_25 = arith.constant 0 : index
    %get3A_26 = arith.constant 0 : index
    %get3A_27 = vector.load %arg6[%get3A_25, %get3A_26] : memref<64x9xf32, #tpu.memory_space<vmem>>, vector<64x9xf32>
    %convert_element_type3A_28 = arith.truncf %concatenate3A : vector<64x14336xf32> to vector<64x14336xbf16>
    %convert_element_type3A_29 = arith.extf %convert_element_type3A_28 : vector<64x14336xbf16> to vector<64x14336xf32>
    %iota3A = tpu.iota {dimensions = array<i32: 1>} : vector<1x14336xi32>
    %jit3A_30 = arith.constant 224 : i32
    %eq3A = arith.constant 0 : i32
    %eq3A_31 = arith.cmpi eq, %jit3A_30, %eq3A : i32
    %jit3A_32 = arith.constant 1 : i32
    %select_n3A_33 = arith.select %eq3A_31, %jit3A_32, %jit3A_30 : i32
    %rem3A = vector.broadcast %select_n3A_33 : i32 to vector<1x14336xi32>
    %rem3A_34 = arith.remsi %iota3A, %rem3A : vector<1x14336xi32>
    %ne3A = arith.constant 0 : i32
    %ne3A_35 = vector.broadcast %ne3A : i32 to vector<1x14336xi32>
    %ne3A_36 = arith.cmpi ne, %rem3A_34, %ne3A_35 : vector<1x14336xi32>
    %lt3A_37 = arith.constant 0 : i32
    %lt3A_38 = vector.broadcast %lt3A_37 : i32 to vector<1x14336xi32>
    %lt3A_39 = arith.cmpi slt, %rem3A_34, %lt3A_38 : vector<1x14336xi32>
    %lt3A_40 = arith.constant 0 : i32
    %lt3A_41 = arith.cmpi slt, %select_n3A_33, %lt3A_40 : i32
    %ne3A_42 = vector.broadcast %lt3A_41 : i1 to vector<1x14336xi1>
    %ne3A_43 = vector.broadcast %ne3A_42 : vector<1x14336xi1> to vector<1x14336xi1>
    %ne3A_44 = arith.xori %lt3A_39, %ne3A_43 : vector<1x14336xi1>
    %and3A = arith.andi %ne3A_44, %ne3A_36 : vector<1x14336xi1>
    %add3A = vector.broadcast %select_n3A_33 : i32 to vector<1x14336xi32>
    %add3A_45 = arith.addi %rem3A_34, %add3A : vector<1x14336xi32>
    %select_n3A_46 = arith.select %and3A, %add3A_45, %rem3A_34 : vector<1x14336xi1>, vector<1x14336xi32>
    %ne3A_47 = arith.constant 0 : i32
    %ne3A_48 = vector.broadcast %ne3A_47 : i32 to vector<1x14336xi32>
    %ne3A_49 = arith.cmpi ne, %select_n3A_46, %ne3A_48 : vector<1x14336xi32>
    %convert_element_type3A_50 = arith.extui %ne3A_49 : vector<1x14336xi1> to vector<1x14336xi32>
    %convert_element_type3A_51 = arith.sitofp %convert_element_type3A_50 : vector<1x14336xi32> to vector<1x14336xf32>
    %ne3A_52 = arith.constant 223 : i32
    %ne3A_53 = vector.broadcast %ne3A_52 : i32 to vector<1x14336xi32>
    %ne3A_54 = arith.cmpi ne, %select_n3A_46, %ne3A_53 : vector<1x14336xi32>
    %convert_element_type3A_55 = arith.extui %ne3A_54 : vector<1x14336xi1> to vector<1x14336xi32>
    %convert_element_type3A_56 = arith.sitofp %convert_element_type3A_55 : vector<1x14336xi32> to vector<1x14336xf32>
    %slice3A = vector.extract_strided_slice %get3A_27 {offsets = [0, 0], sizes = [64, 1], strides = [1, 1]} : vector<64x9xf32> to vector<64x1xf32>
    %squeeze3A = vector.shape_cast %slice3A : vector<64x1xf32> to vector<64xf32>
    %broadcast_in_dim3A = vector.shape_cast %squeeze3A : vector<64xf32> to vector<64x1xf32>
    %broadcast_in_dim3A_57 = arith.constant 0.000000e+00 : f32
    %broadcast_in_dim3A_58 = vector.broadcast %broadcast_in_dim3A_57 : f32 to vector<64x225xf32>
    %slice3A_59 = vector.extract_strided_slice %convert_element_type3A_29 {offsets = [0, 0], sizes = [64, 14111], strides = [1, 1]} : vector<64x14336xf32> to vector<64x14111xf32>
    %concatenate3A_60 = tpu.concatenate %broadcast_in_dim3A_58, %slice3A_59 in 1 : vector<64x225xf32>, vector<64x14111xf32> -> vector<64x14336xf32>
    %mul3A_61 = vector.broadcast %broadcast_in_dim3A : vector<64x1xf32> to vector<64x14336xf32>
    %mul3A_62 = arith.mulf %mul3A_61, %concatenate3A_60 : vector<64x14336xf32>
    %mul3A_63 = vector.broadcast %convert_element_type3A_51 : vector<1x14336xf32> to vector<64x14336xf32>
    %mul3A_64 = arith.mulf %mul3A_62, %mul3A_63 : vector<64x14336xf32>
    %slice3A_65 = vector.extract_strided_slice %get3A_27 {offsets = [0, 1], sizes = [64, 1], strides = [1, 1]} : vector<64x9xf32> to vector<64x1xf32>
    %squeeze3A_66 = vector.shape_cast %slice3A_65 : vector<64x1xf32> to vector<64xf32>
    %broadcast_in_dim3A_67 = vector.shape_cast %squeeze3A_66 : vector<64xf32> to vector<64x1xf32>
    %broadcast_in_dim3A_68 = arith.constant 0.000000e+00 : f32
    %broadcast_in_dim3A_69 = vector.broadcast %broadcast_in_dim3A_68 : f32 to vector<64x224xf32>
    %slice3A_70 = vector.extract_strided_slice %convert_element_type3A_29 {offsets = [0, 0], sizes = [64, 14112], strides = [1, 1]} : vector<64x14336xf32> to vector<64x14112xf32>
    %concatenate3A_71 = tpu.concatenate %broadcast_in_dim3A_69, %slice3A_70 in 1 : vector<64x224xf32>, vector<64x14112xf32> -> vector<64x14336xf32>
    %mul3A_72 = vector.broadcast %broadcast_in_dim3A_67 : vector<64x1xf32> to vector<64x14336xf32>
    %mul3A_73 = arith.mulf %mul3A_72, %concatenate3A_71 : vector<64x14336xf32>
    %add3A_74 = arith.addf %mul3A_64, %mul3A_73 : vector<64x14336xf32>
    %slice3A_75 = vector.extract_strided_slice %get3A_27 {offsets = [0, 2], sizes = [64, 1], strides = [1, 1]} : vector<64x9xf32> to vector<64x1xf32>
    %squeeze3A_76 = vector.shape_cast %slice3A_75 : vector<64x1xf32> to vector<64xf32>
    %broadcast_in_dim3A_77 = vector.shape_cast %squeeze3A_76 : vector<64xf32> to vector<64x1xf32>
    %broadcast_in_dim3A_78 = arith.constant 0.000000e+00 : f32
    %broadcast_in_dim3A_79 = vector.broadcast %broadcast_in_dim3A_78 : f32 to vector<64x223xf32>
    %slice3A_80 = vector.extract_strided_slice %convert_element_type3A_29 {offsets = [0, 0], sizes = [64, 14113], strides = [1, 1]} : vector<64x14336xf32> to vector<64x14113xf32>
    %concatenate3A_81 = tpu.concatenate %broadcast_in_dim3A_79, %slice3A_80 in 1 : vector<64x223xf32>, vector<64x14113xf32> -> vector<64x14336xf32>
    %mul3A_82 = vector.broadcast %broadcast_in_dim3A_77 : vector<64x1xf32> to vector<64x14336xf32>
    %mul3A_83 = arith.mulf %mul3A_82, %concatenate3A_81 : vector<64x14336xf32>
    %mul3A_84 = vector.broadcast %convert_element_type3A_56 : vector<1x14336xf32> to vector<64x14336xf32>
    %mul3A_85 = arith.mulf %mul3A_83, %mul3A_84 : vector<64x14336xf32>
    %add3A_86 = arith.addf %add3A_74, %mul3A_85 : vector<64x14336xf32>
    %slice3A_87 = vector.extract_strided_slice %get3A_27 {offsets = [0, 3], sizes = [64, 1], strides = [1, 1]} : vector<64x9xf32> to vector<64x1xf32>
    %squeeze3A_88 = vector.shape_cast %slice3A_87 : vector<64x1xf32> to vector<64xf32>
    %broadcast_in_dim3A_89 = vector.shape_cast %squeeze3A_88 : vector<64xf32> to vector<64x1xf32>
    %broadcast_in_dim3A_90 = arith.constant 0.000000e+00 : f32
    %broadcast_in_dim3A_91 = vector.broadcast %broadcast_in_dim3A_90 : f32 to vector<64x1xf32>
    %slice3A_92 = vector.extract_strided_slice %convert_element_type3A_29 {offsets = [0, 0], sizes = [64, 14335], strides = [1, 1]} : vector<64x14336xf32> to vector<64x14335xf32>
    %concatenate3A_93 = tpu.concatenate %broadcast_in_dim3A_91, %slice3A_92 in 1 : vector<64x1xf32>, vector<64x14335xf32> -> vector<64x14336xf32>
    %mul3A_94 = vector.broadcast %broadcast_in_dim3A_89 : vector<64x1xf32> to vector<64x14336xf32>
    %mul3A_95 = arith.mulf %mul3A_94, %concatenate3A_93 : vector<64x14336xf32>
    %mul3A_96 = vector.broadcast %convert_element_type3A_51 : vector<1x14336xf32> to vector<64x14336xf32>
    %mul3A_97 = arith.mulf %mul3A_95, %mul3A_96 : vector<64x14336xf32>
    %add3A_98 = arith.addf %add3A_86, %mul3A_97 : vector<64x14336xf32>
    %slice3A_99 = vector.extract_strided_slice %get3A_27 {offsets = [0, 4], sizes = [64, 1], strides = [1, 1]} : vector<64x9xf32> to vector<64x1xf32>
    %squeeze3A_100 = vector.shape_cast %slice3A_99 : vector<64x1xf32> to vector<64xf32>
    %broadcast_in_dim3A_101 = vector.shape_cast %squeeze3A_100 : vector<64xf32> to vector<64x1xf32>
    %mul3A_102 = vector.broadcast %broadcast_in_dim3A_101 : vector<64x1xf32> to vector<64x14336xf32>
    %mul3A_103 = arith.mulf %mul3A_102, %convert_element_type3A_29 : vector<64x14336xf32>
    %add3A_104 = arith.addf %add3A_98, %mul3A_103 : vector<64x14336xf32>
    %slice3A_105 = vector.extract_strided_slice %get3A_27 {offsets = [0, 5], sizes = [64, 1], strides = [1, 1]} : vector<64x9xf32> to vector<64x1xf32>
    %squeeze3A_106 = vector.shape_cast %slice3A_105 : vector<64x1xf32> to vector<64xf32>
    %broadcast_in_dim3A_107 = vector.shape_cast %squeeze3A_106 : vector<64xf32> to vector<64x1xf32>
    %slice3A_108 = vector.extract_strided_slice %convert_element_type3A_29 {offsets = [0, 1], sizes = [64, 14335], strides = [1, 1]} : vector<64x14336xf32> to vector<64x14335xf32>
    %concatenate3A_109 = tpu.concatenate %slice3A_108, %broadcast_in_dim3A_91 in 1 : vector<64x14335xf32>, vector<64x1xf32> -> vector<64x14336xf32>
    %mul3A_110 = vector.broadcast %broadcast_in_dim3A_107 : vector<64x1xf32> to vector<64x14336xf32>
    %mul3A_111 = arith.mulf %mul3A_110, %concatenate3A_109 : vector<64x14336xf32>
    %mul3A_112 = vector.broadcast %convert_element_type3A_56 : vector<1x14336xf32> to vector<64x14336xf32>
    %mul3A_113 = arith.mulf %mul3A_111, %mul3A_112 : vector<64x14336xf32>
    %add3A_114 = arith.addf %add3A_104, %mul3A_113 : vector<64x14336xf32>
    %slice3A_115 = vector.extract_strided_slice %get3A_27 {offsets = [0, 6], sizes = [64, 1], strides = [1, 1]} : vector<64x9xf32> to vector<64x1xf32>
    %squeeze3A_116 = vector.shape_cast %slice3A_115 : vector<64x1xf32> to vector<64xf32>
    %broadcast_in_dim3A_117 = vector.shape_cast %squeeze3A_116 : vector<64xf32> to vector<64x1xf32>
    %slice3A_118 = vector.extract_strided_slice %convert_element_type3A_29 {offsets = [0, 223], sizes = [64, 14113], strides = [1, 1]} : vector<64x14336xf32> to vector<64x14113xf32>
    %concatenate3A_119 = tpu.concatenate %slice3A_118, %broadcast_in_dim3A_79 in 1 : vector<64x14113xf32>, vector<64x223xf32> -> vector<64x14336xf32>
    %mul3A_120 = vector.broadcast %broadcast_in_dim3A_117 : vector<64x1xf32> to vector<64x14336xf32>
    %mul3A_121 = arith.mulf %mul3A_120, %concatenate3A_119 : vector<64x14336xf32>
    %mul3A_122 = vector.broadcast %convert_element_type3A_51 : vector<1x14336xf32> to vector<64x14336xf32>
    %mul3A_123 = arith.mulf %mul3A_121, %mul3A_122 : vector<64x14336xf32>
    %add3A_124 = arith.addf %add3A_114, %mul3A_123 : vector<64x14336xf32>
    %slice3A_125 = vector.extract_strided_slice %get3A_27 {offsets = [0, 7], sizes = [64, 1], strides = [1, 1]} : vector<64x9xf32> to vector<64x1xf32>
    %squeeze3A_126 = vector.shape_cast %slice3A_125 : vector<64x1xf32> to vector<64xf32>
    %broadcast_in_dim3A_127 = vector.shape_cast %squeeze3A_126 : vector<64xf32> to vector<64x1xf32>
    %slice3A_128 = vector.extract_strided_slice %convert_element_type3A_29 {offsets = [0, 224], sizes = [64, 14112], strides = [1, 1]} : vector<64x14336xf32> to vector<64x14112xf32>
    %concatenate3A_129 = tpu.concatenate %slice3A_128, %broadcast_in_dim3A_69 in 1 : vector<64x14112xf32>, vector<64x224xf32> -> vector<64x14336xf32>
    %mul3A_130 = vector.broadcast %broadcast_in_dim3A_127 : vector<64x1xf32> to vector<64x14336xf32>
    %mul3A_131 = arith.mulf %mul3A_130, %concatenate3A_129 : vector<64x14336xf32>
    %add3A_132 = arith.addf %add3A_124, %mul3A_131 : vector<64x14336xf32>
    %slice3A_133 = vector.extract_strided_slice %get3A_27 {offsets = [0, 8], sizes = [64, 1], strides = [1, 1]} : vector<64x9xf32> to vector<64x1xf32>
    %squeeze3A_134 = vector.shape_cast %slice3A_133 : vector<64x1xf32> to vector<64xf32>
    %broadcast_in_dim3A_135 = vector.shape_cast %squeeze3A_134 : vector<64xf32> to vector<64x1xf32>
    %slice3A_136 = vector.extract_strided_slice %convert_element_type3A_29 {offsets = [0, 225], sizes = [64, 14111], strides = [1, 1]} : vector<64x14336xf32> to vector<64x14111xf32>
    %concatenate3A_137 = tpu.concatenate %slice3A_136, %broadcast_in_dim3A_58 in 1 : vector<64x14111xf32>, vector<64x225xf32> -> vector<64x14336xf32>
    %mul3A_138 = vector.broadcast %broadcast_in_dim3A_135 : vector<64x1xf32> to vector<64x14336xf32>
    %mul3A_139 = arith.mulf %mul3A_138, %concatenate3A_137 : vector<64x14336xf32>
    %mul3A_140 = vector.broadcast %convert_element_type3A_56 : vector<1x14336xf32> to vector<64x14336xf32>
    %mul3A_141 = arith.mulf %mul3A_139, %mul3A_140 : vector<64x14336xf32>
    %add3A_142 = arith.addf %add3A_132, %mul3A_141 : vector<64x14336xf32>
    %slice3A_143 = vector.extract_strided_slice %add3A_142 {offsets = [0, 896], sizes = [64, 12544], strides = [1, 1]} : vector<64x14336xf32> to vector<64x12544xf32>
    %slice3A_144 = vector.extract_strided_slice %slice3A_143 {offsets = [0, 0], sizes = [32, 12544], strides = [1, 1]} : vector<64x12544xf32> to vector<32x12544xf32>
    %slice3A_145 = vector.extract_strided_slice %slice3A_143 {offsets = [32, 0], sizes = [32, 12544], strides = [1, 1]} : vector<64x12544xf32> to vector<32x12544xf32>
    %swap3A = arith.constant 0 : index
    %swap3A_146 = arith.constant 0 : index
    %swap3A_147 = arith.constant 0 : index
    %swap3A_148 = vector.load %arg7[%swap3A, %swap3A_146, %swap3A_147] : memref<1x64x12544xf32, #tpu.memory_space<vmem>>, vector<1x64x12544xf32>
    %swap3A_149 = vector.shape_cast %swap3A_148 : vector<1x64x12544xf32> to vector<64x12544xf32>
    %swap3A_150 = vector.shape_cast %slice3A_143 : vector<64x12544xf32> to vector<1x64x12544xf32>
    tpu.vector_store %arg7[%swap3A, %swap3A_146, %swap3A_147], %swap3A_150 {strides = array<i32>} : memref<1x64x12544xf32, #tpu.memory_space<vmem>>, vector<1x64x12544xf32>,
    %mul3A_151 = arith.mulf %slice3A_144, %slice3A_144 : vector<32x12544xf32>
    %reduce_sum3A = arith.constant dense<0.000000e+00> : vector<32xf32>
    %reduce_sum3A_152 = vector.multi_reduction <add>, %mul3A_151, %reduce_sum3A [1] : vector<32x12544xf32> to vector<32xf32>
    %broadcast_in_dim3A_153 = vector.shape_cast %reduce_sum3A_152 : vector<32xf32> to vector<1x32xf32>
    %mul3A_154 = arith.mulf %slice3A_145, %slice3A_145 : vector<32x12544xf32>
    %reduce_sum3A_155 = arith.constant dense<0.000000e+00> : vector<32xf32>
    %reduce_sum3A_156 = vector.multi_reduction <add>, %mul3A_154, %reduce_sum3A_155 [1] : vector<32x12544xf32> to vector<32xf32>
    %broadcast_in_dim3A_157 = vector.shape_cast %reduce_sum3A_156 : vector<32xf32> to vector<1x32xf32>
    %concatenate3A_158 = tpu.concatenate %broadcast_in_dim3A_153, %broadcast_in_dim3A_157 in 0 : vector<1x32xf32>, vector<1x32xf32> -> vector<2x32xf32>
    %eq3A_159 = arith.constant 0 : i32
    %eq3A_160 = arith.cmpi eq, %arg2, %eq3A_159 : i32
    %convert_element_type3A_161 = arith.extui %eq3A_160 : i1 to i32
    %cond3A = arith.constant 0 : i32
    %cond3A_162 = arith.cmpi ne, %convert_element_type3A_161, %cond3A : i32
    scf.if %cond3A_162 {
      %swap3A_168 = arith.constant 0 : index
      %swap3A_169 = arith.constant 0 : index
      %swap3A_170 = arith.constant 0 : index
      %swap3A_171 = vector.load %arg8[%swap3A_168, %swap3A_169, %swap3A_170] : memref<1x2x32xf32, #tpu.memory_space<vmem>>, vector<1x2x32xf32>
      %swap3A_172 = vector.shape_cast %swap3A_171 : vector<1x2x32xf32> to vector<2x32xf32>
      %swap3A_173 = vector.shape_cast %concatenate3A_158 : vector<2x32xf32> to vector<1x2x32xf32>
      tpu.vector_store %arg8[%swap3A_168, %swap3A_169, %swap3A_170], %swap3A_173 {strides = array<i32>} : memref<1x2x32xf32, #tpu.memory_space<vmem>>, vector<1x2x32xf32>,
    } else {
    }
    %gt3A_163 = arith.constant 0 : i32
    %gt3A_164 = arith.cmpi sgt, %arg2, %gt3A_163 : i32
    %convert_element_type3A_165 = arith.extui %gt3A_164 : i1 to i32
    %cond3A_166 = arith.constant 0 : i32
    %cond3A_167 = arith.cmpi ne, %convert_element_type3A_165, %cond3A_166 : i32
    scf.if %cond3A_167 {
      %get3A_168 = arith.constant 0 : index
      %get3A_169 = arith.constant 0 : index
      %get3A_170 = arith.constant 0 : index
      %get3A_171 = vector.load %arg8[%get3A_168, %get3A_169, %get3A_170] : memref<1x2x32xf32, #tpu.memory_space<vmem>>, vector<1x2x32xf32>
      %get3A_172 = vector.shape_cast %get3A_171 : vector<1x2x32xf32> to vector<2x32xf32>
      %add3A_173 = arith.addf %get3A_172, %concatenate3A_158 : vector<2x32xf32>
      %swap3A_174 = arith.constant 0 : index
      %swap3A_175 = arith.constant 0 : index
      %swap3A_176 = arith.constant 0 : index
      %swap3A_177 = vector.load %arg8[%swap3A_174, %swap3A_175, %swap3A_176] : memref<1x2x32xf32, #tpu.memory_space<vmem>>, vector<1x2x32xf32>
      %swap3A_178 = vector.shape_cast %swap3A_177 : vector<1x2x32xf32> to vector<2x32xf32>
      %swap3A_179 = vector.shape_cast %add3A_173 : vector<2x32xf32> to vector<1x2x32xf32>
      tpu.vector_store %arg8[%swap3A_174, %swap3A_175, %swap3A_176], %swap3A_179 {strides = array<i32>} : memref<1x2x32xf32, #tpu.memory_space<vmem>>, vector<1x2x32xf32>,
    } else {
    }
    return
  }
  func.func @transform_0(%arg0: i32, %arg1: i32, %arg2: i32) -> (i32, i32, i32) {
    %c0_i32 = arith.constant 0 : i32
    return %arg0, %arg1, %arg2 : i32, i32, i32
  }
  func.func @transform_1(%arg0: i32, %arg1: i32, %arg2: i32) -> (i32, i32, i32) {
    %mul3A = arith.constant 14 : i32
    %mul3A_0 = arith.muli %arg2, %mul3A : i32
    %sub3A = arith.constant 1 : i32
    %sub3A_1 = arith.subi %mul3A_0, %sub3A : i32
    %max3A = arith.constant 0 : i32
    %max3A_2 = arith.maxsi %sub3A_1, %max3A : i32
    %c0_i32 = arith.constant 0 : i32
    return %arg0, %arg1, %max3A_2 : i32, i32, i32
  }
  func.func @transform_2(%arg0: i32, %arg1: i32, %arg2: i32) -> (i32, i32, i32) {
    %add3A = arith.constant 1 : i32
    %add3A_0 = arith.addi %arg2, %add3A : i32
    %mul3A = arith.constant 14 : i32
    %mul3A_1 = arith.muli %add3A_0, %mul3A : i32
    %min3A = arith.constant 55 : i32
    %min3A_2 = arith.minsi %mul3A_1, %min3A : i32
    %c0_i32 = arith.constant 0 : i32
    return %arg0, %arg1, %min3A_2 : i32, i32, i32
  }
  func.func @transform_3(%arg0: i32, %arg1: i32, %arg2: i32) -> (i32, i32) {
    %c0_i32 = arith.constant 0 : i32
    %c0_i32_0 = arith.constant 0 : i32
    return %arg1, %c0_i32 : i32, i32
  }
  func.func @transform_4(%arg0: i32, %arg1: i32, %arg2: i32) -> (i32, i32, i32) {
    %c0_i32 = arith.constant 0 : i32
    return %arg0, %arg1, %arg2 : i32, i32, i32
  }
  func.func @transform_5(%arg0: i32, %arg1: i32, %arg2: i32) -> (i32, i32, i32) {
    %mul3A = arith.constant 6 : i32
    %mul3A_0 = arith.muli %arg0, %mul3A : i32
    %add3A = arith.addi %mul3A_0, %arg1 : i32
    %c0_i32 = arith.constant 0 : i32
    %c0_i32_1 = arith.constant 0 : i32
    %c0_i32_2 = arith.constant 0 : i32
    return %add3A, %c0_i32, %c0_i32_1 : i32, i32, i32
  }
}

module attributes {stable_mosaic.version = 14 : i64} {
  func.func @_a2bv_body(%arg0: i32, %arg1: i32, %arg2: i32, %arg3: memref<1x64x12544xf32, #tpu.memory_space<vmem>>, %arg4: memref<1x2x32x1xf32, #tpu.memory_space<vmem>>, %arg5: memref<1x32x12544xbf16, #tpu.memory_space<vmem>>, %arg6: memref<1x32x896xbf16, #tpu.memory_space<vmem>>, %arg7: memref<1x32x896xbf16, #tpu.memory_space<vmem>>, %arg8: memref<32x9xf32, #tpu.memory_space<vmem>>, %arg9: memref<1x32x32xf32, #tpu.memory_space<vmem>>, %arg10: memref<1x1x32x12544xbf16, #tpu.memory_space<vmem>>) attributes {dimension_semantics = [#tpu.dimension_semantics<arbitrary>, #tpu.dimension_semantics<arbitrary>, #tpu.dimension_semantics<arbitrary>], iteration_bounds = array<i64: 2, 6, 4>, scalar_prefetch = 0 : i64, scratch_operands = 0 : i64, tpu.core_type = #tpu.core_type<tc>, window_params = [{transform_indices = @transform_0, window_bounds = array<i64: 1, 64, 12544>}, {transform_indices = @transform_1, window_bounds = array<i64: 1, 2, 32, 1>}, {transform_indices = @transform_2, window_bounds = array<i64: 1, 32, 12544>}, {transform_indices = @transform_3, window_bounds = array<i64: 1, 32, 896>}, {transform_indices = @transform_4, window_bounds = array<i64: 1, 32, 896>}, {transform_indices = @transform_5, window_bounds = array<i64: 32, 9>}, {transform_indices = @transform_6, window_bounds = array<i64: 1, 32, 32>}, {transform_indices = @transform_7, window_bounds = array<i64: 1, 1, 32, 12544>}]} {
    %gt3A = arith.constant 0 : i32
    %gt3A_0 = arith.cmpi sgt, %arg2, %gt3A : i32
    %jit3A = arith.constant 1.000000e+00 : f32
    %jit3A_1 = arith.constant 0.000000e+00 : f32
    %select_n3A = arith.select %gt3A_0, %jit3A, %jit3A_1 : f32
    %lt3A = arith.constant 3 : i32
    %lt3A_2 = arith.cmpi slt, %arg2, %lt3A : i32
    %jit3A_3 = arith.constant 1.000000e+00 : f32
    %jit3A_4 = arith.constant 0.000000e+00 : f32
    %select_n3A_5 = arith.select %lt3A_2, %jit3A_3, %jit3A_4 : f32
    %get3A = arith.constant 0 : index
    %get3A_6 = arith.constant 0 : index
    %get3A_7 = arith.constant 0 : index
    %get3A_8 = vector.load %arg6[%get3A, %get3A_6, %get3A_7] : memref<1x32x896xbf16, #tpu.memory_space<vmem>>, vector<1x32x896xbf16>
    %get3A_9 = vector.shape_cast %get3A_8 : vector<1x32x896xbf16> to vector<32x896xbf16>
    %convert_element_type3A = arith.extf %get3A_9 : vector<32x896xbf16> to vector<32x896xf32>
    %mul3A = vector.broadcast %select_n3A : f32 to vector<32x896xf32>
    %mul3A_10 = arith.mulf %convert_element_type3A, %mul3A : vector<32x896xf32>
    %get3A_11 = arith.constant 0 : index
    %get3A_12 = arith.constant 0 : index
    %get3A_13 = arith.constant 0 : index
    %get3A_14 = vector.load %arg5[%get3A_11, %get3A_12, %get3A_13] : memref<1x32x12544xbf16, #tpu.memory_space<vmem>>, vector<1x32x12544xbf16>
    %get3A_15 = vector.shape_cast %get3A_14 : vector<1x32x12544xbf16> to vector<32x12544xbf16>
    %convert_element_type3A_16 = arith.extf %get3A_15 : vector<32x12544xbf16> to vector<32x12544xf32>
    %get3A_17 = arith.constant 0 : index
    %get3A_18 = arith.constant 0 : index
    %get3A_19 = arith.constant 0 : index
    %get3A_20 = vector.load %arg7[%get3A_17, %get3A_18, %get3A_19] : memref<1x32x896xbf16, #tpu.memory_space<vmem>>, vector<1x32x896xbf16>
    %get3A_21 = vector.shape_cast %get3A_20 : vector<1x32x896xbf16> to vector<32x896xbf16>
    %convert_element_type3A_22 = arith.extf %get3A_21 : vector<32x896xbf16> to vector<32x896xf32>
    %mul3A_23 = vector.broadcast %select_n3A_5 : f32 to vector<32x896xf32>
    %mul3A_24 = arith.mulf %convert_element_type3A_22, %mul3A_23 : vector<32x896xf32>
    %concatenate3A = tpu.concatenate %mul3A_10, %convert_element_type3A_16, %mul3A_24 in 1 : vector<32x896xf32>, vector<32x12544xf32>, vector<32x896xf32> -> vector<32x14336xf32>
    %get3A_25 = arith.constant 0 : index
    %get3A_26 = arith.constant 0 : index
    %get3A_27 = vector.load %arg8[%get3A_25, %get3A_26] : memref<32x9xf32, #tpu.memory_space<vmem>>, vector<32x9xf32>
    %convert_element_type3A_28 = arith.truncf %concatenate3A : vector<32x14336xf32> to vector<32x14336xbf16>
    %convert_element_type3A_29 = arith.extf %convert_element_type3A_28 : vector<32x14336xbf16> to vector<32x14336xf32>
    %iota3A = tpu.iota {dimensions = array<i32: 1>} : vector<1x14336xi32>
    %jit3A_30 = arith.constant 224 : i32
    %eq3A = arith.constant 0 : i32
    %eq3A_31 = arith.cmpi eq, %jit3A_30, %eq3A : i32
    %jit3A_32 = arith.constant 1 : i32
    %select_n3A_33 = arith.select %eq3A_31, %jit3A_32, %jit3A_30 : i32
    %rem3A = vector.broadcast %select_n3A_33 : i32 to vector<1x14336xi32>
    %rem3A_34 = arith.remsi %iota3A, %rem3A : vector<1x14336xi32>
    %ne3A = arith.constant 0 : i32
    %ne3A_35 = vector.broadcast %ne3A : i32 to vector<1x14336xi32>
    %ne3A_36 = arith.cmpi ne, %rem3A_34, %ne3A_35 : vector<1x14336xi32>
    %lt3A_37 = arith.constant 0 : i32
    %lt3A_38 = vector.broadcast %lt3A_37 : i32 to vector<1x14336xi32>
    %lt3A_39 = arith.cmpi slt, %rem3A_34, %lt3A_38 : vector<1x14336xi32>
    %lt3A_40 = arith.constant 0 : i32
    %lt3A_41 = arith.cmpi slt, %select_n3A_33, %lt3A_40 : i32
    %ne3A_42 = vector.broadcast %lt3A_41 : i1 to vector<1x14336xi1>
    %ne3A_43 = vector.broadcast %ne3A_42 : vector<1x14336xi1> to vector<1x14336xi1>
    %ne3A_44 = arith.xori %lt3A_39, %ne3A_43 : vector<1x14336xi1>
    %and3A = arith.andi %ne3A_44, %ne3A_36 : vector<1x14336xi1>
    %add3A = vector.broadcast %select_n3A_33 : i32 to vector<1x14336xi32>
    %add3A_45 = arith.addi %rem3A_34, %add3A : vector<1x14336xi32>
    %select_n3A_46 = arith.select %and3A, %add3A_45, %rem3A_34 : vector<1x14336xi1>, vector<1x14336xi32>
    %ne3A_47 = arith.constant 0 : i32
    %ne3A_48 = vector.broadcast %ne3A_47 : i32 to vector<1x14336xi32>
    %ne3A_49 = arith.cmpi ne, %select_n3A_46, %ne3A_48 : vector<1x14336xi32>
    %convert_element_type3A_50 = arith.extui %ne3A_49 : vector<1x14336xi1> to vector<1x14336xi32>
    %convert_element_type3A_51 = arith.sitofp %convert_element_type3A_50 : vector<1x14336xi32> to vector<1x14336xf32>
    %ne3A_52 = arith.constant 223 : i32
    %ne3A_53 = vector.broadcast %ne3A_52 : i32 to vector<1x14336xi32>
    %ne3A_54 = arith.cmpi ne, %select_n3A_46, %ne3A_53 : vector<1x14336xi32>
    %convert_element_type3A_55 = arith.extui %ne3A_54 : vector<1x14336xi1> to vector<1x14336xi32>
    %convert_element_type3A_56 = arith.sitofp %convert_element_type3A_55 : vector<1x14336xi32> to vector<1x14336xf32>
    %slice3A = vector.extract_strided_slice %get3A_27 {offsets = [0, 0], sizes = [32, 1], strides = [1, 1]} : vector<32x9xf32> to vector<32x1xf32>
    %squeeze3A = vector.shape_cast %slice3A : vector<32x1xf32> to vector<32xf32>
    %broadcast_in_dim3A = vector.shape_cast %squeeze3A : vector<32xf32> to vector<32x1xf32>
    %broadcast_in_dim3A_57 = arith.constant 0.000000e+00 : f32
    %broadcast_in_dim3A_58 = vector.broadcast %broadcast_in_dim3A_57 : f32 to vector<32x225xf32>
    %slice3A_59 = vector.extract_strided_slice %convert_element_type3A_29 {offsets = [0, 0], sizes = [32, 14111], strides = [1, 1]} : vector<32x14336xf32> to vector<32x14111xf32>
    %concatenate3A_60 = tpu.concatenate %broadcast_in_dim3A_58, %slice3A_59 in 1 : vector<32x225xf32>, vector<32x14111xf32> -> vector<32x14336xf32>
    %mul3A_61 = vector.broadcast %broadcast_in_dim3A : vector<32x1xf32> to vector<32x14336xf32>
    %mul3A_62 = arith.mulf %mul3A_61, %concatenate3A_60 : vector<32x14336xf32>
    %mul3A_63 = vector.broadcast %convert_element_type3A_51 : vector<1x14336xf32> to vector<32x14336xf32>
    %mul3A_64 = arith.mulf %mul3A_62, %mul3A_63 : vector<32x14336xf32>
    %slice3A_65 = vector.extract_strided_slice %get3A_27 {offsets = [0, 1], sizes = [32, 1], strides = [1, 1]} : vector<32x9xf32> to vector<32x1xf32>
    %squeeze3A_66 = vector.shape_cast %slice3A_65 : vector<32x1xf32> to vector<32xf32>
    %broadcast_in_dim3A_67 = vector.shape_cast %squeeze3A_66 : vector<32xf32> to vector<32x1xf32>
    %broadcast_in_dim3A_68 = arith.constant 0.000000e+00 : f32
    %broadcast_in_dim3A_69 = vector.broadcast %broadcast_in_dim3A_68 : f32 to vector<32x224xf32>
    %slice3A_70 = vector.extract_strided_slice %convert_element_type3A_29 {offsets = [0, 0], sizes = [32, 14112], strides = [1, 1]} : vector<32x14336xf32> to vector<32x14112xf32>
    %concatenate3A_71 = tpu.concatenate %broadcast_in_dim3A_69, %slice3A_70 in 1 : vector<32x224xf32>, vector<32x14112xf32> -> vector<32x14336xf32>
    %mul3A_72 = vector.broadcast %broadcast_in_dim3A_67 : vector<32x1xf32> to vector<32x14336xf32>
    %mul3A_73 = arith.mulf %mul3A_72, %concatenate3A_71 : vector<32x14336xf32>
    %add3A_74 = arith.addf %mul3A_64, %mul3A_73 : vector<32x14336xf32>
    %slice3A_75 = vector.extract_strided_slice %get3A_27 {offsets = [0, 2], sizes = [32, 1], strides = [1, 1]} : vector<32x9xf32> to vector<32x1xf32>
    %squeeze3A_76 = vector.shape_cast %slice3A_75 : vector<32x1xf32> to vector<32xf32>
    %broadcast_in_dim3A_77 = vector.shape_cast %squeeze3A_76 : vector<32xf32> to vector<32x1xf32>
    %broadcast_in_dim3A_78 = arith.constant 0.000000e+00 : f32
    %broadcast_in_dim3A_79 = vector.broadcast %broadcast_in_dim3A_78 : f32 to vector<32x223xf32>
    %slice3A_80 = vector.extract_strided_slice %convert_element_type3A_29 {offsets = [0, 0], sizes = [32, 14113], strides = [1, 1]} : vector<32x14336xf32> to vector<32x14113xf32>
    %concatenate3A_81 = tpu.concatenate %broadcast_in_dim3A_79, %slice3A_80 in 1 : vector<32x223xf32>, vector<32x14113xf32> -> vector<32x14336xf32>
    %mul3A_82 = vector.broadcast %broadcast_in_dim3A_77 : vector<32x1xf32> to vector<32x14336xf32>
    %mul3A_83 = arith.mulf %mul3A_82, %concatenate3A_81 : vector<32x14336xf32>
    %mul3A_84 = vector.broadcast %convert_element_type3A_56 : vector<1x14336xf32> to vector<32x14336xf32>
    %mul3A_85 = arith.mulf %mul3A_83, %mul3A_84 : vector<32x14336xf32>
    %add3A_86 = arith.addf %add3A_74, %mul3A_85 : vector<32x14336xf32>
    %slice3A_87 = vector.extract_strided_slice %get3A_27 {offsets = [0, 3], sizes = [32, 1], strides = [1, 1]} : vector<32x9xf32> to vector<32x1xf32>
    %squeeze3A_88 = vector.shape_cast %slice3A_87 : vector<32x1xf32> to vector<32xf32>
    %broadcast_in_dim3A_89 = vector.shape_cast %squeeze3A_88 : vector<32xf32> to vector<32x1xf32>
    %broadcast_in_dim3A_90 = arith.constant 0.000000e+00 : f32
    %broadcast_in_dim3A_91 = vector.broadcast %broadcast_in_dim3A_90 : f32 to vector<32x1xf32>
    %slice3A_92 = vector.extract_strided_slice %convert_element_type3A_29 {offsets = [0, 0], sizes = [32, 14335], strides = [1, 1]} : vector<32x14336xf32> to vector<32x14335xf32>
    %concatenate3A_93 = tpu.concatenate %broadcast_in_dim3A_91, %slice3A_92 in 1 : vector<32x1xf32>, vector<32x14335xf32> -> vector<32x14336xf32>
    %mul3A_94 = vector.broadcast %broadcast_in_dim3A_89 : vector<32x1xf32> to vector<32x14336xf32>
    %mul3A_95 = arith.mulf %mul3A_94, %concatenate3A_93 : vector<32x14336xf32>
    %mul3A_96 = vector.broadcast %convert_element_type3A_51 : vector<1x14336xf32> to vector<32x14336xf32>
    %mul3A_97 = arith.mulf %mul3A_95, %mul3A_96 : vector<32x14336xf32>
    %add3A_98 = arith.addf %add3A_86, %mul3A_97 : vector<32x14336xf32>
    %slice3A_99 = vector.extract_strided_slice %get3A_27 {offsets = [0, 4], sizes = [32, 1], strides = [1, 1]} : vector<32x9xf32> to vector<32x1xf32>
    %squeeze3A_100 = vector.shape_cast %slice3A_99 : vector<32x1xf32> to vector<32xf32>
    %broadcast_in_dim3A_101 = vector.shape_cast %squeeze3A_100 : vector<32xf32> to vector<32x1xf32>
    %mul3A_102 = vector.broadcast %broadcast_in_dim3A_101 : vector<32x1xf32> to vector<32x14336xf32>
    %mul3A_103 = arith.mulf %mul3A_102, %convert_element_type3A_29 : vector<32x14336xf32>
    %add3A_104 = arith.addf %add3A_98, %mul3A_103 : vector<32x14336xf32>
    %slice3A_105 = vector.extract_strided_slice %get3A_27 {offsets = [0, 5], sizes = [32, 1], strides = [1, 1]} : vector<32x9xf32> to vector<32x1xf32>
    %squeeze3A_106 = vector.shape_cast %slice3A_105 : vector<32x1xf32> to vector<32xf32>
    %broadcast_in_dim3A_107 = vector.shape_cast %squeeze3A_106 : vector<32xf32> to vector<32x1xf32>
    %slice3A_108 = vector.extract_strided_slice %convert_element_type3A_29 {offsets = [0, 1], sizes = [32, 14335], strides = [1, 1]} : vector<32x14336xf32> to vector<32x14335xf32>
    %concatenate3A_109 = tpu.concatenate %slice3A_108, %broadcast_in_dim3A_91 in 1 : vector<32x14335xf32>, vector<32x1xf32> -> vector<32x14336xf32>
    %mul3A_110 = vector.broadcast %broadcast_in_dim3A_107 : vector<32x1xf32> to vector<32x14336xf32>
    %mul3A_111 = arith.mulf %mul3A_110, %concatenate3A_109 : vector<32x14336xf32>
    %mul3A_112 = vector.broadcast %convert_element_type3A_56 : vector<1x14336xf32> to vector<32x14336xf32>
    %mul3A_113 = arith.mulf %mul3A_111, %mul3A_112 : vector<32x14336xf32>
    %add3A_114 = arith.addf %add3A_104, %mul3A_113 : vector<32x14336xf32>
    %slice3A_115 = vector.extract_strided_slice %get3A_27 {offsets = [0, 6], sizes = [32, 1], strides = [1, 1]} : vector<32x9xf32> to vector<32x1xf32>
    %squeeze3A_116 = vector.shape_cast %slice3A_115 : vector<32x1xf32> to vector<32xf32>
    %broadcast_in_dim3A_117 = vector.shape_cast %squeeze3A_116 : vector<32xf32> to vector<32x1xf32>
    %slice3A_118 = vector.extract_strided_slice %convert_element_type3A_29 {offsets = [0, 223], sizes = [32, 14113], strides = [1, 1]} : vector<32x14336xf32> to vector<32x14113xf32>
    %concatenate3A_119 = tpu.concatenate %slice3A_118, %broadcast_in_dim3A_79 in 1 : vector<32x14113xf32>, vector<32x223xf32> -> vector<32x14336xf32>
    %mul3A_120 = vector.broadcast %broadcast_in_dim3A_117 : vector<32x1xf32> to vector<32x14336xf32>
    %mul3A_121 = arith.mulf %mul3A_120, %concatenate3A_119 : vector<32x14336xf32>
    %mul3A_122 = vector.broadcast %convert_element_type3A_51 : vector<1x14336xf32> to vector<32x14336xf32>
    %mul3A_123 = arith.mulf %mul3A_121, %mul3A_122 : vector<32x14336xf32>
    %add3A_124 = arith.addf %add3A_114, %mul3A_123 : vector<32x14336xf32>
    %slice3A_125 = vector.extract_strided_slice %get3A_27 {offsets = [0, 7], sizes = [32, 1], strides = [1, 1]} : vector<32x9xf32> to vector<32x1xf32>
    %squeeze3A_126 = vector.shape_cast %slice3A_125 : vector<32x1xf32> to vector<32xf32>
    %broadcast_in_dim3A_127 = vector.shape_cast %squeeze3A_126 : vector<32xf32> to vector<32x1xf32>
    %slice3A_128 = vector.extract_strided_slice %convert_element_type3A_29 {offsets = [0, 224], sizes = [32, 14112], strides = [1, 1]} : vector<32x14336xf32> to vector<32x14112xf32>
    %concatenate3A_129 = tpu.concatenate %slice3A_128, %broadcast_in_dim3A_69 in 1 : vector<32x14112xf32>, vector<32x224xf32> -> vector<32x14336xf32>
    %mul3A_130 = vector.broadcast %broadcast_in_dim3A_127 : vector<32x1xf32> to vector<32x14336xf32>
    %mul3A_131 = arith.mulf %mul3A_130, %concatenate3A_129 : vector<32x14336xf32>
    %add3A_132 = arith.addf %add3A_124, %mul3A_131 : vector<32x14336xf32>
    %slice3A_133 = vector.extract_strided_slice %get3A_27 {offsets = [0, 8], sizes = [32, 1], strides = [1, 1]} : vector<32x9xf32> to vector<32x1xf32>
    %squeeze3A_134 = vector.shape_cast %slice3A_133 : vector<32x1xf32> to vector<32xf32>
    %broadcast_in_dim3A_135 = vector.shape_cast %squeeze3A_134 : vector<32xf32> to vector<32x1xf32>
    %slice3A_136 = vector.extract_strided_slice %convert_element_type3A_29 {offsets = [0, 225], sizes = [32, 14111], strides = [1, 1]} : vector<32x14336xf32> to vector<32x14111xf32>
    %concatenate3A_137 = tpu.concatenate %slice3A_136, %broadcast_in_dim3A_58 in 1 : vector<32x14111xf32>, vector<32x225xf32> -> vector<32x14336xf32>
    %mul3A_138 = vector.broadcast %broadcast_in_dim3A_135 : vector<32x1xf32> to vector<32x14336xf32>
    %mul3A_139 = arith.mulf %mul3A_138, %concatenate3A_137 : vector<32x14336xf32>
    %mul3A_140 = vector.broadcast %convert_element_type3A_56 : vector<1x14336xf32> to vector<32x14336xf32>
    %mul3A_141 = arith.mulf %mul3A_139, %mul3A_140 : vector<32x14336xf32>
    %add3A_142 = arith.addf %add3A_132, %mul3A_141 : vector<32x14336xf32>
    %slice3A_143 = vector.extract_strided_slice %add3A_142 {offsets = [0, 896], sizes = [32, 12544], strides = [1, 1]} : vector<32x14336xf32> to vector<32x12544xf32>
    %convert_element_type3A_144 = arith.truncf %slice3A_143 : vector<32x12544xf32> to vector<32x12544xbf16>
    %swap3A = arith.constant 0 : index
    %swap3A_145 = arith.constant 0 : index
    %swap3A_146 = arith.constant 0 : index
    %swap3A_147 = arith.constant 0 : index
    %swap3A_148 = vector.load %arg10[%swap3A, %swap3A_145, %swap3A_146, %swap3A_147] : memref<1x1x32x12544xbf16, #tpu.memory_space<vmem>>, vector<1x1x32x12544xbf16>
    %swap3A_149 = vector.shape_cast %swap3A_148 : vector<1x1x32x12544xbf16> to vector<32x12544xbf16>
    %swap3A_150 = vector.shape_cast %convert_element_type3A_144 : vector<32x12544xbf16> to vector<1x1x32x12544xbf16>
    tpu.vector_store %arg10[%swap3A, %swap3A_145, %swap3A_146, %swap3A_147], %swap3A_150 {strides = array<i32>} : memref<1x1x32x12544xbf16, #tpu.memory_space<vmem>>, vector<1x1x32x12544xbf16>,
    %get3A_151 = arith.constant 0 : index
    %get3A_152 = arith.constant 0 : index
    %get3A_153 = arith.constant 0 : index
    %get3A_154 = vector.load %arg3[%get3A_151, %get3A_152, %get3A_153] : memref<1x64x12544xf32, #tpu.memory_space<vmem>>, vector<1x32x12544xf32>
    %get3A_155 = vector.shape_cast %get3A_154 : vector<1x32x12544xf32> to vector<32x12544xf32>
    %get3A_156 = arith.constant 0 : index
    %get3A_157 = arith.constant 0 : index
    %get3A_158 = arith.constant 0 : index
    %get3A_159 = arith.constant 0 : index
    %get3A_160 = vector.load %arg4[%get3A_156, %get3A_157, %get3A_158, %get3A_159] : memref<1x2x32x1xf32, #tpu.memory_space<vmem>>, vector<1x1x32x1xf32>
    %get3A_161 = vector.shape_cast %get3A_160 : vector<1x1x32x1xf32> to vector<32x1xf32>
    %mul3A_162 = vector.broadcast %get3A_161 : vector<32x1xf32> to vector<32x12544xf32>
    %mul3A_163 = arith.mulf %get3A_155, %mul3A_162 : vector<32x12544xf32>
    %convert_element_type3A_164 = arith.truncf %mul3A_163 : vector<32x12544xf32> to vector<32x12544xbf16>
    %get3A_165 = arith.constant 0 : index
    %get3A_166 = arith.constant 32 : index
    %get3A_167 = arith.constant 0 : index
    %get3A_168 = vector.load %arg3[%get3A_165, %get3A_166, %get3A_167] : memref<1x64x12544xf32, #tpu.memory_space<vmem>>, vector<1x32x12544xf32>
    %get3A_169 = vector.shape_cast %get3A_168 : vector<1x32x12544xf32> to vector<32x12544xf32>
    %get3A_170 = arith.constant 0 : index
    %get3A_171 = arith.constant 1 : index
    %get3A_172 = arith.constant 0 : index
    %get3A_173 = arith.constant 0 : index
    %get3A_174 = vector.load %arg4[%get3A_170, %get3A_171, %get3A_172, %get3A_173] : memref<1x2x32x1xf32, #tpu.memory_space<vmem>>, vector<1x1x32x1xf32>
    %get3A_175 = vector.shape_cast %get3A_174 : vector<1x1x32x1xf32> to vector<32x1xf32>
    %mul3A_176 = vector.broadcast %get3A_175 : vector<32x1xf32> to vector<32x12544xf32>
    %mul3A_177 = arith.mulf %get3A_169, %mul3A_176 : vector<32x12544xf32>
    %convert_element_type3A_178 = arith.truncf %mul3A_177 : vector<32x12544xf32> to vector<32x12544xbf16>
    %dot_general3A = arith.constant dense<0.000000e+00> : vector<32x32xf32>
    %dot_general3A_179 = tpu.matmul %convert_element_type3A_164, %convert_element_type3A_178, %dot_general3A {dimension_numbers = #tpu.dot_dimension_numbers<[1], [1], [0], [0], [0, 0, 1, 0], [], []>, transpose_lhs_hint = false} : vector<32x12544xbf16>, vector<32x12544xbf16>, vector<32x32xf32> -> vector<32x32xf32>
    %eq3A_180 = arith.constant 0 : i32
    %eq3A_181 = arith.cmpi eq, %arg2, %eq3A_180 : i32
    %convert_element_type3A_182 = arith.extui %eq3A_181 : i1 to i32
    %cond3A = arith.constant 0 : i32
    %cond3A_183 = arith.cmpi ne, %convert_element_type3A_182, %cond3A : i32
    scf.if %cond3A_183 {
      %swap3A_189 = arith.constant 0 : index
      %swap3A_190 = arith.constant 0 : index
      %swap3A_191 = arith.constant 0 : index
      %swap3A_192 = vector.load %arg9[%swap3A_189, %swap3A_190, %swap3A_191] : memref<1x32x32xf32, #tpu.memory_space<vmem>>, vector<1x32x32xf32>
      %swap3A_193 = vector.shape_cast %swap3A_192 : vector<1x32x32xf32> to vector<32x32xf32>
      %swap3A_194 = vector.shape_cast %dot_general3A_179 : vector<32x32xf32> to vector<1x32x32xf32>
      tpu.vector_store %arg9[%swap3A_189, %swap3A_190, %swap3A_191], %swap3A_194 {strides = array<i32>} : memref<1x32x32xf32, #tpu.memory_space<vmem>>, vector<1x32x32xf32>,
    } else {
    }
    %gt3A_184 = arith.constant 0 : i32
    %gt3A_185 = arith.cmpi sgt, %arg2, %gt3A_184 : i32
    %convert_element_type3A_186 = arith.extui %gt3A_185 : i1 to i32
    %cond3A_187 = arith.constant 0 : i32
    %cond3A_188 = arith.cmpi ne, %convert_element_type3A_186, %cond3A_187 : i32
    scf.if %cond3A_188 {
      %get3A_189 = arith.constant 0 : index
      %get3A_190 = arith.constant 0 : index
      %get3A_191 = arith.constant 0 : index
      %get3A_192 = vector.load %arg9[%get3A_189, %get3A_190, %get3A_191] : memref<1x32x32xf32, #tpu.memory_space<vmem>>, vector<1x32x32xf32>
      %get3A_193 = vector.shape_cast %get3A_192 : vector<1x32x32xf32> to vector<32x32xf32>
      %add3A_194 = arith.addf %get3A_193, %dot_general3A_179 : vector<32x32xf32>
      %swap3A_195 = arith.constant 0 : index
      %swap3A_196 = arith.constant 0 : index
      %swap3A_197 = arith.constant 0 : index
      %swap3A_198 = vector.load %arg9[%swap3A_195, %swap3A_196, %swap3A_197] : memref<1x32x32xf32, #tpu.memory_space<vmem>>, vector<1x32x32xf32>
      %swap3A_199 = vector.shape_cast %swap3A_198 : vector<1x32x32xf32> to vector<32x32xf32>
      %swap3A_200 = vector.shape_cast %add3A_194 : vector<32x32xf32> to vector<1x32x32xf32>
      tpu.vector_store %arg9[%swap3A_195, %swap3A_196, %swap3A_197], %swap3A_200 {strides = array<i32>} : memref<1x32x32xf32, #tpu.memory_space<vmem>>, vector<1x32x32xf32>,
    } else {
    }
    return
  }
  func.func @transform_0(%arg0: i32, %arg1: i32, %arg2: i32) -> (i32, i32, i32) {
    %c0_i32 = arith.constant 0 : i32
    return %arg0, %arg1, %arg2 : i32, i32, i32
  }
  func.func @transform_1(%arg0: i32, %arg1: i32, %arg2: i32) -> (i32, i32, i32, i32) {
    %mul3A = arith.constant 6 : i32
    %mul3A_0 = arith.muli %arg0, %mul3A : i32
    %add3A = arith.addi %mul3A_0, %arg1 : i32
    %c0_i32 = arith.constant 0 : i32
    %c0_i32_1 = arith.constant 0 : i32
    %c0_i32_2 = arith.constant 0 : i32
    %c0_i32_3 = arith.constant 0 : i32
    return %add3A, %c0_i32, %c0_i32_1, %c0_i32_2 : i32, i32, i32, i32
  }
  func.func @transform_2(%arg0: i32, %arg1: i32, %arg2: i32) -> (i32, i32, i32) {
    %add3A = arith.constant 12 : i32
    %add3A_0 = arith.addi %add3A, %arg1 : i32
    %c0_i32 = arith.constant 0 : i32
    return %arg0, %add3A_0, %arg2 : i32, i32, i32
  }
  func.func @transform_3(%arg0: i32, %arg1: i32, %arg2: i32) -> (i32, i32, i32) {
    %add3A = arith.constant 12 : i32
    %add3A_0 = arith.addi %add3A, %arg1 : i32
    %mul3A = arith.constant 14 : i32
    %mul3A_1 = arith.muli %arg2, %mul3A : i32
    %sub3A = arith.constant 1 : i32
    %sub3A_2 = arith.subi %mul3A_1, %sub3A : i32
    %max3A = arith.constant 0 : i32
    %max3A_3 = arith.maxsi %sub3A_2, %max3A : i32
    %c0_i32 = arith.constant 0 : i32
    return %arg0, %add3A_0, %max3A_3 : i32, i32, i32
  }
  func.func @transform_4(%arg0: i32, %arg1: i32, %arg2: i32) -> (i32, i32, i32) {
    %add3A = arith.constant 12 : i32
    %add3A_0 = arith.addi %add3A, %arg1 : i32
    %add3A_1 = arith.constant 1 : i32
    %add3A_2 = arith.addi %arg2, %add3A_1 : i32
    %mul3A = arith.constant 14 : i32
    %mul3A_3 = arith.muli %add3A_2, %mul3A : i32
    %min3A = arith.constant 55 : i32
    %min3A_4 = arith.minsi %mul3A_3, %min3A : i32
    %c0_i32 = arith.constant 0 : i32
    return %arg0, %add3A_0, %min3A_4 : i32, i32, i32
  }
  func.func @transform_5(%arg0: i32, %arg1: i32, %arg2: i32) -> (i32, i32) {
    %add3A = arith.constant 12 : i32
    %add3A_0 = arith.addi %add3A, %arg1 : i32
    %c0_i32 = arith.constant 0 : i32
    %c0_i32_1 = arith.constant 0 : i32
    return %add3A_0, %c0_i32 : i32, i32
  }
  func.func @transform_6(%arg0: i32, %arg1: i32, %arg2: i32) -> (i32, i32, i32) {
    %mul3A = arith.constant 6 : i32
    %mul3A_0 = arith.muli %arg0, %mul3A : i32
    %add3A = arith.addi %mul3A_0, %arg1 : i32
    %c0_i32 = arith.constant 0 : i32
    %c0_i32_1 = arith.constant 0 : i32
    %c0_i32_2 = arith.constant 0 : i32
    return %add3A, %c0_i32, %c0_i32_1 : i32, i32, i32
  }
  func.func @transform_7(%arg0: i32, %arg1: i32, %arg2: i32) -> (i32, i32, i32, i32) {
    %c0_i32 = arith.constant 0 : i32
    %c0_i32_0 = arith.constant 0 : i32
    return %arg0, %arg1, %c0_i32, %arg2 : i32, i32, i32, i32
  }
}

module attributes {stable_mosaic.version = 14 : i64} {
  func.func @_c_body(%arg0: i32, %arg1: i32, %arg2: memref<1x6x32x32xf32, #tpu.memory_space<vmem>>, %arg3: memref<192x192xf32, #tpu.memory_space<vmem>>, %arg4: memref<1x192x3584xbf16, #tpu.memory_space<vmem>>, %arg5: memref<1x192x3584xf32, #tpu.memory_space<vmem>>) attributes {dimension_semantics = [#tpu.dimension_semantics<arbitrary>, #tpu.dimension_semantics<arbitrary>], iteration_bounds = array<i64: 2, 14>, scalar_prefetch = 0 : i64, scratch_operands = 0 : i64, tpu.core_type = #tpu.core_type<tc>, window_params = [{transform_indices = @transform_0, window_bounds = array<i64: 1, 6, 32, 32>}, {pipeline_mode = #tpu.pipeline_mode<synchronous>, transform_indices = @transform_1, window_bounds = array<i64: 192, 192>}, {transform_indices = @transform_2, window_bounds = array<i64: 1, 192, 3584>}, {transform_indices = @transform_3, window_bounds = array<i64: 1, 192, 3584>}]} {
    %get3A = arith.constant 0 : index
    %get3A_0 = arith.constant 0 : index
    %get3A_1 = arith.constant 0 : index
    %get3A_2 = arith.constant 0 : index
    %get3A_3 = vector.load %arg2[%get3A, %get3A_0, %get3A_1, %get3A_2] : memref<1x6x32x32xf32, #tpu.memory_space<vmem>>, vector<1x6x32x32xf32>
    %get3A_4 = vector.shape_cast %get3A_3 : vector<1x6x32x32xf32> to vector<6x32x32xf32>
    %get3A_5 = arith.constant 0 : index
    %get3A_6 = arith.constant 0 : index
    %get3A_7 = vector.load %arg3[%get3A_5, %get3A_6] : memref<192x192xf32, #tpu.memory_space<vmem>>, vector<192x192xf32>
    %slice3A = vector.extract_strided_slice %get3A_7 {offsets = [0, 0], sizes = [192, 32], strides = [1, 1]} : vector<192x192xf32> to vector<192x32xf32>
    %convert_element_type3A = arith.truncf %slice3A : vector<192x32xf32> to vector<192x32xbf16>
    %slice3A_8 = vector.extract_strided_slice %get3A_4 {offsets = [0, 0, 0], sizes = [1, 32, 32], strides = [1, 1, 1]} : vector<6x32x32xf32> to vector<1x32x32xf32>
    %squeeze3A = vector.shape_cast %slice3A_8 : vector<1x32x32xf32> to vector<32x32xf32>
    %convert_element_type3A_9 = arith.truncf %squeeze3A : vector<32x32xf32> to vector<32x32xbf16>
    %dot_general3A = arith.constant dense<0.000000e+00> : vector<192x32xf32>
    %dot_general3A_10 = tpu.matmul %convert_element_type3A, %convert_element_type3A_9, %dot_general3A {dimension_numbers = #tpu.dot_dimension_numbers<[1], [0], [0], [1], [0, 0, 1, 1], [], []>, transpose_lhs_hint = false} : vector<192x32xbf16>, vector<32x32xbf16>, vector<192x32xf32> -> vector<192x32xf32>
    %slice3A_11 = vector.extract_strided_slice %get3A_7 {offsets = [0, 32], sizes = [192, 32], strides = [1, 1]} : vector<192x192xf32> to vector<192x32xf32>
    %convert_element_type3A_12 = arith.truncf %slice3A_11 : vector<192x32xf32> to vector<192x32xbf16>
    %slice3A_13 = vector.extract_strided_slice %get3A_4 {offsets = [1, 0, 0], sizes = [1, 32, 32], strides = [1, 1, 1]} : vector<6x32x32xf32> to vector<1x32x32xf32>
    %squeeze3A_14 = vector.shape_cast %slice3A_13 : vector<1x32x32xf32> to vector<32x32xf32>
    %convert_element_type3A_15 = arith.truncf %squeeze3A_14 : vector<32x32xf32> to vector<32x32xbf16>
    %dot_general3A_16 = arith.constant dense<0.000000e+00> : vector<192x32xf32>
    %dot_general3A_17 = tpu.matmul %convert_element_type3A_12, %convert_element_type3A_15, %dot_general3A_16 {dimension_numbers = #tpu.dot_dimension_numbers<[1], [0], [0], [1], [0, 0, 1, 1], [], []>, transpose_lhs_hint = false} : vector<192x32xbf16>, vector<32x32xbf16>, vector<192x32xf32> -> vector<192x32xf32>
    %slice3A_18 = vector.extract_strided_slice %get3A_7 {offsets = [0, 64], sizes = [192, 32], strides = [1, 1]} : vector<192x192xf32> to vector<192x32xf32>
    %convert_element_type3A_19 = arith.truncf %slice3A_18 : vector<192x32xf32> to vector<192x32xbf16>
    %slice3A_20 = vector.extract_strided_slice %get3A_4 {offsets = [2, 0, 0], sizes = [1, 32, 32], strides = [1, 1, 1]} : vector<6x32x32xf32> to vector<1x32x32xf32>
    %squeeze3A_21 = vector.shape_cast %slice3A_20 : vector<1x32x32xf32> to vector<32x32xf32>
    %convert_element_type3A_22 = arith.truncf %squeeze3A_21 : vector<32x32xf32> to vector<32x32xbf16>
    %dot_general3A_23 = arith.constant dense<0.000000e+00> : vector<192x32xf32>
    %dot_general3A_24 = tpu.matmul %convert_element_type3A_19, %convert_element_type3A_22, %dot_general3A_23 {dimension_numbers = #tpu.dot_dimension_numbers<[1], [0], [0], [1], [0, 0, 1, 1], [], []>, transpose_lhs_hint = false} : vector<192x32xbf16>, vector<32x32xbf16>, vector<192x32xf32> -> vector<192x32xf32>
    %slice3A_25 = vector.extract_strided_slice %get3A_7 {offsets = [0, 96], sizes = [192, 32], strides = [1, 1]} : vector<192x192xf32> to vector<192x32xf32>
    %convert_element_type3A_26 = arith.truncf %slice3A_25 : vector<192x32xf32> to vector<192x32xbf16>
    %slice3A_27 = vector.extract_strided_slice %get3A_4 {offsets = [3, 0, 0], sizes = [1, 32, 32], strides = [1, 1, 1]} : vector<6x32x32xf32> to vector<1x32x32xf32>
    %squeeze3A_28 = vector.shape_cast %slice3A_27 : vector<1x32x32xf32> to vector<32x32xf32>
    %convert_element_type3A_29 = arith.truncf %squeeze3A_28 : vector<32x32xf32> to vector<32x32xbf16>
    %dot_general3A_30 = arith.constant dense<0.000000e+00> : vector<192x32xf32>
    %dot_general3A_31 = tpu.matmul %convert_element_type3A_26, %convert_element_type3A_29, %dot_general3A_30 {dimension_numbers = #tpu.dot_dimension_numbers<[1], [0], [0], [1], [0, 0, 1, 1], [], []>, transpose_lhs_hint = false} : vector<192x32xbf16>, vector<32x32xbf16>, vector<192x32xf32> -> vector<192x32xf32>
    %slice3A_32 = vector.extract_strided_slice %get3A_7 {offsets = [0, 128], sizes = [192, 32], strides = [1, 1]} : vector<192x192xf32> to vector<192x32xf32>
    %convert_element_type3A_33 = arith.truncf %slice3A_32 : vector<192x32xf32> to vector<192x32xbf16>
    %slice3A_34 = vector.extract_strided_slice %get3A_4 {offsets = [4, 0, 0], sizes = [1, 32, 32], strides = [1, 1, 1]} : vector<6x32x32xf32> to vector<1x32x32xf32>
    %squeeze3A_35 = vector.shape_cast %slice3A_34 : vector<1x32x32xf32> to vector<32x32xf32>
    %convert_element_type3A_36 = arith.truncf %squeeze3A_35 : vector<32x32xf32> to vector<32x32xbf16>
    %dot_general3A_37 = arith.constant dense<0.000000e+00> : vector<192x32xf32>
    %dot_general3A_38 = tpu.matmul %convert_element_type3A_33, %convert_element_type3A_36, %dot_general3A_37 {dimension_numbers = #tpu.dot_dimension_numbers<[1], [0], [0], [1], [0, 0, 1, 1], [], []>, transpose_lhs_hint = false} : vector<192x32xbf16>, vector<32x32xbf16>, vector<192x32xf32> -> vector<192x32xf32>
    %slice3A_39 = vector.extract_strided_slice %get3A_7 {offsets = [0, 160], sizes = [192, 32], strides = [1, 1]} : vector<192x192xf32> to vector<192x32xf32>
    %convert_element_type3A_40 = arith.truncf %slice3A_39 : vector<192x32xf32> to vector<192x32xbf16>
    %slice3A_41 = vector.extract_strided_slice %get3A_4 {offsets = [5, 0, 0], sizes = [1, 32, 32], strides = [1, 1, 1]} : vector<6x32x32xf32> to vector<1x32x32xf32>
    %squeeze3A_42 = vector.shape_cast %slice3A_41 : vector<1x32x32xf32> to vector<32x32xf32>
    %convert_element_type3A_43 = arith.truncf %squeeze3A_42 : vector<32x32xf32> to vector<32x32xbf16>
    %dot_general3A_44 = arith.constant dense<0.000000e+00> : vector<192x32xf32>
    %dot_general3A_45 = tpu.matmul %convert_element_type3A_40, %convert_element_type3A_43, %dot_general3A_44 {dimension_numbers = #tpu.dot_dimension_numbers<[1], [0], [0], [1], [0, 0, 1, 1], [], []>, transpose_lhs_hint = false} : vector<192x32xbf16>, vector<32x32xbf16>, vector<192x32xf32> -> vector<192x32xf32>
    %concatenate3A = tpu.concatenate %dot_general3A_10, %dot_general3A_17, %dot_general3A_24, %dot_general3A_31, %dot_general3A_38, %dot_general3A_45 in 1 : vector<192x32xf32>, vector<192x32xf32>, vector<192x32xf32>, vector<192x32xf32>, vector<192x32xf32>, vector<192x32xf32> -> vector<192x192xf32>
    %convert_element_type3A_46 = arith.truncf %concatenate3A : vector<192x192xf32> to vector<192x192xbf16>
    %get3A_47 = arith.constant 0 : index
    %get3A_48 = arith.constant 0 : index
    %get3A_49 = arith.constant 0 : index
    %get3A_50 = vector.load %arg4[%get3A_47, %get3A_48, %get3A_49] : memref<1x192x3584xbf16, #tpu.memory_space<vmem>>, vector<1x192x3584xbf16>
    %get3A_51 = vector.shape_cast %get3A_50 : vector<1x192x3584xbf16> to vector<192x3584xbf16>
    %dot_general3A_52 = arith.constant dense<0.000000e+00> : vector<192x3584xf32>
    %dot_general3A_53 = tpu.matmul %convert_element_type3A_46, %get3A_51, %dot_general3A_52 {dimension_numbers = #tpu.dot_dimension_numbers<[1], [0], [0], [1], [0, 0, 1, 1], [], []>, transpose_lhs_hint = false} : vector<192x192xbf16>, vector<192x3584xbf16>, vector<192x3584xf32> -> vector<192x3584xf32>
    %swap3A = arith.constant 0 : index
    %swap3A_54 = arith.constant 0 : index
    %swap3A_55 = arith.constant 0 : index
    %swap3A_56 = vector.load %arg5[%swap3A, %swap3A_54, %swap3A_55] : memref<1x192x3584xf32, #tpu.memory_space<vmem>>, vector<1x192x3584xf32>
    %swap3A_57 = vector.shape_cast %swap3A_56 : vector<1x192x3584xf32> to vector<192x3584xf32>
    %swap3A_58 = vector.shape_cast %dot_general3A_53 : vector<192x3584xf32> to vector<1x192x3584xf32>
    tpu.vector_store %arg5[%swap3A, %swap3A_54, %swap3A_55], %swap3A_58 {strides = array<i32>} : memref<1x192x3584xf32, #tpu.memory_space<vmem>>, vector<1x192x3584xf32>,
    return
  }
  func.func @transform_0(%arg0: i32, %arg1: i32) -> (i32, i32, i32, i32) {
    %c0_i32 = arith.constant 0 : i32
    %c0_i32_0 = arith.constant 0 : i32
    %c0_i32_1 = arith.constant 0 : i32
    %c0_i32_2 = arith.constant 0 : i32
    return %arg0, %c0_i32, %c0_i32_0, %c0_i32_1 : i32, i32, i32, i32
  }
  func.func @transform_1(%arg0: i32, %arg1: i32) -> (i32, i32) {
    %c0_i32 = arith.constant 0 : i32
    %c0_i32_0 = arith.constant 0 : i32
    %c0_i32_1 = arith.constant 0 : i32
    return %c0_i32, %c0_i32_0 : i32, i32
  }
  func.func @transform_2(%arg0: i32, %arg1: i32) -> (i32, i32, i32) {
    %c0_i32 = arith.constant 0 : i32
    %c0_i32_0 = arith.constant 0 : i32
    return %arg0, %c0_i32, %arg1 : i32, i32, i32
  }
  func.func @transform_3(%arg0: i32, %arg1: i32) -> (i32, i32, i32) {
    %c0_i32 = arith.constant 0 : i32
    %c0_i32_0 = arith.constant 0 : i32
    return %arg0, %c0_i32, %arg1 : i32, i32, i32
  }
}

</mosaic_0001>

<sc_bundles>
// kernel: kernel.7.cloned.1.call-start
scs
__scs_entry_jumppad:
0x0: {  	(pc) =	sbr.rel $0x88, $3  }
0x1: {  	(tag) =	ssettag $0x0;
	lr =	simm.s32 $0x1  }
0x2: {  	[smem:$0x3F98] =	sst lr;
	_ =	strace $0xD0000000  }
0x3: {  	_ = 	snop  }
0x4: {  	_ = 	snop  }
0x5: {  	_ = 	snop  }
0x6: {  	_ = 	snop  }
0x7: {  	_ = 	snop  }
__scs_overlays_trampoline_lowered:
0x8: {  	[smem:$0x3FA7] =	sst s0  }
0x9: {  	[smem:$0x3FA8] =	sst s1  }
0xa: {  	[smem:$0x3FA9] =	sst s2  }
0xb: {  	[smem:$0x3FAA] =	sst s3  }
0xc: {  	[smem:$0x3FAB] =	sst s4  }
0xd: {  	[smem:$0x3FAC] =	sst s5  }
0xe: {  	[smem:$0x3FAD] =	sst s6  }
0xf: {  	[smem:$0x3FAE] =	sst s7  }
0x10: {  	[smem:$0x3FAF] =	sst s8  }
0x11: {  	[smem:$0x3FB0] =	sst s9;
	s0 =	simm.s32 @!p0 $0x0  }
0x12: {  	s1 =	sld [smem:$0x3F96];
	s0 =	simm.s32 @p0 $0x1  }
0x13: {  	[smem:$0x3FB1] =	sst s0;
	s0 =	simm.s32 @!p1 $0x0  }
0x14: {  	s2 =	sld [smem:$0x3F95];
	s0 =	simm.s32 @p1 $0x1  }
0x15: {  	[smem:$0x3FB2] =	sst s0;
	s0 =	simm.s32 @!p2 $0x0  }
0x16: {  	s3 =	sld [smem:$0x3FDB];
	s0 =	simm.s32 @p2 $0x1  }
0x17: {  	s4 =	simm.s32 $0x1BF5;
	[smem:$0x3FB4] =	sst s0  }
0x18: {  	s0 =	sld [smem:$0x3F97];
	_ =	swait.ge [sflag:s4], $0x0  }
0x19: {  	s7 =	sld [smem:$0x3F98]  }
0x1a: {  	s8 =	sadd.s32 $0xFFFFE003, lr  }
0x1b: {  	s9 =	sadd.s32 $0xFFFFFEF7, lr;
	s5 =	simm.s32 $0xFFFFFFFF;
	p2 =	slt.u32 s8, $0xFFFFF086  }
0x1c: {  	p1 =	slt.u32 s9, $0xF7A;
	s5 =	simm.s32 @!p2 $0x0  }
0x1d: {  	s5 =	simm.s32 @p1 $0x1;
	p0 =	seq.s32 s7, s2  }
0x1e: {  	s7 =	smul.u32 @!p0 $0xF7A, s2;
	p2 =	seq.s32 @!p0 s5, $0x0  }
0x1f: {  	s9 =	smul.u32 $0xF7A, s1;
	s8 =	simm.s32 @!p0 $0x1BF5;
	p2 =	por !p2, p0  }
0x20: {  	[sflag:s8] =	ssyncset.s32 @!p0 $0xFFFFF086;
	s6 =	sadd.s32 @!p0 s3, s7;
	s7 =	simm.s32 @!p0 $0x108  }
0x21: {  	s3 =	sadd.s32 s3, s9;
	s6 =	sadd.s32 @!p0 $0x88, s6;
	s7 =	simm.s32 @p2 $0x1082  }
0x22: {  	[simem:s7], [sflag:s8] =	dma.local @!p0 [hbm:s6], $0xF7A  }
0x23: {  	s9 =	sor.u32 $0xD0000000, s2;
	s6 =	simm.s32 $0x108;
	_ =	swait.ge @!p0 [sflag:s8], $0x0  }
0x24: {  	s3 =	sadd.s32 $0x88, s3;
	s6 =	simm.s32 @!p1 $0x1082;
	[sflag:s4] =	ssyncset.s32 $0xFFFFF086  }
0x25: {  	[simem:s6], [sflag:s4] =	dma.local [hbm:s3], $0xF7A  }
0x26: {  	[smem:$0x3F98] =	sst s1;
	(tag) =	ssettag s2;
	_ =	strace s9  }
0x27: {  	s1 =	sld [smem:$0x3FA8]  }
0x28: {  	s2 =	sld [smem:$0x3FA9]  }
0x29: {  	s4 =	sld [smem:$0x3FAB]  }
0x2a: {  	p0 =	seq.s32 s5, $0x0;
	s5 =	sld [smem:$0x3FAC]  }
0x2b: {  	s6 =	sld [smem:$0x3FAD]  }
0x2c: {  	s7 =	sld [smem:$0x3FAE]  }
0x2d: {  	s3 =	simm.s32 $0x108;
	s8 =	sld [smem:$0x3FAF]  }
0x2e: {  	s3 =	simm.s32 @!p0 $0x1082;
	s9 =	sld [smem:$0x3FB0]  }
0x2f: {  	lr =	sadd.s32 s0, s3;
	s0 =	sld [smem:$0x3FA7]  }
0x30: {  	s3 =	sld [smem:$0x3FAA]  }
0x31: {  	[smem:$0x3FB3] =	sst s10  }
0x32: {  	s10 =	sld [smem:$0x3FB1];
	_ =	sdelay $0x3  }
0x33: {  	p0 =	seq.s32 s10, $0x1;
	s10 =	sld [smem:$0x3FB3];
	_ =	sdelay $0x3  }
0x34: {  	[smem:$0x3FB3] =	sst s10  }
0x35: {  	s10 =	sld [smem:$0x3FB2];
	_ =	sdelay $0x3  }
0x36: {  	p1 =	seq.s32 s10, $0x1;
	s10 =	sld [smem:$0x3FB3];
	_ =	sdelay $0x3  }
0x37: {  	[smem:$0x3FB3] =	sst s10  }
0x38: {  	s10 =	sld [smem:$0x3FB4]  }
0x39: {  	_ = 	snop;
	(pc) =	sbr.ind lr, $3  }
0x3a: {  	_ = 	snop  }
0x3b: {  	_ = 	snop  }
0x3c: {  	p2 =	seq.s32 s10, $0x1;
	s10 =	sld [smem:$0x3FB3]  }
0x3d: {  	_ =	shalt  }
0x3e: {  	_ =	shalt  }
0x3f: {  	_ =	shalt  }
0x40: {  	_ =	shalt  }
0x41: {  	_ =	shalt  }
0x42: {  	_ =	shalt  }
0x43: {  	_ =	shalt  }
0x44: {  	_ =	shalt  }
0x45: {  	_ =	shalt  }
0x46: {  	_ =	shalt  }
0x47: {  	_ =	shalt  }
0x48: {  	_ =	shalt  }
0x49: {  	_ =	shalt  }
0x4a: {  	_ =	shalt  }
0x4b: {  	_ =	shalt  }
0x4c: {  	_ =	shalt  }
0x4d: {  	_ =	shalt  }
0x4e: {  	_ =	shalt  }
0x4f: {  	_ =	shalt  }
0x50: {  	_ =	shalt  }
0x51: {  	_ =	shalt  }
0x52: {  	_ =	shalt  }
0x53: {  	_ =	shalt  }
0x54: {  	_ =	shalt  }
0x55: {  	_ =	shalt  }
0x56: {  	_ =	shalt  }
0x57: {  	_ =	shalt  }
0x58: {  	_ =	shalt  }
0x59: {  	_ =	shalt  }
0x5a: {  	_ =	shalt  }
0x5b: {  	_ =	shalt  }
0x5c: {  	_ =	shalt  }
0x5d: {  	_ =	shalt  }
0x5e: {  	_ =	shalt  }
0x5f: {  	_ =	shalt  }
0x60: {  	_ =	shalt  }
0x61: {  	_ =	shalt  }
0x62: {  	_ =	shalt  }
0x63: {  	_ =	shalt  }
0x64: {  	_ =	shalt  }
0x65: {  	_ =	shalt  }
0x66: {  	_ =	shalt  }
0x67: {  	_ =	shalt  }
0x68: {  	_ =	shalt  }
0x69: {  	_ =	shalt  }
0x6a: {  	_ =	shalt  }
0x6b: {  	_ =	shalt  }
0x6c: {  	_ =	shalt  }
0x6d: {  	_ =	shalt  }
0x6e: {  	_ =	shalt  }
0x6f: {  	_ =	shalt  }
0x70: {  	_ =	shalt  }
0x71: {  	_ =	shalt  }
0x72: {  	_ =	shalt  }
0x73: {  	_ =	shalt  }
0x74: {  	_ =	shalt  }
0x75: {  	_ =	shalt  }
0x76: {  	_ =	shalt  }
0x77: {  	_ =	shalt  }
0x78: {  	_ =	shalt  }
0x79: {  	_ =	shalt  }
0x7a: {  	_ =	shalt  }
0x7b: {  	_ =	shalt  }
0x7c: {  	_ =	shalt  }
0x7d: {  	_ =	shalt  }
0x7e: {  	_ =	shalt  }
0x7f: {  	_ =	shalt  }
0x80: {  	_ =	shalt  }
0x81: {  	_ =	shalt  }
0x82: {  	_ =	shalt  }
0x83: {  	_ =	shalt  }
0x84: {  	_ =	shalt  }
0x85: {  	_ =	shalt  }
0x86: {  	_ =	shalt  }
0x87: {  	_ =	shalt  }
.Lfunc_end0:
.L_simem_size_0:
called_computation_lowered:
.L_overlay_start_0:
0x88: {  	s2 =	sld [smem:$0x3FD9]  }
0x89: {  	s3 =	sld [smem:$0x3FFE];
	_ =	sdelay $0x1  }
0x8a: {  	s1 =	srdreg.scid  }
0x8b: {  	s0 =	sand.u32 $0x1, s1  }
0x8c: {  	s16 =	sshll.u32 s0, $0xA;
	s2 =	sadd.s32 s3, s2  }
0x8d: {  	s2 =	sadd.s32 s2, s16  }
0x8e: {  	[smem:$0x3FBF] =	sst s2  }
0x8f: {  	_ = 	snop  }
0x90: {  	(tm) =	ssettm $0x1  }
0x91: {  	s17 =	sld [smem:$0x3FFB];
	_ =	sdelay $0x3  }
0x92: {  	_ =	strace s17  }
0x93: {  	s2 =	sld [smem:$0x3FFC];
	_ =	sdelay $0x3  }
0x94: {  	_ =	strace s2  }
0x95: {  	s2 =	sld [smem:$0x3FFD];
	_ =	sdelay $0x3  }
0x96: {  	_ =	strace s2  }
0x97: {  	_ =	strace $0x8FFFFFFF  }
0x98: {  	s18 =	sld [smem:$0x3FDB];
	_ =	sdelay $0x1  }
0x99: {  	s19 =	simm.s32 $_scs_section_size  }
0x9a: {  	s4 =	simm.s32 $_size__tile_overlayer_lowered;
	s5 =	simm.s32 $_tile_overlayer_lowered  }
0x9b: {  	s22 =	simm.s32 $0x1BFF;
	s21 =	sshll.u32 s5, $0x1;
	s2 =	sadd.s32 s19, s18  }
0x9c: {  	s6 =	simm.s32 $0x0;
	s20 =	sshll.u32 s4, $0x1;
	s4 =	sadd.s32 s21, s2  }
0x9d: {  	[timem:s6], [sflag:s22] =	dma.local [hbm:s4], s20  }
0x9e: {  	_ =	swait.ge [sflag:s22], s20  }
0x9f: {  	s3 =	ssub.s32 $0x0, s20;
	[sflag:s22] =	ssyncset.done $0x0  }
0xa0: {  	[sflag:s22] =	ssyncadd.s32 s3;
	_ =	sdelay $0x1  }
0xa1: {  	s23 =	simm.s32 $0x1B8B  }
0xa2: {  	_ =	swait.ge [sflag:s23], $0x1  }
0xa3: {  	[sflag:s23] =	ssyncset.done $0x0  }
0xa4: {  	s25 =	simm.s32 $0x1B8E;
	s24 =	sld [smem:$0x3FFE];
	[sflag:s23] =	ssyncadd.s32 $0xFFFFFFFF  }
0xa5: {  	s26 =	simm.s32 $execute0_lowered;
	[smem:$0x3FD2] =	sst s25  }
0xa6: {  	s4 =	sshll.u32 s26, $0x1;
	_ =	strace $0x80000046;
	[dreg:$0x1] =	wrdreg $0xFFFFFFFF  }
0xa7: {  	s28 =	simm.s32 $_size_execute0_lowered;
	s2 =	sadd.s32 s2, s4;
	[dreg:$0x0] =	wrdreg $0x0  }
0xa8: {  	s4 =	sshll.u32 s28, $0x1;
	[dreg:$0x2] =	wrdreg s2  }
0xa9: {  	[dreg:$0x3] =	wrdreg s4  }
0xaa: {  	[dreg:$0x4] =	wrdreg $0xC0  }
0xab: {  	_ =	task [dreg:s6], $0x5FFFF  }
0xac: {  	[dreg:$0x1] =	wrdreg $0xFFFFFFFF  }
0xad: {  	[dreg:$0x0] =	wrdreg $0x60  }
0xae: {  	[dreg:$0x2] =	wrdreg s24  }
0xaf: {  	[dreg:$0x3] =	wrdreg $0x9  }
0xb0: {  	_ =	task.clear_ibuf [dreg:s6], $0x4FFFF;
	_ =	strace $0x90000046  }
0xb1: {  	s29 =	simm.s32 $0x9;
	_ =	strace $0x80000048  }
0xb2: {  	_ =	swait.ge [sflag:s29], $0x1  }
0xb3: {  	[sflag:s29] =	ssyncadd.s32 $0xFFFFFFFF  }
0xb4: {  	_ =	strace $0x90000048  }
0xb5: {  	_ =	sfence  }
0xb6: {  	s30 =	sld [smem:$0x0];
	_ =	sdelay $0x2  }
0xb7: {  	s31 =	sshll.u32 s1, $0xD;
	s1 =	sshrl.u32 s1, $0x2  }
0xb8: {  	s3 =	sand.u32 $0x4000, s31;
	s1 =	sadd.s32 s1, s30  }
0xb9: {  	s0 =	sor.u32 s3, s0;
	s1 =	sshll.u32 s1, $0x11  }
0xba: {  	s0 =	sor.u32 s1, s0  }
0xbb: {  	s0 =	sadd.s32 $0x8F2B, s0  }
0xbc: {  	[sflag:s0] =	ssyncadd.remote.s32 $0x1  }
0xbd: {  	_ =	sfence.sel $0xFFFF  }
0xbe: {  	[dreg:$0x0] =	wrdreg $0xFFFFFFFF;
	(pc) =	sbr.abs _section_cstart, $3  }
0xbf: {  	[dreg:$0x1] =	wrdreg $0xFFFFFFFF  }
0xc0: {  	_ =	task.clear_ibuf [dreg:s6], $0x2FFFF;
	_ =	strace $0x9FFFFFFF  }
0xc1: {  	(tm) =	ssettm $0x7FFFFFFF  }
tec
execute0_lowered:
.L_overlay_start_1:
0x0: {  	(tag) =	ssettag $0x1  }
0x1: {  	s1 =	stileid.u32  }
0x2: {  	p0 =	sgt.u32 s1, $0x5  }
.Ltmp0:
0x3: {  	_ = 	snop;
	(pc) =	sbr.rel @p0 .LBB2_22-.Ltmp0, $4  }
0x4: {  	_ = 	snop  }
0x5: {  	s3 =	rddreg [dreg:$0x0];
	s2 =	simm.s32 $0x0  }
0x6: {  	[smem:$0x7FF] =	sst s2  }
0x7: {  	s0 =	rddreg [dreg:$0x1];
	_ =	strace $0x80000047  }
0x8: {  	v0 =	vimm.s32 $0xFEDCBA98  }
0x9: {  	v1 =	vimm.s32 $0x76543210;
	v2 =	vimm.s32 $0xBA98FEDC;
	v3 =	vimm.s32 $0x32107654  }
0xa: {  	s4 =	srdreg.scid;
	v4 =	vimm.s32 $0xDCFE98BA;
	v5 =	vimm.s32 $0x54761032;
	v6 =	vimm.s32 $0xEFCDAB89  }
0xb: {  	s5 =	sshll.u32 s1, $0x5;
	s6 =	sshll.u32 s1, $0x8;
	v7 =	vimm.s32 $0x67452301;
	s31 =	sadd.s32 $0x1600, s3;
	v0 =	vunpack.c.l.s4.s8 v0;
	v1 =	vunpack.c.l.s4.s8 v1  }
0xc: {  	s10 =	simm.s32 $0x1;
	s11 =	simm.s32 $0xC00;
	s4 =	sand.u32 $0x1, s4;
	v2 =	vunpack.c.l.s4.s8 v2;
	v3 =	vunpack.c.l.s4.s8 v3;
	v4 =	vunpack.c.l.s4.s8 v4  }
0xd: {  	s12 =	simm.s32 $0x80000000;
	s5 =	sand.u32 $0x60, s5;
	v5 =	vunpack.c.l.s4.s8 v5;
	v6 =	vunpack.c.l.s4.s8 v6;
	v7 =	vunpack.c.l.s4.s8 v7;
	s7 =	sshll.u32 s4, $0x4  }
0xe: {  	s6 =	sand.u32 $0x400, s6;
	s30 =	ssub.s32 $0x2, s4;
	v0 =	vunpack.c.0.s8.s32 v0;
	v1 =	vunpack.c.0.s8.s32 v1;
	s5 =	sor.u32 s7, s5;
	v2 =	vunpack.c.0.s8.s32 v2  }
0xf: {  	s13 =	simm.s32 $0x800;
	s9 =	sshrl.u32 s30, $0x1;
	v3 =	vunpack.c.0.s8.s32 v3;
	v4 =	vunpack.c.0.s8.s32 v4;
	v5 =	vunpack.c.0.s8.s32 v5;
	s6 =	sor.u32 s6, s5  }
0x10: {  	v6 =	vunpack.c.0.s8.s32 v6;
	v7 =	vunpack.c.0.s8.s32 v7;
	s9 =	ssub.s32 s30, s9;
	v0 =	vand.u32 $0xF, v0;
	s8 =	sadd.s32 s6, s3;
	s3 =	sadd.s32 $0x2600, s3  }
0x11: {  	s6 =	sadd.s32 s31, s6;
	s7 =	smax.u32 s9, $0x1;
	s9 =	simm.s32 $0x400;
	v0 =	vcombine.low v0, v1;
	v1 =	vcombine.low v3, v2  }
0x12: {  	s4 =	sadd.s32 $0x1E00, s8;
	s5 =	sadd.s32 $0x2800, s8;
	s8 =	simm.s32 $0x80;
	v2 =	vcombine.low v5, v4;
	v3 =	vcombine.low v7, v6;
	v4 =	vimm.s32 $0x0  }
.LBB2_2:
0x13: {  	s14 =	simm.s32 $0x0  }
0x14: {  	[tilespmem:s14], [sflag:$0x1] =	stream.strided.gather [hbm4b:s6+s8], $0x400, s9, s8, $0x38;
	[tilespmem:$0xC80] =	vst v63  }
0x15: {  	_ =	swait.ge [sflag:s10], $0x400  }
0x16: {  	[sflag:s10] =	ssyncset.done $0x0  }
0x17: {  	[sflag:s10] =	ssyncadd.s32 $0xFFFFFC00  }
0x18: {  	[tilespmem:s9], [sflag:$0x1] =	stream.strided.gather [hbm4b:s4+s8], $0x400, s9, s8, $0x38;
	[tilespmem:$0xC80] =	vst v63  }
0x19: {  	_ =	swait.ge [sflag:s10], $0x400  }
0x1a: {  	[sflag:s10] =	ssyncset.done $0x0  }
0x1b: {  	[sflag:s10] =	ssyncadd.s32 $0xFFFFFC00  }
0x1c: {  	[tilespmem:s11], [sflag:$0x1] =	stream.linear.gather [hbm4b:s3+s14], $0x80, $0x38;
	[tilespmem:$0xC80] =	vst v63  }
0x1d: {  	_ =	swait.ge [sflag:s10], $0x80  }
0x1e: {  	[sflag:s10] =	ssyncset.done $0x0  }
0x1f: {  	[sflag:s10] =	ssyncadd.s32 $0xFFFFFF80  }
0x20: {  	v8 =	vld [tilespmem:$0xC00]  }
0x21: {  	v7 =	vld [tilespmem:$0xC10]  }
0x22: {  	v6 =	vld [tilespmem:$0xC20]  }
0x23: {  	s15 =	simm.s32 $0x0;
	v5 =	vld [tilespmem:$0xC30]  }
0x24: {  	v9 =	vimm.f32 $-3.399999950e+38;
	s14 =	simm.s32 $0x40;
	v10 =	vld [tilespmem:s15+$0x0]  }
.LBB2_3:
0x25: {  	p0 =	sne.s32 s14, $0xFC0  }
.Ltmp1:
0x26: {  	_ = 	snop;
	(pc) =	sbr.rel @p0 .LBB2_3-.Ltmp1, $3  }
0x27: {  	_ =	sdelay $0x1  }
0x28: {  	s15 =	sshra.s32 s14, $0x2;
	s14 =	sadd.s32 $0x40, s14;
	v9 =	vmax.f32 v9, v10  }
0x29: {  	v10 =	vld [tilespmem:s15+$0x0]  }
0x2a: {  	_ =	sdelay $0x3  }
0x2b: {  	v9 =	vmax.f32 v9, v10  }
0x2c: {  	v10 =	vperm.xlane v9, v0;
	_ =	sdelay $0x1  }
0x2d: {  	v9 =	vmax.f32 v9, v10  }
0x2e: {  	v10 =	vperm.xlane v9, v1;
	_ =	sdelay $0x1  }
0x2f: {  	v9 =	vmax.f32 v9, v10  }
0x30: {  	v10 =	vperm.xlane v9, v2;
	_ =	sdelay $0x1  }
0x31: {  	v10 =	vmax.f32 v9, v10  }
0x32: {  	s15 =	simm.s32 $0x0;
	v9 =	vimm.s32 $0x0;
	v11 =	vperm.xlane v10, v3  }
.LBB2_5:
0x33: {  	s14 =	sshrl.u32 s12, s15;
	s16 =	simm.s32 $0x0  }
0x34: {  	v12 =	vor.u32 s14, v9;
	v15 =	vld [tilespmem:s16+$0x400]  }
0x35: {  	v14 =	vimm.s32 $0x0;
	s14 =	simm.s32 $0x40;
	v13 =	vxor.u32 $0x80000000, v12  }
.LBB2_6:
0x36: {  	p0 =	sne.s32 s14, $0xFC0  }
.Ltmp2:
0x37: {  	_ = 	snop;
	(pc) =	sbr.rel @p0 .LBB2_6-.Ltmp2, $4  }
0x38: {  	_ = 	snop  }
0x39: {  	s16 =	sshra.s32 s14, $0x2;
	s14 =	sadd.s32 $0x40, s14;
	vm0 =	vge.s32 v15, v13  }
0x3a: {  	v15 =	vld [tilespmem:s16+$0x400];
	v16 =	vsel vm0, $0x1, v4  }
0x3b: {  	v14 =	vadd.s32 v16, v14  }
0x3c: {  	_ =	sdelay $0x2  }
0x3d: {  	vm0 =	vge.s32 v15, v13  }
0x3e: {  	v13 =	vsel vm0, $0x1, v4  }
0x3f: {  	v13 =	vadd.s32 v13, v14  }
0x40: {  	v14 =	vperm.xlane v13, v0;
	_ =	sdelay $0x1  }
0x41: {  	v13 =	vadd.s32 v13, v14  }
0x42: {  	v14 =	vperm.xlane v13, v1;
	_ =	sdelay $0x1  }
0x43: {  	v13 =	vadd.s32 v14, v13  }
0x44: {  	v14 =	vperm.xlane v13, v2  }
0x45: {  	s15 =	sadd.s32 $0x1, s15  }
0x46: {  	p0 =	sne.s32 s15, $0x20;
	v13 =	vadd.s32 v14, v13  }
.Ltmp3:
0x47: {  	v14 =	vperm.xlane v13, v3;
	(pc) =	sbr.rel @p0 .LBB2_5-.Ltmp3, $4  }
0x48: {  	_ = 	snop  }
0x49: {  	v13 =	vadd.s32 v14, v13  }
0x4a: {  	vm15 =	vgt.s32 v13, $0x1FF  }
0x4b: {  	s14 =	simm.s32 $0x0;
	v9 =	vsel vm15, v12, v9;
	v12 =	vimm.s32 $0x0  }
.LBB2_8:
0x4c: {  	s15 =	sshrl.u32 s12, s14;
	s16 =	simm.s32 $0x0  }
0x4d: {  	v13 =	vor.u32 s15, v12;
	v16 =	vld [tilespmem:s16+$0x400]  }
0x4e: {  	v15 =	vimm.s32 $0x0;
	s15 =	simm.s32 $0x40;
	v14 =	vxor.u32 $0x80000000, v13  }
.LBB2_9:
0x4f: {  	p0 =	sne.s32 s15, $0xFC0  }
.Ltmp4:
0x50: {  	_ = 	snop;
	(pc) =	sbr.rel @p0 .LBB2_9-.Ltmp4, $4  }
0x51: {  	_ = 	snop  }
0x52: {  	s16 =	sshra.s32 s15, $0x2;
	s15 =	sadd.s32 $0x40, s15;
	vm0 =	vge.s32 v16, v14  }
0x53: {  	v16 =	vld [tilespmem:s16+$0x400];
	v17 =	vsel vm0, $0x1, v4  }
0x54: {  	v15 =	vadd.s32 v17, v15  }
0x55: {  	_ =	sdelay $0x2  }
0x56: {  	vm0 =	vge.s32 v16, v14  }
0x57: {  	v14 =	vsel vm0, $0x1, v4  }
0x58: {  	v14 =	vadd.s32 v14, v15  }
0x59: {  	v15 =	vperm.xlane v14, v0;
	_ =	sdelay $0x1  }
0x5a: {  	v14 =	vadd.s32 v14, v15  }
0x5b: {  	v15 =	vperm.xlane v14, v1;
	_ =	sdelay $0x1  }
0x5c: {  	v14 =	vadd.s32 v15, v14  }
0x5d: {  	v15 =	vperm.xlane v14, v2  }
0x5e: {  	s14 =	sadd.s32 $0x1, s14  }
0x5f: {  	p0 =	sne.s32 s14, $0x20;
	v14 =	vadd.s32 v15, v14  }
.Ltmp5:
0x60: {  	v15 =	vperm.xlane v14, v3;
	(pc) =	sbr.rel @p0 .LBB2_8-.Ltmp5, $4  }
0x61: {  	_ = 	snop  }
0x62: {  	v14 =	vadd.s32 v15, v14  }
0x63: {  	vm15 =	vgt.s32 v14, $0x2A9  }
0x64: {  	s15 =	simm.s32 $0x0;
	v14 =	vimm.s32 $0x0;
	v12 =	vsel vm15, v13, v12  }
.LBB2_11:
0x65: {  	s14 =	sshrl.u32 s12, s15;
	s16 =	simm.s32 $0x0  }
0x66: {  	v13 =	vor.u32 s14, v14;
	v17 =	vld [tilespmem:s16+$0x400]  }
0x67: {  	v16 =	vimm.s32 $0x0;
	s14 =	simm.s32 $0x40;
	v15 =	vxor.u32 $0x80000000, v13  }
.LBB2_12:
0x68: {  	p0 =	sne.s32 s14, $0xFC0  }
.Ltmp6:
0x69: {  	_ = 	snop;
	(pc) =	sbr.rel @p0 .LBB2_12-.Ltmp6, $4  }
0x6a: {  	_ = 	snop  }
0x6b: {  	s16 =	sshra.s32 s14, $0x2;
	s14 =	sadd.s32 $0x40, s14;
	vm0 =	vge.s32 v17, v15  }
0x6c: {  	v17 =	vld [tilespmem:s16+$0x400];
	v18 =	vsel vm0, $0x1, v4  }
0x6d: {  	v16 =	vadd.s32 v18, v16  }
0x6e: {  	_ =	sdelay $0x2  }
0x6f: {  	vm0 =	vge.s32 v17, v15  }
0x70: {  	v15 =	vsel vm0, $0x1, v4  }
0x71: {  	v15 =	vadd.s32 v15, v16  }
0x72: {  	v16 =	vperm.xlane v15, v0;
	_ =	sdelay $0x1  }
0x73: {  	v15 =	vadd.s32 v15, v16  }
0x74: {  	v16 =	vperm.xlane v15, v1;
	_ =	sdelay $0x1  }
0x75: {  	v15 =	vadd.s32 v16, v15  }
0x76: {  	v16 =	vperm.xlane v15, v2  }
0x77: {  	s15 =	sadd.s32 $0x1, s15  }
0x78: {  	p0 =	sne.s32 s15, $0x20;
	v15 =	vadd.s32 v16, v15  }
.Ltmp7:
0x79: {  	v16 =	vperm.xlane v15, v3;
	(pc) =	sbr.rel @p0 .LBB2_11-.Ltmp7, $4  }
0x7a: {  	_ = 	snop  }
0x7b: {  	v15 =	vadd.s32 v16, v15  }
0x7c: {  	vm15 =	vgt.s32 v15, $0x2FF  }
0x7d: {  	s14 =	simm.s32 $0x0;
	v15 =	vimm.s32 $0x0;
	v14 =	vsel vm15, v13, v14  }
.LBB2_14:
0x7e: {  	s15 =	sshrl.u32 s12, s14;
	s16 =	simm.s32 $0x0  }
0x7f: {  	v13 =	vor.u32 s15, v15;
	v18 =	vld [tilespmem:s16+$0x400]  }
0x80: {  	v17 =	vimm.s32 $0x0;
	s15 =	simm.s32 $0x40;
	v16 =	vxor.u32 $0x80000000, v13  }
.LBB2_15:
0x81: {  	p0 =	sne.s32 s15, $0xFC0  }
.Ltmp8:
0x82: {  	_ = 	snop;
	(pc) =	sbr.rel @p0 .LBB2_15-.Ltmp8, $4  }
0x83: {  	_ = 	snop  }
0x84: {  	s16 =	sshra.s32 s15, $0x2;
	s15 =	sadd.s32 $0x40, s15;
	vm0 =	vge.s32 v18, v16  }
0x85: {  	v18 =	vld [tilespmem:s16+$0x400];
	v19 =	vsel vm0, $0x1, v4  }
0x86: {  	v17 =	vadd.s32 v19, v17  }
0x87: {  	_ =	sdelay $0x2  }
0x88: {  	vm0 =	vge.s32 v18, v16  }
0x89: {  	v16 =	vsel vm0, $0x1, v4  }
0x8a: {  	v16 =	vadd.s32 v16, v17  }
0x8b: {  	v17 =	vperm.xlane v16, v0;
	_ =	sdelay $0x1  }
0x8c: {  	v16 =	vadd.s32 v16, v17  }
0x8d: {  	v17 =	vperm.xlane v16, v1;
	_ =	sdelay $0x1  }
0x8e: {  	v16 =	vadd.s32 v17, v16  }
0x8f: {  	v17 =	vperm.xlane v16, v2  }
0x90: {  	s14 =	sadd.s32 $0x1, s14  }
0x91: {  	p0 =	sne.s32 s14, $0x20;
	v16 =	vadd.s32 v17, v16  }
.Ltmp9:
0x92: {  	v17 =	vperm.xlane v16, v3;
	(pc) =	sbr.rel @p0 .LBB2_14-.Ltmp9, $4  }
0x93: {  	_ = 	snop  }
0x94: {  	v16 =	vadd.s32 v17, v16  }
0x95: {  	vm15 =	vgt.s32 v16, $0x332  }
0x96: {  	v15 =	vsel vm15, v13, v15  }
0x97: {  	s14 =	simm.s32 $0x0  }
0x98: {  	v13 =	vld [tilespmem:s14+$0x0];
	_ =	sdelay $0x3  }
0x99: {  	v11 =	vmax.f32 v10, v11  }
0x9a: {  	v10 =	vsub.f32 v13, v11;
	_ =	sdelay $0x1  }
0x9b: {  	s31 =	simm.s32 $0x10;
	v16 =	vld [tilespmem:s14+$0x400];
	v10 =	vmul.f32 $1.442695020e+00, v10  }
0x9c: {  	v19 =	vld [tilespmem:s31+$0x0]  }
0x9d: {  	(erf) = vpow2.f32 v10  }
0x9e: {  	v12 =	vxor.u32 $0x80000000, v12;
	v17 =	vimm.f32 $0.0e+00  }
0x9f: {  	v18 =	vimm.s32 $0x0;
	v32 =	vimm.s32 $0x0;
	v31 =	vimm.s32 $0x0  }
0xa0: {  	v27 =	vimm.s32 $0x0;
	v13 =	vxor.u32 $0x80000000, v9;
	v9 =	vxor.u32 $0x80000000, v15  }
0xa1: {  	vm3 =	vgt.s32 v16, v12;
	vm4 =	veq.s32 v16, v12;
	v19 =	vsub.f32 v19, v11  }
0xa2: {  	vm0 =	vgt.s32 v16, v13;
	vm1 =	veq.s32 v16, v13;
	vm2 =	veq.s32 v16, v9  }
0xa3: {  	vm7 =	vgt.s32 v16, v9;
	v38 =	vsel vm3, $0x1, v4;
	v10 =	vxor.u32 $0x80000000, v14  }
0xa4: {  	vm5 =	vgt.s32 v16, v10;
	vm6 =	veq.s32 v16, v10;
	v16 =	vmul.f32 $1.442695020e+00, v19  }
0xa5: {  	v37 =	vsel vm4, $0x1, v4;
	v34 =	vsel vm7, $0x1, v4;
	v33 =	vsel vm2, $0x1, v4  }
0xa6: {  	v35 =	vsel vm5, $0x1, v4;
	v36 =	vsel vm6, $0x1, v4;
	v15 =	vpop (erf);
	(erf) = vpow2.f32 v16  }
0xa7: {  	v16 =	vsel vm0, $0x1, v4;
	v14 =	vnsel vm2, $0x0, v15;
	v20 =	vnsel vm0, $0x0, v15  }
0xa8: {  	v19 =	vnsel vm1, $0x0, v15;
	v21 =	vnsel vm3, $0x0, v15;
	v22 =	vnsel vm4, $0x0, v15  }
0xa9: {  	v23 =	vnsel vm5, $0x0, v15;
	v26 =	vnsel vm6, $0x0, v15;
	v28 =	vnsel vm7, $0x0, v15  }
0xaa: {  	v15 =	vsel vm1, $0x1, v4;
	v14 =	vadd.f32 v14, v17;
	v30 =	vadd.f32 v20, v17  }
0xab: {  	v24 =	vadd.f32 v19, v17;
	v19 =	vadd.s32 v16, v18;
	v29 =	vadd.f32 v21, v17  }
0xac: {  	v25 =	vadd.f32 v22, v17;
	v22 =	vadd.s32 v15, v18;
	v20 =	vadd.f32 v23, v17;
	v15 =	vld [tilespmem:s31+$0x400]  }
0xad: {  	s15 =	simm.s32 $0xC0;
	s14 =	simm.s32 $0x20;
	v16 =	vadd.f32 v26, v17;
	v23 =	vimm.s32 $0x0;
	v26 =	vimm.s32 $0x0  }
.LBB2_18:
0xae: {  	p0 =	sne.s32 s15, $0xFC0;
	v21 =	vld [tilespmem:s14+$0x0];
	v18 =	vadd.s32 v38, v18;
	v23 =	vadd.s32 v37, v23;
	v17 =	vadd.f32 v28, v17  }
0xaf: {  	v26 =	vadd.s32 v35, v26;
	v32 =	vadd.s32 v36, v32;
	v31 =	vadd.s32 v34, v31  }
0xb0: {  	v27 =	vadd.s32 v33, v27  }
0xb1: {  	vm1 =	vgt.s32 v15, v13;
	vm2 =	veq.s32 v15, v13;
	vm0 =	veq.s32 v15, v9;
	v28 =	vpop (erf)  }
0xb2: {  	vm3 =	vgt.s32 v15, v12;
	vm4 =	veq.s32 v15, v12;
	v33 =	vnsel vm0, $0x0, v28  }
0xb3: {  	vm5 =	vgt.s32 v15, v10;
	v21 =	vsub.f32 v21, v11;
	v14 =	vadd.f32 v33, v14  }
0xb4: {  	vm6 =	veq.s32 v15, v10;
	vm7 =	vgt.s32 v15, v9;
	v33 =	vnsel vm1, $0x0, v28  }
0xb5: {  	v39 =	vnsel vm3, $0x0, v28;
	v15 =	vmul.f32 $1.442695020e+00, v21;
	v21 =	vnsel vm2, $0x0, v28  }
0xb6: {  	v40 =	vnsel vm4, $0x0, v28;
	v41 =	vnsel vm5, $0x0, v28;
	v42 =	vnsel vm6, $0x0, v28  }
0xb7: {  	v43 =	vsel vm1, $0x1, v4;
	v28 =	vnsel vm7, $0x0, v28;
	(erf) = vpow2.f32 v15  }
.Ltmp10:
0xb8: {  	v44 =	vsel vm2, $0x1, v4;
	v38 =	vsel vm3, $0x1, v4;
	v37 =	vsel vm4, $0x1, v4;
	(pc) =	sbr.rel @p0 .LBB2_18-.Ltmp10, $4  }
0xb9: {  	v35 =	vsel vm5, $0x1, v4;
	v36 =	vsel vm6, $0x1, v4;
	v34 =	vsel vm7, $0x1, v4  }
0xba: {  	v30 =	vadd.f32 v33, v30;
	v33 =	vsel vm0, $0x1, v4;
	v24 =	vadd.f32 v21, v24  }
0xbb: {  	v19 =	vadd.s32 v43, v19;
	v29 =	vadd.f32 v39, v29;
	v25 =	vadd.f32 v40, v25;
	v15 =	vld [tilespmem:s14+$0x400]  }
0xbc: {  	v22 =	vadd.s32 v44, v22;
	v20 =	vadd.f32 v41, v20;
	v16 =	vadd.f32 v42, v16;
	s14 =	sshra.s32 s15, $0x2;
	s15 =	sadd.s32 $0x40, s15  }
0xbd: {  	v21 =	vld [tilespmem:s14+$0x0];
	_ =	sdelay $0x4  }
0xbe: {  	v21 =	vsub.f32 v21, v11;
	_ =	sdelay $0x1  }
0xbf: {  	v39 =	vmul.f32 $1.442695020e+00, v21;
	v21 =	vld [tilespmem:s14+$0x400]  }
0xc0: {  	v38 =	vadd.s32 v38, v18;
	v37 =	vadd.s32 v37, v23;
	v23 =	vadd.f32 v28, v17  }
0xc1: {  	v28 =	vadd.s32 v35, v26;
	v32 =	vadd.s32 v36, v32;
	(erf) = vpow2.f32 v39  }
0xc2: {  	v27 =	vadd.s32 v33, v27;
	vm0 =	veq.s32 v15, v13;
	vm2 =	vgt.s32 v15, v13  }
0xc3: {  	v26 =	vpop (erf);
	vm3 =	vgt.s32 v15, v12;
	vm4 =	veq.s32 v15, v12;
	v18 =	vsel vm0, $0x1, v4  }
0xc4: {  	v44 =	vnsel vm0, $0x0, v26;
	v45 =	vsel vm2, $0x1, v4;
	vm1 =	veq.s32 v21, v13  }
0xc5: {  	v40 =	vnsel vm3, $0x0, v26;
	v17 =	vadd.s32 v18, v22;
	v18 =	vsel vm1, $0x1, v4  }
0xc6: {  	v57 =	vsel vm4, $0x1, v4;
	v22 =	vadd.s32 v34, v31;
	v18 =	vadd.s32 v18, v17  }
0xc7: {  	v19 =	vadd.s32 v45, v19;
	vm0 =	vgt.s32 v21, v13;
	v43 =	vperm.xlane v18, v0  }
0xc8: {  	v29 =	vadd.f32 v40, v29;
	v49 =	vsel vm0, $0x1, v4;
	v17 =	vnsel vm2, $0x0, v26  }
0xc9: {  	v30 =	vadd.f32 v17, v30;
	v17 =	vand.u32 $0xF, v1;
	v31 =	vadd.s32 v18, v43  }
0xca: {  	v51 =	vadd.s32 v49, v19;
	v18 =	vadd.f32 v44, v24;
	v24 =	vpop (erf);
	v46 =	vperm.xlane v31, v17  }
0xcb: {  	vm5 =	veq.s32 v21, v12;
	v54 =	vperm.xlane v51, v0;
	v48 =	vnsel vm1, $0x0, v24  }
0xcc: {  	v36 =	vadd.f32 v48, v18;
	v18 =	vand.u32 $0xF, v2;
	v31 =	vadd.s32 v46, v31  }
0xcd: {  	v45 =	vnsel vm4, $0x0, v26;
	v61 =	vsel vm5, $0x1, v4;
	v50 =	vperm.xlane v31, v18  }
0xce: {  	v19 =	vand.u32 $0xF, v3;
	vm2 =	veq.s32 v15, v10;
	v33 =	vadd.s32 v51, v54  }
0xcf: {  	v47 =	vnsel vm0, $0x0, v24;
	v52 =	vperm.xlane v36, v0;
	v31 =	vadd.s32 v50, v31  }
0xd0: {  	v35 =	vperm.xlane v33, v17;
	v30 =	vadd.f32 v47, v30;
	v55 =	vperm.xlane v31, v19  }
0xd1: {  	vm0 =	veq.s32 v15, v9;
	vm1 =	vgt.s32 v15, v10;
	v34 =	vadd.f32 v52, v36  }
0xd2: {  	v33 =	vadd.s32 v35, v33;
	v53 =	vperm.xlane v30, v0;
	v31 =	vadd.s32 v55, v31  }
0xd3: {  	v35 =	vadd.s32 v57, v37;
	v56 =	vperm.xlane v34, v17;
	v31 =	vcvt.s32.f32 v31  }
0xd4: {  	v46 =	vsel vm3, $0x1, v4;
	v47 =	vadd.f32 v45, v25;
	v48 =	vnsel vm5, $0x0, v24  }
0xd5: {  	v30 =	vadd.f32 v53, v30;
	v34 =	vadd.f32 v56, v34;
	(erf) = vrcp.f32 v31  }
0xd6: {  	vm3 =	vgt.s32 v21, v12;
	v45 =	vsel vm2, $0x1, v4;
	v58 =	vperm.xlane v33, v18  }
0xd7: {  	v35 =	vadd.s32 v61, v35;
	v41 =	vperm.xlane v30, v17;
	v59 =	vperm.xlane v34, v18  }
0xd8: {  	v38 =	vadd.s32 v46, v38;
	v54 =	vsel vm3, $0x1, v4;
	v44 =	vperm.xlane v35, v0  }
0xd9: {  	v33 =	vadd.s32 v58, v33;
	v30 =	vadd.f32 v41, v30;
	v34 =	vadd.f32 v59, v34  }
0xda: {  	v32 =	vadd.s32 v45, v32;
	v51 =	vadd.f32 v48, v47;
	v62 =	vperm.xlane v33, v19  }
0xdb: {  	v35 =	vadd.s32 v35, v44;
	v60 =	vperm.xlane v30, v18;
	v63 =	vperm.xlane v34, v19  }
0xdc: {  	v53 =	vnsel vm3, $0x0, v24;
	v50 =	vperm.xlane v35, v17;
	v33 =	vadd.s32 v62, v33  }
0xdd: {  	v33 =	vcvt.s32.f32 v33;
	v30 =	vadd.f32 v60, v30;
	v34 =	vadd.f32 v63, v34  }
0xde: {  	v36 =	vnsel vm0, $0x0, v26;
	v29 =	vadd.f32 v53, v29;
	v35 =	vadd.s32 v50, v35;
	v49 =	vpop (erf)  }
0xdf: {  	v25 =	vsub.f32 $5.120000000e+02, v33;
	v42 =	vperm.xlane v30, v19;
	v34 =	vmul.f32 v49, v34  }
0xe0: {  	v55 =	vperm.xlane v51, v0;
	v62 =	vnsel vm1, $0x0, v26;
	v52 =	vperm.xlane v35, v18  }
0xe1: {  	v56 =	vadd.s32 v54, v38;
	v30 =	vadd.f32 v42, v30;
	v34 =	vmul.f32 v34, v25  }
0xe2: {  	v33 =	vadd.f32 v55, v51;
	v58 =	vperm.xlane v56, v0;
	v35 =	vadd.s32 v52, v35  }
0xe3: {  	v51 =	vsel vm1, $0x1, v4;
	v57 =	vperm.xlane v35, v19;
	v30 =	vadd.f32 v34, v30  }
0xe4: {  	vm1 =	vgt.s32 v21, v10;
	v28 =	vadd.s32 v51, v28;
	v59 =	vperm.xlane v29, v0  }
0xe5: {  	v35 =	vadd.s32 v57, v35;
	(erf) = vrcp.f32 v30;
	v30 =	vmul.f32 v31, v30  }
0xe6: {  	v60 =	vperm.xlane v33, v17;
	v35 =	vcvt.s32.f32 v35;
	v34 =	vadd.s32 v56, v58  }
0xe7: {  	v29 =	vadd.f32 v59, v29;
	v61 =	vperm.xlane v34, v17;
	(erf) = vrcp.f32 v30  }
0xe8: {  	v33 =	vadd.f32 v60, v33;
	v63 =	vnsel vm2, $0x0, v26;
	(erf) = vrcp.f32 v35  }
0xe9: {  	v44 =	vperm.xlane v29, v17;
	vm2 =	veq.s32 v21, v10;
	v30 =	vadd.s32 v61, v34  }
0xea: {  	v46 =	vperm.xlane v33, v18;
	v48 =	vsel vm2, $0x1, v4;
	v47 =	vperm.xlane v30, v18  }
0xeb: {  	v59 =	vnsel vm1, $0x0, v24;
	v29 =	vadd.f32 v44, v29;
	v32 =	vadd.s32 v48, v32  }
0xec: {  	v33 =	vadd.f32 v46, v33;
	v53 =	vperm.xlane v32, v0;
	v30 =	vadd.s32 v47, v30  }
0xed: {  	v60 =	vsel vm1, $0x1, v4;
	vm1 =	vgt.s32 v15, v9;
	v50 =	vperm.xlane v30, v19  }
0xee: {  	v49 =	vperm.xlane v29, v18;
	v52 =	vperm.xlane v33, v19;
	v32 =	vadd.s32 v32, v53  }
0xef: {  	v56 =	vperm.xlane v32, v17;
	v31 =	vadd.f32 v62, v20;
	v30 =	vadd.s32 v50, v30;
	v20 =	vpop (erf)  }
0xf0: {  	v33 =	vadd.f32 v52, v33;
	v34 =	vadd.f32 v49, v29;
	v30 =	vcvt.s32.f32 v30;
	v29 =	vpop (erf)  }
0xf1: {  	v16 =	vadd.f32 v63, v16;
	v54 =	vnsel vm2, $0x0, v24;
	v32 =	vadd.s32 v56, v32;
	v55 =	vpop (erf)  }
0xf2: {  	v57 =	vperm.xlane v34, v19;
	v30 =	vsub.f32 $6.820000000e+02, v30;
	v33 =	vmul.f32 v55, v33  }
0xf3: {  	v28 =	vadd.s32 v60, v28;
	v16 =	vadd.f32 v54, v16;
	v58 =	vperm.xlane v32, v18  }
0xf4: {  	v62 =	vperm.xlane v28, v0;
	v34 =	vadd.f32 v57, v34;
	v33 =	vmul.f32 v33, v30  }
0xf5: {  	v61 =	vperm.xlane v16, v0;
	v31 =	vadd.f32 v59, v31;
	v32 =	vadd.s32 v58, v32  }
0xf6: {  	v28 =	vadd.s32 v28, v62;
	v37 =	vperm.xlane v32, v19;
	v33 =	vadd.f32 v33, v34  }
0xf7: {  	v41 =	vperm.xlane v28, v17;
	v16 =	vadd.f32 v61, v16;
	v63 =	vperm.xlane v31, v0  }
0xf8: {  	v32 =	vadd.s32 v37, v32;
	(erf) = vrcp.f32 v33;
	v33 =	vmul.f32 v35, v33  }
0xf9: {  	v42 =	vsel vm0, $0x1, v4;
	v40 =	vperm.xlane v16, v17;
	v32 =	vcvt.s32.f32 v32  }
0xfa: {  	vm0 =	veq.s32 v21, v9;
	v28 =	vadd.s32 v41, v28;
	(erf) = vrcp.f32 v33  }
0xfb: {  	v31 =	vadd.f32 v63, v31;
	v16 =	vadd.f32 v40, v16;
	(erf) = vrcp.f32 v32  }
0xfc: {  	v27 =	vadd.s32 v42, v27;
	v45 =	vsel vm0, $0x1, v4;
	v44 =	vperm.xlane v28, v18  }
0xfd: {  	v27 =	vadd.s32 v45, v27;
	v15 =	vperm.xlane v31, v17;
	v43 =	vperm.xlane v16, v18  }
0xfe: {  	v48 =	vperm.xlane v27, v0  }
0xff: {  	v28 =	vadd.s32 v44, v28;
	v15 =	vadd.f32 v15, v31;
	v16 =	vadd.f32 v43, v16  }
0x100: {  	v14 =	vadd.f32 v36, v14;
	v26 =	vnsel vm1, $0x0, v26;
	v47 =	vperm.xlane v28, v19  }
0x101: {  	v27 =	vadd.s32 v27, v48;
	v46 =	vperm.xlane v15, v18;
	v34 =	vperm.xlane v16, v19  }
0x102: {  	v23 =	vadd.f32 v26, v23;
	v54 =	vperm.xlane v27, v17;
	v28 =	vadd.s32 v47, v28;
	v50 =	vpop (erf)  }
0x103: {  	v28 =	vcvt.s32.f32 v28;
	v15 =	vadd.f32 v46, v15;
	v16 =	vadd.f32 v34, v16;
	v51 =	vpop (erf)  }
0x104: {  	v52 =	vnsel vm0, $0x0, v24;
	vm0 =	vgt.s32 v21, v9;
	v21 =	vadd.s32 v54, v27;
	v53 =	vpop (erf)  }
0x105: {  	v28 =	vsub.f32 $7.680000000e+02, v28;
	v55 =	vperm.xlane v15, v19;
	v16 =	vmul.f32 v53, v16  }
0x106: {  	v14 =	vadd.f32 v52, v14;
	v24 =	vnsel vm0, $0x0, v24;
	v56 =	vperm.xlane v21, v18  }
0x107: {  	v49 =	vsel vm1, $0x1, v4;
	v15 =	vadd.f32 v55, v15;
	v16 =	vmul.f32 v16, v28  }
0x108: {  	v23 =	vadd.f32 v24, v23;
	v21 =	vadd.s32 v56, v21;
	v22 =	vadd.s32 v49, v22  }
0x109: {  	v57 =	vsel vm0, $0x1, v4;
	v15 =	vadd.f32 v16, v15;
	v16 =	vperm.xlane v14, v0  }
0x10a: {  	v58 =	vperm.xlane v21, v19;
	v22 =	vadd.s32 v57, v22  }
0x10b: {  	v59 =	vperm.xlane v23, v0;
	v14 =	vadd.f32 v16, v14;
	v16 =	vperm.xlane v22, v0  }
0x10c: {  	v21 =	vadd.s32 v58, v21;
	(erf) = vrcp.f32 v15;
	v15 =	vmul.f32 v32, v15  }
0x10d: {  	v21 =	vcvt.s32.f32 v21;
	v60 =	vperm.xlane v14, v17;
	v16 =	vadd.s32 v22, v16  }
0x10e: {  	(erf) = vrcp.f32 v15;
	v15 =	vadd.f32 v59, v23;
	v22 =	vperm.xlane v16, v17  }
0x10f: {  	(erf) = vrcp.f32 v21;
	v14 =	vadd.f32 v60, v14  }
0x110: {  	v17 =	vperm.xlane v15, v17;
	v16 =	vadd.s32 v22, v16  }
0x111: {  	v22 =	vperm.xlane v14, v18;
	v23 =	vperm.xlane v16, v18;
	_ =	sdelay $0x1  }
0x112: {  	v15 =	vadd.f32 v17, v15;
	v14 =	vadd.f32 v22, v14;
	v16 =	vadd.s32 v23, v16  }
0x113: {  	v17 =	vperm.xlane v16, v19  }
0x114: {  	v18 =	vperm.xlane v15, v18;
	v22 =	vperm.xlane v14, v19  }
0x115: {  	v23 =	vpop (erf);
	v16 =	vadd.s32 v17, v16  }
0x116: {  	v15 =	vadd.f32 v18, v15;
	v61 =	vpop (erf);
	v14 =	vadd.f32 v22, v14;
	v16 =	vcvt.s32.f32 v16  }
0x117: {  	v17 =	vpop (erf)  }
0x118: {  	v18 =	vperm.xlane v15, v19;
	v14 =	vmul.f32 v17, v14;
	v19 =	vsub.f32 $8.190000000e+02, v16;
	_ =	sdelay $0x1  }
0x119: {  	v15 =	vadd.f32 v18, v15;
	v14 =	vmul.f32 v14, v19;
	_ =	sdelay $0x1  }
0x11a: {  	v14 =	vadd.f32 v14, v15;
	_ =	sdelay $0x1  }
0x11b: {  	v15 =	vmul.f32 v21, v14  }
0x11c: {  	(erf) = vrcp.f32 v14  }
0x11d: {  	s14 =	simm.s32 $0x0;
	(erf) = vrcp.f32 v15  }
0x11e: {  	v21 =	vld [tilespmem:s14+$0x400];
	v14 =	vmul.f32 v25, v8  }
0x11f: {  	v17 =	vmul.f32 v30, v7;
	v8 =	vmul.f32 v20, v8  }
0x120: {  	v18 =	vld [tilespmem:s14+$0x0];
	v16 =	vmul.f32 v29, v14  }
0x121: {  	v14 =	vmul.f32 v51, v17;
	v17 =	vadd.f32 $0.0e+00, v8;
	v8 =	vmul.f32 v28, v6  }
0x122: {  	v19 =	vmul.f32 v19, v5;
	v15 =	vmul.f32 v50, v7  }
0x123: {  	v7 =	vmul.f32 v23, v6;
	vm0 =	vgt.s32 v21, v13;
	vm1 =	veq.s32 v21, v13  }
0x124: {  	v6 =	vmul.f32 v61, v8;
	v20 =	vnsel vm0, $0x0, v17;
	v22 =	vnsel vm1, $0x0, v16  }
0x125: {  	s15 =	simm.s32 $0x10;
	vm0 =	vgt.s32 v21, v12;
	v20 =	vadd.f32 v22, v20;
	v22 =	vsub.f32 v18, v11;
	v8 =	vpop (erf)  }
0x126: {  	v62 =	vnsel vm0, $0x0, v15;
	vm0 =	veq.s32 v21, v12;
	v18 =	vld [tilespmem:s15+$0x400];
	v8 =	vmul.f32 v8, v5;
	v5 =	vpop (erf)  }
0x127: {  	v23 =	vld [tilespmem:s15+$0x0];
	v20 =	vadd.f32 v20, v62;
	v5 =	vmul.f32 v5, v19;
	v19 =	vmul.f32 $1.442695020e+00, v22  }
0x128: {  	v22 =	vnsel vm0, $0x0, v14  }
0x129: {  	vm1 =	vgt.s32 v21, v10;
	v20 =	vadd.f32 v20, v22;
	(erf) = vpow2.f32 v19  }
0x12a: {  	vm2 =	veq.s32 v21, v10;
	vm0 =	veq.s32 v21, v9;
	v22 =	vnsel vm1, $0x0, v7  }
0x12b: {  	vm3 =	vgt.s32 v18, v13;
	vm15 =	veq.s32 v18, v13;
	v20 =	vadd.f32 v20, v22  }
0x12c: {  	vm1 =	vgt.s32 v21, v9;
	v21 =	vnsel vm2, $0x0, v6;
	v19 =	vsub.f32 v23, v11  }
0x12d: {  	v23 =	vnsel vm15, $0x0, v16;
	v22 =	vnsel vm3, $0x0, v17;
	v20 =	vadd.f32 v20, v21  }
0x12e: {  	s16 =	simm.s32 $0x20;
	vm2 =	vgt.s32 v18, v12;
	v63 =	vnsel vm1, $0x0, v8;
	v22 =	vadd.f32 v23, v22  }
0x12f: {  	s17 =	simm.s32 $0xC0;
	vm1 =	veq.s32 v18, v12;
	v23 =	vnsel vm2, $0x0, v15;
	v21 =	vld [tilespmem:s16+$0x0];
	v20 =	vadd.f32 v20, v63  }
.LBB2_20:
0x130: {  	p0 =	sne.s32 s17, $0xFC0;
	v24 =	vld [tilespmem:s16+$0x400];
	v26 =	vmul.f32 $1.442695020e+00, v19;
	v22 =	vadd.f32 v22, v23;
	v23 =	vnsel vm0, $0x0, v5  }
0x131: {  	v25 =	vnsel vm1, $0x0, v14;
	vm0 =	veq.s32 v18, v9;
	v20 =	vadd.f32 v20, v23  }
0x132: {  	vm1 =	vgt.s32 v18, v10;
	v22 =	vadd.f32 v22, v25;
	(erf) = vpow2.f32 v26;
	v19 =	vpop (erf)  }
0x133: {  	v23 =	vnsel vm1, $0x0, v7;
	vm1 =	vgt.s32 v18, v9;
	v20 =	vmul.f32 v20, v19  }
.Ltmp11:
0x134: {  	vm2 =	veq.s32 v18, v10;
	v19 =	vsub.f32 v21, v11;
	v21 =	vadd.f32 v22, v23;
	(pc) =	sbr.rel @p0 .LBB2_20-.Ltmp11, $4  }
0x135: {  	v22 =	vnsel vm2, $0x0, v6;
	vm3 =	vgt.s32 v24, v13;
	vm4 =	veq.s32 v24, v13;
	[tilespmem:s14+$0x800] =	vst v20;
	v18 =	vmovc v24;
	s14 =	smov.u32 s15;
	s15 =	smov.u32 s16  }
0x136: {  	v20 =	vnsel vm3, $0x0, v17;
	v23 =	vnsel vm4, $0x0, v16;
	v24 =	vadd.f32 v21, v22  }
0x137: {  	s16 =	sshra.s32 s17, $0x2;
	vm2 =	vgt.s32 v18, v12;
	v22 =	vadd.f32 v23, v20;
	v20 =	vnsel vm1, $0x0, v8  }
0x138: {  	s17 =	sadd.s32 $0x40, s17;
	v23 =	vnsel vm2, $0x0, v15;
	vm1 =	veq.s32 v18, v12;
	v21 =	vld [tilespmem:s16+$0x0];
	v20 =	vadd.f32 v24, v20  }
0x139: {  	v24 =	vld [tilespmem:s16+$0x400];
	_ =	sdelay $0x3  }
0x13a: {  	v19 =	vmul.f32 $1.442695020e+00, v19;
	v22 =	vadd.f32 v22, v23;
	v48 =	vnsel vm0, $0x0, v5  }
0x13b: {  	v25 =	vnsel vm1, $0x0, v14;
	vm5 =	vgt.s32 v24, v13;
	vm6 =	veq.s32 v24, v13  }
0x13c: {  	vm2 =	vgt.s32 v18, v10;
	v49 =	vnsel vm5, $0x0, v17;
	v16 =	vnsel vm6, $0x0, v16  }
0x13d: {  	v11 =	vsub.f32 v21, v11;
	vm8 =	vgt.s32 v24, v12;
	v13 =	vadd.f32 v16, v49  }
0x13e: {  	vm7 =	veq.s32 v18, v9;
	v52 =	vnsel vm2, $0x0, v7;
	v15 =	vnsel vm8, $0x0, v15  }
0x13f: {  	vm9 =	veq.s32 v24, v12;
	v11 =	vmul.f32 $1.442695020e+00, v11;
	v51 =	vadd.f32 v13, v15  }
0x140: {  	v50 =	vadd.f32 v22, v25;
	(erf) = vpow2.f32 v19;
	v53 =	vnsel vm9, $0x0, v14  }
0x141: {  	vm10 =	vgt.s32 v24, v10;
	(erf) = vpow2.f32 v11;
	v12 =	vadd.f32 v51, v53  }
0x142: {  	vm11 =	veq.s32 v18, v10;
	v54 =	vadd.f32 v50, v52;
	v7 =	vnsel vm10, $0x0, v7  }
0x143: {  	v55 =	vnsel vm11, $0x0, v6;
	vm12 =	veq.s32 v24, v10;
	v7 =	vadd.f32 v12, v7  }
0x144: {  	vm13 =	vgt.s32 v18, v9;
	v56 =	vadd.f32 v54, v55;
	v6 =	vnsel vm12, $0x0, v6  }
0x145: {  	v57 =	vnsel vm13, $0x0, v8;
	vm14 =	vgt.s32 v24, v9;
	v6 =	vadd.f32 v7, v6  }
0x146: {  	v59 =	vnsel vm7, $0x0, v5;
	v58 =	vnsel vm14, $0x0, v8;
	v10 =	vadd.f32 v56, v57  }
0x147: {  	vm15 =	veq.s32 v24, v9;
	v7 =	vadd.f32 v20, v48;
	v6 =	vadd.f32 v6, v58  }
0x148: {  	v60 =	vpop (erf);
	v5 =	vnsel vm15, $0x0, v5;
	v61 =	vadd.f32 v10, v59  }
0x149: {  	v62 =	vpop (erf);
	v7 =	vmul.f32 v7, v60;
	v5 =	vadd.f32 v6, v5  }
0x14a: {  	v63 =	vpop (erf);
	v6 =	vmul.f32 v61, v62  }
0x14b: {  	s2 =	sadd.s32 $0x1, s2;
	[tilespmem:s14+$0x800] =	vst v7;
	v5 =	vmul.f32 v5, v63  }
0x14c: {  	p0 =	sne.s32 s2, s7;
	[tilespmem:s15+$0x800] =	vst v6  }
.Ltmp12:
0x14d: {  	[tilespmem:s16+$0x800] =	vst v5;
	(pc) =	sbr.rel @p0 .LBB2_2-.Ltmp12, $4  }
0x14e: {  	[hbm4b:s5+s8] =	stream.strided.scatter [tilespmem:s13], [sflag:$0x1], $0x400, s9, s8, $0x38;
	[tilespmem:$0xC80] =	vst v63  }
0x14f: {  	_ =	swait.ge [sflag:s10], $0x400  }
0x150: {  	[sflag:s10] =	ssyncset.done $0x0  }
0x151: {  	[sflag:s10] =	ssyncadd.s32 $0xFFFFFC00  }
.LBB2_22:
0x152: {  	_ =	sfence.sel $0x180000  }
0x153: {  	[bflag:$0x0] =	sbarrier.arrive $0xFFFF  }
0x154: {  	p0 =	sne.s32 s1, $0x0;
	_ =	strace $0x90000047  }
0x155: {  	s0 =	sadd.s32 @!p0 $0x100000, s0;
	[bflag:$0x2] =	sbarrier.arrive $0xFFFF  }
0x156: {  	[sflag:s0] =	ssyncadd.tile.s32 @!p0 $0x1;
	_ =	shalt  }
.Lfunc_end2:
_tile_overlayer_lowered:
.L_overlay_start_2:
0x157: {  	(tag) =	ssettag $0x2  }
0x158: {  	s0 =	rddreg [dreg:$0x0];
	s2 =	stileid.u32  }
0x159: {  	s1 =	rddreg [dreg:$0x1];
	p0 =	sne.s32 s2, $0x0  }
0x15a: {  	s3 =	rddreg [dreg:$0x2];
	[bflag:$0x3] =	sbarrier.arrive $0xFFFF;
	s2 =	simm.s32 @!p0 $0x1C01  }
0x15b: {  	[timem:s3], [sflag:s2] =	dma.local @!p0 [hbm:s0], s1  }
0x15c: {  	s0 =	simm.s32 @!p0 $0x1  }
0x15d: {  	_ =	swait.ge @!p0 [sflag:s0], s1  }
0x15e: {  	s1 =	ssub.s32 @!p0 $0x0, s1;
	[sflag:s0] =	ssyncset.done @!p0 $0x0  }
0x15f: {  	[sflag:s0] =	ssyncadd.s32 @!p0 s1  }
0x160: {  	[bflag:$0x3] =	sbarrier.arrive $0xFFFF  }
0x161: {  	_ =	shalt  }

</sc_bundles>
